<compile_context>
chip_gen: v7x
topology: tpu7x:2x2x1
jax: 0.10.2.dev20260603
libtpu: 0.0.44.dev20260713+nightly
codegen_flags: <defaults>
</compile_context>

<pallas_src>
import functools
import math

import jax
import jax.numpy as jnp
from jax import lax
from jax.experimental import pallas as pl
from jax.experimental.pallas import tpu as pltpu
from jax.experimental.pallas import tpu_sc as plsc

_N = 100000
_E = 1600000
_H = 64
_B = _N // 5
_NP = 100352
_CH = 25088
_STRIPE = _CH // 16
_EPT = _E // 16
_EB = 4000
_NBLK = _EPT // _EB
_GB = 128
_SELCAP = _EB + _GB
_SPB = math.log(math.e - 1.0)

_PADV = (_N << 15) & 0xFFFFFFFF
if _PADV >= 1 << 31:
    _PADV -= 1 << 32



def _h0_body(x_ref, wt_ref, bt_ref, wj_ref, bj_ref, o_ref):
    pid = pl.program_id(0)
    blk = o_ref.shape[0]
    rid = pid * blk + lax.broadcasted_iota(jnp.int32, (blk, 1), 0)
    xb = x_ref[...]
    ht = jnp.dot(xb, wt_ref[...], preferred_element_type=jnp.float32) + bt_ref[...]
    hj = jnp.dot(xb[:, :4], wj_ref[...], preferred_element_type=jnp.float32) + bj_ref[...]
    h = jnp.where(rid % 5 == 0, ht, hj)
    o_ref[...] = jnp.where(rid < _N, h, 0.0)


def _h0(x_pad, Wt, bt, Wj, bj):
    blk = 2048
    grid = _NP // blk
    return pl.pallas_call(
        _h0_body,
        grid=(grid,),
        in_specs=[
            pl.BlockSpec((blk, 11), lambda i: (i, 0)),
            pl.BlockSpec((11, _H), lambda i: (0, 0)),
            pl.BlockSpec((1, _H), lambda i: (0, 0)),
            pl.BlockSpec((4, _H), lambda i: (0, 0)),
            pl.BlockSpec((1, _H), lambda i: (0, 0)),
        ],
        out_specs=pl.BlockSpec((blk, _H), lambda i: (i, 0)),
        out_shape=jax.ShapeDtypeStruct((_NP, _H), jnp.float32),
    )(x_pad, Wt, bt.reshape(1, _H), Wj, bj.reshape(1, _H))


def _update_body(agg_ref, h_ref, wrel_ref, brel_ref, wroot_ref, o_ref):
    pid = pl.program_id(0)
    blk = o_ref.shape[0]
    rid = pid * blk + lax.broadcasted_iota(jnp.int32, (blk, 1), 0)
    v = (jnp.dot(agg_ref[...], wrel_ref[...], preferred_element_type=jnp.float32)
         + jnp.dot(h_ref[...], wroot_ref[...], preferred_element_type=jnp.float32)
         + brel_ref[...])
    o_ref[...] = jnp.where(rid < _N, jnp.tanh(v), 0.0)


def _update(agg, h, Wrel, brel, Wroot):
    blk = 2048
    grid = _NP // blk
    return pl.pallas_call(
        _update_body,
        grid=(grid,),
        in_specs=[
            pl.BlockSpec((blk, _H), lambda i: (i, 0)),
            pl.BlockSpec((blk, _H), lambda i: (i, 0)),
            pl.BlockSpec((_H, _H), lambda i: (0, 0)),
            pl.BlockSpec((1, _H), lambda i: (0, 0)),
            pl.BlockSpec((_H, _H), lambda i: (0, 0)),
        ],
        out_specs=pl.BlockSpec((blk, _H), lambda i: (i, 0)),
        out_shape=jax.ShapeDtypeStruct((_NP, _H), jnp.float32),
    )(agg, h, Wrel, brel.reshape(1, _H), Wroot)


def _heads_body(jf_ref, w_ref, b_ref, raw_ref, sp_ref):
    raw = jnp.dot(jf_ref[...], w_ref[...], preferred_element_type=jnp.float32) + b_ref[...]
    raw_ref[...] = raw
    sp_ref[...] = jnp.maximum(jax.nn.softplus(raw + _SPB), 1e-4)


def _heads(jf, Wblk, bblk):
    blk = 2000
    grid = _B // blk
    return pl.pallas_call(
        _heads_body,
        grid=(grid,),
        in_specs=[
            pl.BlockSpec((blk, 4 * _H), lambda i: (i, 0)),
            pl.BlockSpec((4 * _H, 16), lambda i: (0, 0)),
            pl.BlockSpec((1, 16), lambda i: (0, 0)),
        ],
        out_specs=[
            pl.BlockSpec((blk, 16), lambda i: (i, 0)),
            pl.BlockSpec((blk, 16), lambda i: (i, 0)),
        ],
        out_shape=[
            jax.ShapeDtypeStruct((_B, 16), jnp.float32),
            jax.ShapeDtypeStruct((_B, 16), jnp.float32),
        ],
    )(jf, Wblk, bblk.reshape(1, 16))



def _scatter_body(h_hbm, edge_hbm, out_hbm,
                  ev, sel_pk, idx_sa, idx_da, idx_sb, idx_db,
                  rows_a, rows_b, chunk_sh, gsem_a, gsem_b):
    c = lax.axis_index("c")
    s = lax.axis_index("s")
    zero16 = jnp.zeros((16,), jnp.float32)

    ebase = s * _EPT
    r0 = s * _STRIPE
    nfull = _STRIPE // _GB
    rem = _STRIPE - nfull * _GB

    def chunk_body(ci, carry):
        chunk = c * 2 + ci
        lo = chunk * _CH

        def zrow(r, cc):
            for t in range(4):
                rows_a[r, pl.ds(t * 16, 16)] = zero16
            return cc
        lax.fori_loop(0, _GB, zrow, 0)

        def zcp(t, cc):
            pltpu.sync_copy(rows_a, chunk_sh.at[pl.ds(r0 + t * _GB, _GB), :])
            return cc
        lax.fori_loop(0, nfull, zcp, 0)
        pltpu.sync_copy(rows_a.at[pl.ds(0, rem), :],
                        chunk_sh.at[pl.ds(r0 + nfull * _GB, rem), :])
        plsc.subcore_barrier()

        def eblk(b, cc):
            eb0 = ebase + b * _EB
            pltpu.sync_copy(edge_hbm.at[:, pl.ds(eb0, _EB)], ev)

            def filt(i, cnt):
                sv = ev[0, pl.ds(i * 16, 16)]
                d = ev[1, pl.ds(i * 16, 16)]
                m = (d >= lo) & (d < lo + _CH)
                packed = (sv << 15) | ((d - lo) & 0x7FFF)
                cs = plsc.cumsum(m.astype(jnp.int32))
                plsc.store_scatter(sel_pk, [cnt + cs - 1], packed, mask=m)
                return cnt + plsc.all_reduce_population_count(m)[0]
            cnt = lax.fori_loop(0, _EB // 16, filt, 0)

            pad_v = jnp.full((16,), _PADV, jnp.int32)
            for t in range(_GB // 16):
                sel_pk[pl.ds(cnt + t * 16, 16)] = pad_v

            nb = (cnt + _GB - 1) // _GB

            def upfire(j, idx_s, idx_d, buf, gsem):
                for t in range(_GB // 16):
                    pk = sel_pk[pl.ds(j * _GB + t * 16, 16)]
                    idx_s[pl.ds(t * 16, 16)] = lax.shift_right_logical(pk, 15)
                    idx_d[pl.ds(t * 16, 16)] = pk & 0x7FFF
                pltpu.async_copy(h_hbm.at[idx_s], buf, gsem)

            def wscat(j, idx_s, idx_d, buf, gsem):
                pltpu.make_async_copy(h_hbm.at[idx_s], buf, gsem).wait()
                pltpu.sync_copy(buf, chunk_sh.at[idx_d], add=True)

            @pl.when(0 < nb)
            def _():
                upfire(0, idx_sa, idx_da, rows_a, gsem_a)

            def pair(k, pc2):
                j0 = 2 * k

                @pl.when(j0 + 1 < nb)
                def _():
                    upfire(j0 + 1, idx_sb, idx_db, rows_b, gsem_b)
                wscat(j0, idx_sa, idx_da, rows_a, gsem_a)

                @pl.when(j0 + 2 < nb)
                def _():
                    upfire(j0 + 2, idx_sa, idx_da, rows_a, gsem_a)

                @pl.when(j0 + 1 < nb)
                def _():
                    wscat(j0 + 1, idx_sb, idx_db, rows_b, gsem_b)
                return pc2
            lax.fori_loop(0, (nb + 1) // 2, pair, 0)
            return cc
        lax.fori_loop(0, _NBLK, eblk, 0)
        plsc.subcore_barrier()

        def dcp(t, cc):
            pltpu.sync_copy(chunk_sh.at[pl.ds(r0 + t * _GB, _GB), :], rows_a)
            pltpu.sync_copy(rows_a, out_hbm.at[pl.ds(lo + r0 + t * _GB, _GB), :])
            return cc
        lax.fori_loop(0, nfull, dcp, 0)
        pltpu.sync_copy(chunk_sh.at[pl.ds(r0 + nfull * _GB, rem), :],
                        rows_a.at[pl.ds(0, rem), :])
        pltpu.sync_copy(rows_a.at[pl.ds(0, rem), :],
                        out_hbm.at[pl.ds(lo + r0 + nfull * _GB, rem), :])
        plsc.subcore_barrier()
        return carry
    lax.fori_loop(0, 2, chunk_body, 0)


_scatter = functools.partial(
    pl.kernel,
    out_type=jax.ShapeDtypeStruct((_NP, _H), jnp.float32),
    mesh=plsc.VectorSubcoreMesh(core_axis_name="c", subcore_axis_name="s"),
    compiler_params=pltpu.CompilerParams(
        needs_layout_passes=False, use_tc_tiling_on_sc=False),
    scratch_types=[
        pltpu.VMEM((2, _EB), jnp.int32),
        pltpu.VMEM((_SELCAP,), jnp.int32),
        pltpu.VMEM((_GB,), jnp.int32),
        pltpu.VMEM((_GB,), jnp.int32),
        pltpu.VMEM((_GB,), jnp.int32),
        pltpu.VMEM((_GB,), jnp.int32),
        pltpu.VMEM((_GB, _H), jnp.float32),
        pltpu.VMEM((_GB, _H), jnp.float32),
        pltpu.VMEM_SHARED((_CH, _H), jnp.float32),
        pltpu.SemaphoreType.DMA,
        pltpu.SemaphoreType.DMA,
    ],
)(_scatter_body)



def kernel(x, edge_index, Wj, bj, Wt, bt, Wrel1, brel1, Wroot1,
           Wrel2, brel2, Wroot2, Wo0, bo0, Wo1, bo1, Wo2, bo2, Wo3, bo3):
    x_pad = jnp.pad(x, ((0, _NP - _N), (0, 0)))
    edge_pair = edge_index

    h = _h0(x_pad, Wt, bt, Wj, bj)
    for Wrel, brel, Wroot in ((Wrel1, brel1, Wroot1), (Wrel2, brel2, Wroot2)):
        agg = _scatter(h, edge_pair)
        h = _update(agg, h, Wrel, brel, Wroot)

    joints = h[:_N].reshape(_B, 5, _H)[:, 1:, :].reshape(_B, 4 * _H)
    Wblk = jnp.zeros((4 * _H, 16), jnp.float32)
    for i, Wo in enumerate((Wo0, Wo1, Wo2, Wo3)):
        Wblk = Wblk.at[i * _H:(i + 1) * _H, i * 4:(i + 1) * 4].set(Wo)
    bblk = jnp.concatenate([bo0, bo1, bo2, bo3])

    raw, sp = _heads(joints, Wblk, bblk)
    raw4 = raw.reshape(_B, 4, 4)
    sp4 = sp.reshape(_B, 4, 4)
    loc = raw4[..., :2].reshape(_B, 8)
    scale = sp4[..., 2:].reshape(_B, 8)
    return (loc, scale)

# --- scband reference (transcript-rebuilt; emitter-appended) ---
"""Pipeline reference for scband-leg-actor-28690381537989 (READ-ONLY COPY).

The authoritative reference and input builder live on the scoring server;
editing this copy changes nothing except your own understanding.
"""

import jax, jax.numpy as jnp
import numpy as np

N = 100000
E = 1600000
H = 64
B = N // 5

TORSO_IDX = np.arange(0, N, 5)
JOINT_IDX = np.setdiff1d(np.arange(N), TORSO_IDX)
SP_BIAS = float(np.log(np.exp(1.0) - 1.0))


def setup_inputs(seed: int = 0) -> dict:
    key = jax.random.key(seed)
    ks = jax.random.split(key, 24)
    x = jax.random.normal(ks[0], (N, 11), dtype=jnp.float32)
    edge_index = jax.random.randint(ks[1], (2, E), 0, N, dtype=jnp.int32)
    s = 0.05
    inp = {
        'x': x,
        'edge_index': edge_index,
        'Wj': jax.random.normal(ks[2], (4, H), dtype=jnp.float32) * s,
        'bj': jax.random.normal(ks[3], (H,), dtype=jnp.float32) * s,
        'Wt': jax.random.normal(ks[4], (11, H), dtype=jnp.float32) * s,
        'bt': jax.random.normal(ks[5], (H,), dtype=jnp.float32) * s,
        'Wrel1': jax.random.normal(ks[6], (H, H), dtype=jnp.float32) * s,
        'brel1': jax.random.normal(ks[7], (H,), dtype=jnp.float32) * s,
        'Wroot1': jax.random.normal(ks[8], (H, H), dtype=jnp.float32) * s,
        'Wrel2': jax.random.normal(ks[9], (H, H), dtype=jnp.float32) * s,
        'brel2': jax.random.normal(ks[10], (H,), dtype=jnp.float32) * s,
        'Wroot2': jax.random.normal(ks[11], (H, H), dtype=jnp.float32) * s,
        'Wo0': jax.random.normal(ks[12], (H, 4), dtype=jnp.float32) * s,
        'bo0': jax.random.normal(ks[13], (4,), dtype=jnp.float32) * s,
        'Wo1': jax.random.normal(ks[14], (H, 4), dtype=jnp.float32) * s,
        'bo1': jax.random.normal(ks[15], (4,), dtype=jnp.float32) * s,
        'Wo2': jax.random.normal(ks[16], (H, 4), dtype=jnp.float32) * s,
        'bo2': jax.random.normal(ks[17], (4,), dtype=jnp.float32) * s,
        'Wo3': jax.random.normal(ks[18], (H, 4), dtype=jnp.float32) * s,
        'bo3': jax.random.normal(ks[19], (4,), dtype=jnp.float32) * s,
    }
    return inp


def _graph_conv(h, src, dst, Wrel, brel, Wroot):
    # PyG GraphConv(aggr='add'): out = lin_rel(sum_{j->i} h_j) + lin_root(h_i)
    agg = jnp.zeros_like(h).at[dst].add(h[src])
    return agg @ Wrel + brel + h @ Wroot


def reference(x, edge_index, Wj, bj, Wt, bt, Wrel1, brel1, Wroot1, Wrel2, brel2, Wroot2, Wo0, bo0, Wo1, bo1, Wo2, bo2, Wo3, bo3):
    torso_idx = jnp.asarray(TORSO_IDX)
    joint_idx = jnp.asarray(JOINT_IDX)
    h_torso = x[torso_idx] @ Wt + bt
    h_joint = x[joint_idx][:, :4] @ Wj + bj
    h = jnp.zeros((N, H), dtype=x.dtype)
    h = h.at[torso_idx].set(h_torso)
    h = h.at[joint_idx].set(h_joint)
    src = edge_index[0]
    dst = edge_index[1]
    h = jnp.tanh(_graph_conv(h, src, dst, Wrel1, brel1, Wroot1))
    h = jnp.tanh(_graph_conv(h, src, dst, Wrel2, brel2, Wroot2))
    joints = h[joint_idx].reshape(B, 4, H)
    Wo = [Wo0, Wo1, Wo2, Wo3]
    bo = [bo0, bo1, bo2, bo3]
    outs = [joints[:, i, :] @ Wo[i] + bo[i] for i in range(4)]
    out = jnp.stack(outs, axis=1)  # (B, 4, 4)
    loc = out[..., :2]
    scale = jnp.maximum(jax.nn.softplus(out[..., 2:] + SP_BIAS), 1e-4)
    loc = loc.reshape(B, -1)
    scale = scale.reshape(B, -1)
    return (loc, scale)

if __name__ == "__main__":
    import jax
    _d = setup_inputs()
    print(jax.jit(kernel)(*tuple(_d.values())))

</pallas_src>

<mosaic_0001>
#map = affine_map<(d0, d1) -> (0, 0)>
module attributes {stable_mosaic.version = 14 : i64} {
  func.func @_scatter_body(%arg0: i32, %arg1: i32, %arg2: memref<100352x64xf32, #tpu.memory_space<hbm>>, %arg3: memref<2x1600000xi32, #tpu.memory_space<hbm>>, %arg4: memref<100352x64xf32, #tpu.memory_space<hbm>>, %arg5: memref<2x4000xi32, #tpu.memory_space<vmem>>, %arg6: memref<4128xi32, #tpu.memory_space<vmem>>, %arg7: memref<128xi32, #tpu.memory_space<vmem>>, %arg8: memref<128xi32, #tpu.memory_space<vmem>>, %arg9: memref<128xi32, #tpu.memory_space<vmem>>, %arg10: memref<128xi32, #tpu.memory_space<vmem>>, %arg11: memref<128x64xf32, #tpu.memory_space<vmem>>, %arg12: memref<128x64xf32, #tpu.memory_space<vmem>>, %arg13: memref<25088x64xf32, #tpu.memory_space<vmem_shared>>, %arg14: memref<!tpu.dma_semaphore, #tpu.memory_space<semaphore_mem>>, %arg15: memref<!tpu.dma_semaphore, #tpu.memory_space<semaphore_mem>>) attributes {dimension_semantics = [#tpu.dimension_semantics<core_parallel>, #tpu.dimension_semantics<subcore_parallel>], iteration_bounds = array<i64: 2, 16>, scalar_prefetch = 0 : i64, scratch_operands = 11 : i64, tpu.core_type = #tpu.core_type<sc_vector_subcore>, window_params = [{transform_indices = #map}, {transform_indices = #map}, {transform_indices = #map}]} {
    %broadcast_in_dim3A = arith.constant 0.000000e+00 : f32
    %broadcast_in_dim3A_0 = vector.broadcast %broadcast_in_dim3A : f32 to vector<16xf32>
    %mul3A = arith.constant 100000 : i32
    %mul3A_1 = arith.muli %arg1, %mul3A : i32
    %mul3A_2 = arith.constant 1568 : i32
    %mul3A_3 = arith.muli %arg1, %mul3A_2 : i32
    %scan3A = arith.constant 0 : i32
    %scan3A_4 = arith.constant 0 : i32
    %scan3A_5 = arith.constant 2 : i32
    %scan3A_6 = arith.addi %scan3A_4, %scan3A_5 : i32
    %scan3A_7 = arith.constant 1 : i32
    scf.for %scan3A_9 = %scan3A_4 to %scan3A_6 step %scan3A_7  : i32 {
      %mul3A_10 = arith.constant 2 : i32
      %mul3A_11 = arith.muli %arg0, %mul3A_10 : i32
      %add3A = arith.addi %mul3A_11, %scan3A_9 : i32
      %mul3A_12 = arith.constant 25088 : i32
      %mul3A_13 = arith.muli %add3A, %mul3A_12 : i32
      %scan3A_14 = arith.constant 0 : i32
      %scan3A_15 = arith.constant 0 : i32
      %scan3A_16 = arith.constant 128 : i32
      %scan3A_17 = arith.addi %scan3A_15, %scan3A_16 : i32
      %scan3A_18 = arith.constant 1 : i32
      scf.for %scan3A_47 = %scan3A_15 to %scan3A_17 step %scan3A_18  : i32 {
        %swap3A = arith.index_cast %scan3A_47 : i32 to index
        %swap3A_48 = arith.constant 0 : index
        %swap3A_49 = tpu.vector_load %arg11[%swap3A, %swap3A_48] {strides = array<i32>} : memref<128x64xf32, #tpu.memory_space<vmem>>, vector<16xf32>,
        tpu.vector_store %arg11[%swap3A, %swap3A_48], %broadcast_in_dim3A_0 {strides = array<i32>} : memref<128x64xf32, #tpu.memory_space<vmem>>, vector<16xf32>,
        %swap3A_50 = arith.index_cast %scan3A_47 : i32 to index
        %swap3A_51 = arith.constant 16 : index
        %swap3A_52 = tpu.vector_load %arg11[%swap3A_50, %swap3A_51] {strides = array<i32>} : memref<128x64xf32, #tpu.memory_space<vmem>>, vector<16xf32>,
        tpu.vector_store %arg11[%swap3A_50, %swap3A_51], %broadcast_in_dim3A_0 {strides = array<i32>} : memref<128x64xf32, #tpu.memory_space<vmem>>, vector<16xf32>,
        %swap3A_53 = arith.index_cast %scan3A_47 : i32 to index
        %swap3A_54 = arith.constant 32 : index
        %swap3A_55 = tpu.vector_load %arg11[%swap3A_53, %swap3A_54] {strides = array<i32>} : memref<128x64xf32, #tpu.memory_space<vmem>>, vector<16xf32>,
        tpu.vector_store %arg11[%swap3A_53, %swap3A_54], %broadcast_in_dim3A_0 {strides = array<i32>} : memref<128x64xf32, #tpu.memory_space<vmem>>, vector<16xf32>,
        %swap3A_56 = arith.index_cast %scan3A_47 : i32 to index
        %swap3A_57 = arith.constant 48 : index
        %swap3A_58 = tpu.vector_load %arg11[%swap3A_56, %swap3A_57] {strides = array<i32>} : memref<128x64xf32, #tpu.memory_space<vmem>>, vector<16xf32>,
        tpu.vector_store %arg11[%swap3A_56, %swap3A_57], %broadcast_in_dim3A_0 {strides = array<i32>} : memref<128x64xf32, #tpu.memory_space<vmem>>, vector<16xf32>,
      }
      %scan3A_19 = arith.constant 128 : i32
      %scan3A_20 = arith.constant 0 : i32
      %scan3A_21 = arith.constant 0 : i32
      %scan3A_22 = arith.constant 12 : i32
      %scan3A_23 = arith.addi %scan3A_21, %scan3A_22 : i32
      %scan3A_24 = arith.constant 1 : i32
      scf.for %scan3A_47 = %scan3A_21 to %scan3A_23 step %scan3A_24  : i32 {
        %mul3A_48 = arith.constant 128 : i32
        %mul3A_49 = arith.muli %scan3A_47, %mul3A_48 : i32
        %add3A_50 = arith.addi %mul3A_3, %mul3A_49 : i32
        "tpu.region"() ({
          %run_scoped3A = tpu.sem_alloc : memref<!tpu.dma_semaphore, #tpu.memory_space<semaphore_mem>>
          %dma_start3A = arith.constant 0 : i32
          %dma_start3A_51 = tpu.memref_slice %arg13[%add3A_50, %dma_start3A] : memref<25088x64xf32, #tpu.memory_space<vmem_shared>> -> memref<128x64xf32, #tpu.memory_space<vmem_shared>>
          %dma_start3A_52 = arith.constant 0 : i32
          %dma_start3A_53 = tpu.memref_slice %arg13[%add3A_50, %dma_start3A_52] : memref<25088x64xf32, #tpu.memory_space<vmem_shared>> -> memref<128x64xf32, #tpu.memory_space<vmem_shared>>
          tpu.enqueue_dma source(%arg11 : memref<128x64xf32, #tpu.memory_space<vmem>>) target(%dma_start3A_53 : memref<128x64xf32, #tpu.memory_space<vmem_shared>>) target_semaphore(%run_scoped3A : memref<!tpu.dma_semaphore, #tpu.memory_space<semaphore_mem>>)
          %dma_wait3A = arith.constant 0 : i32
          %dma_wait3A_54 = tpu.memref_slice %arg13[%add3A_50, %dma_wait3A] : memref<25088x64xf32, #tpu.memory_space<vmem_shared>> -> memref<128x64xf32, #tpu.memory_space<vmem_shared>>
          %dma_wait3A_55 = arith.constant 0 : i32
          %dma_wait3A_56 = tpu.memref_slice %arg13[%add3A_50, %dma_wait3A_55] : memref<25088x64xf32, #tpu.memory_space<vmem_shared>> -> memref<128x64xf32, #tpu.memory_space<vmem_shared>>
          tpu.wait_dma2 semaphore(%run_scoped3A : memref<!tpu.dma_semaphore, #tpu.memory_space<semaphore_mem>>) src(%arg11 : memref<128x64xf32, #tpu.memory_space<vmem>>) dst(%dma_wait3A_56 : memref<128x64xf32, #tpu.memory_space<vmem_shared>>)
          tpu.yield
        }) : () -> ()
      }
      %scan3A_25 = arith.constant 12 : i32
      %add3A_26 = arith.constant 1536 : i32
      %add3A_27 = arith.addi %mul3A_3, %add3A_26 : i32
      "tpu.region"() ({
        %run_scoped3A = tpu.sem_alloc : memref<!tpu.dma_semaphore, #tpu.memory_space<semaphore_mem>>
        %dma_start3A = arith.constant 0 : i32
        %dma_start3A_47 = arith.constant 0 : i32
        %dma_start3A_48 = tpu.memref_slice %arg11[%dma_start3A, %dma_start3A_47] : memref<128x64xf32, #tpu.memory_space<vmem>> -> memref<32x64xf32, #tpu.memory_space<vmem>>
        %dma_start3A_49 = arith.constant 0 : i32
        %dma_start3A_50 = tpu.memref_slice %arg13[%add3A_27, %dma_start3A_49] : memref<25088x64xf32, #tpu.memory_space<vmem_shared>> -> memref<32x64xf32, #tpu.memory_space<vmem_shared>>
        %dma_start3A_51 = arith.constant 0 : i32
        %dma_start3A_52 = tpu.memref_slice %arg13[%add3A_27, %dma_start3A_51] : memref<25088x64xf32, #tpu.memory_space<vmem_shared>> -> memref<32x64xf32, #tpu.memory_space<vmem_shared>>
        %dma_start3A_53 = arith.constant 0 : i32
        %dma_start3A_54 = arith.constant 0 : i32
        %dma_start3A_55 = tpu.memref_slice %arg11[%dma_start3A_53, %dma_start3A_54] : memref<128x64xf32, #tpu.memory_space<vmem>> -> memref<32x64xf32, #tpu.memory_space<vmem>>
        tpu.enqueue_dma source(%dma_start3A_55 : memref<32x64xf32, #tpu.memory_space<vmem>>) target(%dma_start3A_52 : memref<32x64xf32, #tpu.memory_space<vmem_shared>>) target_semaphore(%run_scoped3A : memref<!tpu.dma_semaphore, #tpu.memory_space<semaphore_mem>>)
        %dma_wait3A = arith.constant 0 : i32
        %dma_wait3A_56 = arith.constant 0 : i32
        %dma_wait3A_57 = tpu.memref_slice %arg11[%dma_wait3A, %dma_wait3A_56] : memref<128x64xf32, #tpu.memory_space<vmem>> -> memref<32x64xf32, #tpu.memory_space<vmem>>
        %dma_wait3A_58 = arith.constant 0 : i32
        %dma_wait3A_59 = tpu.memref_slice %arg13[%add3A_27, %dma_wait3A_58] : memref<25088x64xf32, #tpu.memory_space<vmem_shared>> -> memref<32x64xf32, #tpu.memory_space<vmem_shared>>
        %dma_wait3A_60 = arith.constant 0 : i32
        %dma_wait3A_61 = tpu.memref_slice %arg13[%add3A_27, %dma_wait3A_60] : memref<25088x64xf32, #tpu.memory_space<vmem_shared>> -> memref<32x64xf32, #tpu.memory_space<vmem_shared>>
        %dma_wait3A_62 = arith.constant 0 : i32
        %dma_wait3A_63 = arith.constant 0 : i32
        %dma_wait3A_64 = tpu.memref_slice %arg11[%dma_wait3A_62, %dma_wait3A_63] : memref<128x64xf32, #tpu.memory_space<vmem>> -> memref<32x64xf32, #tpu.memory_space<vmem>>
        tpu.wait_dma2 semaphore(%run_scoped3A : memref<!tpu.dma_semaphore, #tpu.memory_space<semaphore_mem>>) src(%dma_wait3A_64 : memref<32x64xf32, #tpu.memory_space<vmem>>) dst(%dma_wait3A_61 : memref<32x64xf32, #tpu.memory_space<vmem_shared>>)
        tpu.yield
      }) : () -> ()
      %barrier3A = arith.constant 0 : index
      tpu.barrier barrier_id(%barrier3A)
      %scan3A_28 = arith.constant 0 : i32
      %scan3A_29 = arith.constant 0 : i32
      %scan3A_30 = arith.constant 25 : i32
      %scan3A_31 = arith.addi %scan3A_29, %scan3A_30 : i32
      %scan3A_32 = arith.constant 1 : i32
      scf.for %scan3A_47 = %scan3A_29 to %scan3A_31 step %scan3A_32  : i32 {
        %mul3A_48 = arith.constant 4000 : i32
        %mul3A_49 = arith.muli %scan3A_47, %mul3A_48 : i32
        %add3A_50 = arith.addi %mul3A_1, %mul3A_49 : i32
        "tpu.region"() ({
          %run_scoped3A = tpu.sem_alloc : memref<!tpu.dma_semaphore, #tpu.memory_space<semaphore_mem>>
          %dma_start3A = arith.constant 0 : i32
          %dma_start3A_148 = tpu.memref_slice %arg3[%dma_start3A, %add3A_50] : memref<2x1600000xi32, #tpu.memory_space<hbm>> -> memref<2x4000xi32, #tpu.memory_space<hbm>>
          %dma_start3A_149 = arith.constant 0 : i32
          %dma_start3A_150 = tpu.memref_slice %arg3[%dma_start3A_149, %add3A_50] : memref<2x1600000xi32, #tpu.memory_space<hbm>> -> memref<2x4000xi32, #tpu.memory_space<hbm>>
          tpu.enqueue_dma source(%dma_start3A_150 : memref<2x4000xi32, #tpu.memory_space<hbm>>) target(%arg5 : memref<2x4000xi32, #tpu.memory_space<vmem>>) target_semaphore(%run_scoped3A : memref<!tpu.dma_semaphore, #tpu.memory_space<semaphore_mem>>)
          %dma_wait3A = arith.constant 0 : i32
          %dma_wait3A_151 = tpu.memref_slice %arg3[%dma_wait3A, %add3A_50] : memref<2x1600000xi32, #tpu.memory_space<hbm>> -> memref<2x4000xi32, #tpu.memory_space<hbm>>
          %dma_wait3A_152 = arith.constant 0 : i32
          %dma_wait3A_153 = tpu.memref_slice %arg3[%dma_wait3A_152, %add3A_50] : memref<2x1600000xi32, #tpu.memory_space<hbm>> -> memref<2x4000xi32, #tpu.memory_space<hbm>>
          tpu.wait_dma2 semaphore(%run_scoped3A : memref<!tpu.dma_semaphore, #tpu.memory_space<semaphore_mem>>) src(%dma_wait3A_153 : memref<2x4000xi32, #tpu.memory_space<hbm>>) dst(%arg5 : memref<2x4000xi32, #tpu.memory_space<vmem>>)
          tpu.yield
        }) : () -> ()
        %scan3A_51 = arith.constant 0 : i32
        %scan3A_52 = arith.constant 0 : i32
        %scan3A_53 = arith.constant 250 : i32
        %scan3A_54 = arith.addi %scan3A_52, %scan3A_53 : i32
        %scan3A_55 = arith.constant 1 : i32
        %scan3A_56 = scf.for %scan3A_148 = %scan3A_52 to %scan3A_54 step %scan3A_55 iter_args(%scan3A_149 = %scan3A_51) -> (i32)  : i32 {
          %mul3A_150 = arith.constant 16 : i32
          %mul3A_151 = arith.muli %scan3A_148, %mul3A_150 : i32
          %get3A = arith.constant 0 : i32
          %get3A_152 = arith.index_cast %get3A : i32 to index
          %get3A_153 = arith.index_cast %mul3A_151 : i32 to index
          %get3A_154 = tpu.vector_load %arg5[%get3A_152, %get3A_153] {strides = array<i32>} : memref<2x4000xi32, #tpu.memory_space<vmem>>, vector<16xi32>,
          %mul3A_155 = arith.constant 16 : i32
          %mul3A_156 = arith.muli %scan3A_148, %mul3A_155 : i32
          %get3A_157 = arith.constant 1 : i32
          %get3A_158 = arith.index_cast %get3A_157 : i32 to index
          %get3A_159 = arith.index_cast %mul3A_156 : i32 to index
          %get3A_160 = tpu.vector_load %arg5[%get3A_158, %get3A_159] {strides = array<i32>} : memref<2x4000xi32, #tpu.memory_space<vmem>>, vector<16xi32>,
          %ge3A = vector.broadcast %mul3A_13 : i32 to vector<16xi32>
          %ge3A_161 = arith.cmpi sge, %get3A_160, %ge3A : vector<16xi32>
          %add3A_162 = arith.constant 25088 : i32
          %add3A_163 = arith.addi %mul3A_13, %add3A_162 : i32
          %lt3A = vector.broadcast %add3A_163 : i32 to vector<16xi32>
          %lt3A_164 = arith.cmpi slt, %get3A_160, %lt3A : vector<16xi32>
          %and3A_165 = arith.andi %ge3A_161, %lt3A_164 : vector<16xi1>
          %shift_left3A = arith.constant 15 : i32
          %shift_left3A_166 = vector.broadcast %shift_left3A : i32 to vector<16xi32>
          %shift_left3A_167 = arith.shli %get3A_154, %shift_left3A_166 : vector<16xi32>
          %sub3A_168 = vector.broadcast %mul3A_13 : i32 to vector<16xi32>
          %sub3A_169 = arith.subi %get3A_160, %sub3A_168 : vector<16xi32>
          %and3A_170 = arith.constant 32767 : i32
          %and3A_171 = vector.broadcast %and3A_170 : i32 to vector<16xi32>
          %and3A_172 = arith.andi %sub3A_169, %and3A_171 : vector<16xi32>
          %or3A = arith.ori %shift_left3A_167, %and3A_172 : vector<16xi32>
          %convert_element_type3A_173 = arith.extui %and3A_165 : vector<16xi1> to vector<16xi32>
          %broadcast_in_dim3A_174 = arith.constant true
          %broadcast_in_dim3A_175 = vector.broadcast %broadcast_in_dim3A_174 : i1 to vector<16xi1>
          %masked_cumsum3A = tpu.scan <sum>, %convert_element_type3A_173 masked %broadcast_in_dim3A_175 : vector<16xi32>, vector<16xi1> -> vector<16xi32>
          %add3A_176 = vector.broadcast %scan3A_149 : i32 to vector<16xi32>
          %add3A_177 = arith.addi %add3A_176, %masked_cumsum3A : vector<16xi32>
          %sub3A_178 = arith.constant 1 : i32
          %sub3A_179 = vector.broadcast %sub3A_178 : i32 to vector<16xi32>
          %sub3A_180 = arith.subi %add3A_177, %sub3A_179 : vector<16xi32>
          tpu.vector_store_idx %arg6[%sub3A_180], %or3A masked %and3A_165 : memref<4128xi32, #tpu.memory_space<vmem>>[vector<16xi32>], vector<16xi32>, vector<16xi1>
          %all_reduce_population_count3A = tpu.all_reduce %and3A_165 {dim = 0 : i64, kind = #tpu.reduction_kind<sum>} : vector<16xi1> -> vector<16xi32>
          %slice3A = vector.extract_strided_slice %all_reduce_population_count3A {offsets = [0], sizes = [1], strides = [1]} : vector<16xi32> to vector<1xi32>
          %squeeze3A = vector.extract %slice3A[0] : i32 from vector<1xi32>
          %add3A_181 = arith.addi %scan3A_149, %squeeze3A : i32
          scf.yield %add3A_181 : i32
        }
        %scan3A_57 = arith.constant 250 : i32
        %broadcast_in_dim3A_58 = arith.constant -1018167296 : i32
        %broadcast_in_dim3A_59 = vector.broadcast %broadcast_in_dim3A_58 : i32 to vector<16xi32>
        %add3A_60 = arith.constant 0 : i32
        %add3A_61 = arith.addi %scan3A_56, %add3A_60 : i32
        %swap3A = arith.index_cast %add3A_61 : i32 to index
        %swap3A_62 = tpu.vector_load %arg6[%swap3A] {strides = array<i32>} : memref<4128xi32, #tpu.memory_space<vmem>>, vector<16xi32>,
        tpu.vector_store %arg6[%swap3A], %broadcast_in_dim3A_59 {strides = array<i32>} : memref<4128xi32, #tpu.memory_space<vmem>>, vector<16xi32>,
        %add3A_63 = arith.constant 16 : i32
        %add3A_64 = arith.addi %scan3A_56, %add3A_63 : i32
        %swap3A_65 = arith.index_cast %add3A_64 : i32 to index
        %swap3A_66 = tpu.vector_load %arg6[%swap3A_65] {strides = array<i32>} : memref<4128xi32, #tpu.memory_space<vmem>>, vector<16xi32>,
        tpu.vector_store %arg6[%swap3A_65], %broadcast_in_dim3A_59 {strides = array<i32>} : memref<4128xi32, #tpu.memory_space<vmem>>, vector<16xi32>,
        %add3A_67 = arith.constant 32 : i32
        %add3A_68 = arith.addi %scan3A_56, %add3A_67 : i32
        %swap3A_69 = arith.index_cast %add3A_68 : i32 to index
        %swap3A_70 = tpu.vector_load %arg6[%swap3A_69] {strides = array<i32>} : memref<4128xi32, #tpu.memory_space<vmem>>, vector<16xi32>,
        tpu.vector_store %arg6[%swap3A_69], %broadcast_in_dim3A_59 {strides = array<i32>} : memref<4128xi32, #tpu.memory_space<vmem>>, vector<16xi32>,
        %add3A_71 = arith.constant 48 : i32
        %add3A_72 = arith.addi %scan3A_56, %add3A_71 : i32
        %swap3A_73 = arith.index_cast %add3A_72 : i32 to index
        %swap3A_74 = tpu.vector_load %arg6[%swap3A_73] {strides = array<i32>} : memref<4128xi32, #tpu.memory_space<vmem>>, vector<16xi32>,
        tpu.vector_store %arg6[%swap3A_73], %broadcast_in_dim3A_59 {strides = array<i32>} : memref<4128xi32, #tpu.memory_space<vmem>>, vector<16xi32>,
        %add3A_75 = arith.constant 64 : i32
        %add3A_76 = arith.addi %scan3A_56, %add3A_75 : i32
        %swap3A_77 = arith.index_cast %add3A_76 : i32 to index
        %swap3A_78 = tpu.vector_load %arg6[%swap3A_77] {strides = array<i32>} : memref<4128xi32, #tpu.memory_space<vmem>>, vector<16xi32>,
        tpu.vector_store %arg6[%swap3A_77], %broadcast_in_dim3A_59 {strides = array<i32>} : memref<4128xi32, #tpu.memory_space<vmem>>, vector<16xi32>,
        %add3A_79 = arith.constant 80 : i32
        %add3A_80 = arith.addi %scan3A_56, %add3A_79 : i32
        %swap3A_81 = arith.index_cast %add3A_80 : i32 to index
        %swap3A_82 = tpu.vector_load %arg6[%swap3A_81] {strides = array<i32>} : memref<4128xi32, #tpu.memory_space<vmem>>, vector<16xi32>,
        tpu.vector_store %arg6[%swap3A_81], %broadcast_in_dim3A_59 {strides = array<i32>} : memref<4128xi32, #tpu.memory_space<vmem>>, vector<16xi32>,
        %add3A_83 = arith.constant 96 : i32
        %add3A_84 = arith.addi %scan3A_56, %add3A_83 : i32
        %swap3A_85 = arith.index_cast %add3A_84 : i32 to index
        %swap3A_86 = tpu.vector_load %arg6[%swap3A_85] {strides = array<i32>} : memref<4128xi32, #tpu.memory_space<vmem>>, vector<16xi32>,
        tpu.vector_store %arg6[%swap3A_85], %broadcast_in_dim3A_59 {strides = array<i32>} : memref<4128xi32, #tpu.memory_space<vmem>>, vector<16xi32>,
        %add3A_87 = arith.constant 112 : i32
        %add3A_88 = arith.addi %scan3A_56, %add3A_87 : i32
        %swap3A_89 = arith.index_cast %add3A_88 : i32 to index
        %swap3A_90 = tpu.vector_load %arg6[%swap3A_89] {strides = array<i32>} : memref<4128xi32, #tpu.memory_space<vmem>>, vector<16xi32>,
        tpu.vector_store %arg6[%swap3A_89], %broadcast_in_dim3A_59 {strides = array<i32>} : memref<4128xi32, #tpu.memory_space<vmem>>, vector<16xi32>,
        %add3A_91 = arith.constant 128 : i32
        %add3A_92 = arith.addi %scan3A_56, %add3A_91 : i32
        %sub3A = arith.constant 1 : i32
        %sub3A_93 = arith.subi %add3A_92, %sub3A : i32
        %jit3A = arith.constant 128 : i32
        %div3A = arith.divsi %sub3A_93, %jit3A : i32
        %sign3A = arith.constant 0 : i32
        %sign3A_94 = arith.cmpi sgt, %sub3A_93, %sign3A : i32
        %sign3A_95 = arith.extui %sign3A_94 : i1 to i32
        %sign3A_96 = arith.constant 0 : i32
        %sign3A_97 = arith.cmpi slt, %sub3A_93, %sign3A_96 : i32
        %sign3A_98 = arith.extui %sign3A_97 : i1 to i32
        %sign3A_99 = arith.subi %sign3A_95, %sign3A_98 : i32
        %sign3A_100 = arith.constant 0 : i32
        %sign3A_101 = arith.cmpi sgt, %jit3A, %sign3A_100 : i32
        %sign3A_102 = arith.extui %sign3A_101 : i1 to i32
        %sign3A_103 = arith.constant 0 : i32
        %sign3A_104 = arith.cmpi slt, %jit3A, %sign3A_103 : i32
        %sign3A_105 = arith.extui %sign3A_104 : i1 to i32
        %sign3A_106 = arith.subi %sign3A_102, %sign3A_105 : i32
        %ne3A = arith.cmpi ne, %sign3A_99, %sign3A_106 : i32
        %rem3A = arith.remsi %sub3A_93, %jit3A : i32
        %ne3A_107 = arith.constant 0 : i32
        %ne3A_108 = arith.cmpi ne, %rem3A, %ne3A_107 : i32
        %and3A = arith.andi %ne3A, %ne3A_108 : i1
        %sub3A_109 = arith.constant 1 : i32
        %sub3A_110 = arith.subi %div3A, %sub3A_109 : i32
        %select_n3A = arith.select %and3A, %sub3A_110, %div3A : i32
        %gt3A = arith.constant 0 : i32
        %gt3A_111 = arith.cmpi sgt, %select_n3A, %gt3A : i32
        %convert_element_type3A = arith.extui %gt3A_111 : i1 to i32
        %cond3A = arith.constant 0 : i32
        %cond3A_112 = arith.cmpi ne, %convert_element_type3A, %cond3A : i32
        scf.if %cond3A_112 {
          %get3A = arith.constant 0 : index
          %get3A_148 = tpu.vector_load %arg6[%get3A] {strides = array<i32>} : memref<4128xi32, #tpu.memory_space<vmem>>, vector<16xi32>,
          %shift_right_logical3A = arith.constant 15 : i32
          %shift_right_logical3A_149 = vector.broadcast %shift_right_logical3A : i32 to vector<16xi32>
          %shift_right_logical3A_150 = arith.shrui %get3A_148, %shift_right_logical3A_149 : vector<16xi32>
          %swap3A_151 = arith.constant 0 : index
          %swap3A_152 = tpu.vector_load %arg7[%swap3A_151] {strides = array<i32>} : memref<128xi32, #tpu.memory_space<vmem>>, vector<16xi32>,
          tpu.vector_store %arg7[%swap3A_151], %shift_right_logical3A_150 {strides = array<i32>} : memref<128xi32, #tpu.memory_space<vmem>>, vector<16xi32>,
          %and3A_153 = arith.constant 32767 : i32
          %and3A_154 = vector.broadcast %and3A_153 : i32 to vector<16xi32>
          %and3A_155 = arith.andi %get3A_148, %and3A_154 : vector<16xi32>
          %swap3A_156 = arith.constant 0 : index
          %swap3A_157 = tpu.vector_load %arg8[%swap3A_156] {strides = array<i32>} : memref<128xi32, #tpu.memory_space<vmem>>, vector<16xi32>,
          tpu.vector_store %arg8[%swap3A_156], %and3A_155 {strides = array<i32>} : memref<128xi32, #tpu.memory_space<vmem>>, vector<16xi32>,
          %get3A_158 = arith.constant 16 : index
          %get3A_159 = tpu.vector_load %arg6[%get3A_158] {strides = array<i32>} : memref<4128xi32, #tpu.memory_space<vmem>>, vector<16xi32>,
          %shift_right_logical3A_160 = arith.constant 15 : i32
          %shift_right_logical3A_161 = vector.broadcast %shift_right_logical3A_160 : i32 to vector<16xi32>
          %shift_right_logical3A_162 = arith.shrui %get3A_159, %shift_right_logical3A_161 : vector<16xi32>
          %swap3A_163 = arith.constant 16 : index
          %swap3A_164 = tpu.vector_load %arg7[%swap3A_163] {strides = array<i32>} : memref<128xi32, #tpu.memory_space<vmem>>, vector<16xi32>,
          tpu.vector_store %arg7[%swap3A_163], %shift_right_logical3A_162 {strides = array<i32>} : memref<128xi32, #tpu.memory_space<vmem>>, vector<16xi32>,
          %and3A_165 = arith.constant 32767 : i32
          %and3A_166 = vector.broadcast %and3A_165 : i32 to vector<16xi32>
          %and3A_167 = arith.andi %get3A_159, %and3A_166 : vector<16xi32>
          %swap3A_168 = arith.constant 16 : index
          %swap3A_169 = tpu.vector_load %arg8[%swap3A_168] {strides = array<i32>} : memref<128xi32, #tpu.memory_space<vmem>>, vector<16xi32>,
          tpu.vector_store %arg8[%swap3A_168], %and3A_167 {strides = array<i32>} : memref<128xi32, #tpu.memory_space<vmem>>, vector<16xi32>,
          %get3A_170 = arith.constant 32 : index
          %get3A_171 = tpu.vector_load %arg6[%get3A_170] {strides = array<i32>} : memref<4128xi32, #tpu.memory_space<vmem>>, vector<16xi32>,
          %shift_right_logical3A_172 = arith.constant 15 : i32
          %shift_right_logical3A_173 = vector.broadcast %shift_right_logical3A_172 : i32 to vector<16xi32>
          %shift_right_logical3A_174 = arith.shrui %get3A_171, %shift_right_logical3A_173 : vector<16xi32>
          %swap3A_175 = arith.constant 32 : index
          %swap3A_176 = tpu.vector_load %arg7[%swap3A_175] {strides = array<i32>} : memref<128xi32, #tpu.memory_space<vmem>>, vector<16xi32>,
          tpu.vector_store %arg7[%swap3A_175], %shift_right_logical3A_174 {strides = array<i32>} : memref<128xi32, #tpu.memory_space<vmem>>, vector<16xi32>,
          %and3A_177 = arith.constant 32767 : i32
          %and3A_178 = vector.broadcast %and3A_177 : i32 to vector<16xi32>
          %and3A_179 = arith.andi %get3A_171, %and3A_178 : vector<16xi32>
          %swap3A_180 = arith.constant 32 : index
          %swap3A_181 = tpu.vector_load %arg8[%swap3A_180] {strides = array<i32>} : memref<128xi32, #tpu.memory_space<vmem>>, vector<16xi32>,
          tpu.vector_store %arg8[%swap3A_180], %and3A_179 {strides = array<i32>} : memref<128xi32, #tpu.memory_space<vmem>>, vector<16xi32>,
          %get3A_182 = arith.constant 48 : index
          %get3A_183 = tpu.vector_load %arg6[%get3A_182] {strides = array<i32>} : memref<4128xi32, #tpu.memory_space<vmem>>, vector<16xi32>,
          %shift_right_logical3A_184 = arith.constant 15 : i32
          %shift_right_logical3A_185 = vector.broadcast %shift_right_logical3A_184 : i32 to vector<16xi32>
          %shift_right_logical3A_186 = arith.shrui %get3A_183, %shift_right_logical3A_185 : vector<16xi32>
          %swap3A_187 = arith.constant 48 : index
          %swap3A_188 = tpu.vector_load %arg7[%swap3A_187] {strides = array<i32>} : memref<128xi32, #tpu.memory_space<vmem>>, vector<16xi32>,
          tpu.vector_store %arg7[%swap3A_187], %shift_right_logical3A_186 {strides = array<i32>} : memref<128xi32, #tpu.memory_space<vmem>>, vector<16xi32>,
          %and3A_189 = arith.constant 32767 : i32
          %and3A_190 = vector.broadcast %and3A_189 : i32 to vector<16xi32>
          %and3A_191 = arith.andi %get3A_183, %and3A_190 : vector<16xi32>
          %swap3A_192 = arith.constant 48 : index
          %swap3A_193 = tpu.vector_load %arg8[%swap3A_192] {strides = array<i32>} : memref<128xi32, #tpu.memory_space<vmem>>, vector<16xi32>,
          tpu.vector_store %arg8[%swap3A_192], %and3A_191 {strides = array<i32>} : memref<128xi32, #tpu.memory_space<vmem>>, vector<16xi32>,
          %get3A_194 = arith.constant 64 : index
          %get3A_195 = tpu.vector_load %arg6[%get3A_194] {strides = array<i32>} : memref<4128xi32, #tpu.memory_space<vmem>>, vector<16xi32>,
          %shift_right_logical3A_196 = arith.constant 15 : i32
          %shift_right_logical3A_197 = vector.broadcast %shift_right_logical3A_196 : i32 to vector<16xi32>
          %shift_right_logical3A_198 = arith.shrui %get3A_195, %shift_right_logical3A_197 : vector<16xi32>
          %swap3A_199 = arith.constant 64 : index
          %swap3A_200 = tpu.vector_load %arg7[%swap3A_199] {strides = array<i32>} : memref<128xi32, #tpu.memory_space<vmem>>, vector<16xi32>,
          tpu.vector_store %arg7[%swap3A_199], %shift_right_logical3A_198 {strides = array<i32>} : memref<128xi32, #tpu.memory_space<vmem>>, vector<16xi32>,
          %and3A_201 = arith.constant 32767 : i32
          %and3A_202 = vector.broadcast %and3A_201 : i32 to vector<16xi32>
          %and3A_203 = arith.andi %get3A_195, %and3A_202 : vector<16xi32>
          %swap3A_204 = arith.constant 64 : index
          %swap3A_205 = tpu.vector_load %arg8[%swap3A_204] {strides = array<i32>} : memref<128xi32, #tpu.memory_space<vmem>>, vector<16xi32>,
          tpu.vector_store %arg8[%swap3A_204], %and3A_203 {strides = array<i32>} : memref<128xi32, #tpu.memory_space<vmem>>, vector<16xi32>,
          %get3A_206 = arith.constant 80 : index
          %get3A_207 = tpu.vector_load %arg6[%get3A_206] {strides = array<i32>} : memref<4128xi32, #tpu.memory_space<vmem>>, vector<16xi32>,
          %shift_right_logical3A_208 = arith.constant 15 : i32
          %shift_right_logical3A_209 = vector.broadcast %shift_right_logical3A_208 : i32 to vector<16xi32>
          %shift_right_logical3A_210 = arith.shrui %get3A_207, %shift_right_logical3A_209 : vector<16xi32>
          %swap3A_211 = arith.constant 80 : index
          %swap3A_212 = tpu.vector_load %arg7[%swap3A_211] {strides = array<i32>} : memref<128xi32, #tpu.memory_space<vmem>>, vector<16xi32>,
          tpu.vector_store %arg7[%swap3A_211], %shift_right_logical3A_210 {strides = array<i32>} : memref<128xi32, #tpu.memory_space<vmem>>, vector<16xi32>,
          %and3A_213 = arith.constant 32767 : i32
          %and3A_214 = vector.broadcast %and3A_213 : i32 to vector<16xi32>
          %and3A_215 = arith.andi %get3A_207, %and3A_214 : vector<16xi32>
          %swap3A_216 = arith.constant 80 : index
          %swap3A_217 = tpu.vector_load %arg8[%swap3A_216] {strides = array<i32>} : memref<128xi32, #tpu.memory_space<vmem>>, vector<16xi32>,
          tpu.vector_store %arg8[%swap3A_216], %and3A_215 {strides = array<i32>} : memref<128xi32, #tpu.memory_space<vmem>>, vector<16xi32>,
          %get3A_218 = arith.constant 96 : index
          %get3A_219 = tpu.vector_load %arg6[%get3A_218] {strides = array<i32>} : memref<4128xi32, #tpu.memory_space<vmem>>, vector<16xi32>,
          %shift_right_logical3A_220 = arith.constant 15 : i32
          %shift_right_logical3A_221 = vector.broadcast %shift_right_logical3A_220 : i32 to vector<16xi32>
          %shift_right_logical3A_222 = arith.shrui %get3A_219, %shift_right_logical3A_221 : vector<16xi32>
          %swap3A_223 = arith.constant 96 : index
          %swap3A_224 = tpu.vector_load %arg7[%swap3A_223] {strides = array<i32>} : memref<128xi32, #tpu.memory_space<vmem>>, vector<16xi32>,
          tpu.vector_store %arg7[%swap3A_223], %shift_right_logical3A_222 {strides = array<i32>} : memref<128xi32, #tpu.memory_space<vmem>>, vector<16xi32>,
          %and3A_225 = arith.constant 32767 : i32
          %and3A_226 = vector.broadcast %and3A_225 : i32 to vector<16xi32>
          %and3A_227 = arith.andi %get3A_219, %and3A_226 : vector<16xi32>
          %swap3A_228 = arith.constant 96 : index
          %swap3A_229 = tpu.vector_load %arg8[%swap3A_228] {strides = array<i32>} : memref<128xi32, #tpu.memory_space<vmem>>, vector<16xi32>,
          tpu.vector_store %arg8[%swap3A_228], %and3A_227 {strides = array<i32>} : memref<128xi32, #tpu.memory_space<vmem>>, vector<16xi32>,
          %get3A_230 = arith.constant 112 : index
          %get3A_231 = tpu.vector_load %arg6[%get3A_230] {strides = array<i32>} : memref<4128xi32, #tpu.memory_space<vmem>>, vector<16xi32>,
          %shift_right_logical3A_232 = arith.constant 15 : i32
          %shift_right_logical3A_233 = vector.broadcast %shift_right_logical3A_232 : i32 to vector<16xi32>
          %shift_right_logical3A_234 = arith.shrui %get3A_231, %shift_right_logical3A_233 : vector<16xi32>
          %swap3A_235 = arith.constant 112 : index
          %swap3A_236 = tpu.vector_load %arg7[%swap3A_235] {strides = array<i32>} : memref<128xi32, #tpu.memory_space<vmem>>, vector<16xi32>,
          tpu.vector_store %arg7[%swap3A_235], %shift_right_logical3A_234 {strides = array<i32>} : memref<128xi32, #tpu.memory_space<vmem>>, vector<16xi32>,
          %and3A_237 = arith.constant 32767 : i32
          %and3A_238 = vector.broadcast %and3A_237 : i32 to vector<16xi32>
          %and3A_239 = arith.andi %get3A_231, %and3A_238 : vector<16xi32>
          %swap3A_240 = arith.constant 112 : index
          %swap3A_241 = tpu.vector_load %arg8[%swap3A_240] {strides = array<i32>} : memref<128xi32, #tpu.memory_space<vmem>>, vector<16xi32>,
          tpu.vector_store %arg8[%swap3A_240], %and3A_239 {strides = array<i32>} : memref<128xi32, #tpu.memory_space<vmem>>, vector<16xi32>,
          %dma_start3A = arith.constant 0 : i32
          %dma_start3A_242 = arith.constant 0 : i32
          %dma_start3A_243 = tpu.memref_slice %arg2[%dma_start3A, %dma_start3A_242] : memref<100352x64xf32, #tpu.memory_space<hbm>> -> memref<100352x64xf32, #tpu.memory_space<hbm>>
          tpu.enqueue_indirect_dma source(%dma_start3A_243 : memref<100352x64xf32, #tpu.memory_space<hbm>>) target(%arg11 : memref<128x64xf32, #tpu.memory_space<vmem>>) offsets(%arg7 : memref<128xi32, #tpu.memory_space<vmem>>) semaphore(%arg14 : memref<!tpu.dma_semaphore, #tpu.memory_space<semaphore_mem>>)
        } else {
        }
        %add3A_113 = arith.constant 1 : i32
        %add3A_114 = arith.addi %select_n3A, %add3A_113 : i32
        %jit3A_115 = arith.constant 2 : i32
        %div3A_116 = arith.divsi %add3A_114, %jit3A_115 : i32
        %sign3A_117 = arith.constant 0 : i32
        %sign3A_118 = arith.cmpi sgt, %add3A_114, %sign3A_117 : i32
        %sign3A_119 = arith.extui %sign3A_118 : i1 to i32
        %sign3A_120 = arith.constant 0 : i32
        %sign3A_121 = arith.cmpi slt, %add3A_114, %sign3A_120 : i32
        %sign3A_122 = arith.extui %sign3A_121 : i1 to i32
        %sign3A_123 = arith.subi %sign3A_119, %sign3A_122 : i32
        %sign3A_124 = arith.constant 0 : i32
        %sign3A_125 = arith.cmpi sgt, %jit3A_115, %sign3A_124 : i32
        %sign3A_126 = arith.extui %sign3A_125 : i1 to i32
        %sign3A_127 = arith.constant 0 : i32
        %sign3A_128 = arith.cmpi slt, %jit3A_115, %sign3A_127 : i32
        %sign3A_129 = arith.extui %sign3A_128 : i1 to i32
        %sign3A_130 = arith.subi %sign3A_126, %sign3A_129 : i32
        %ne3A_131 = arith.cmpi ne, %sign3A_123, %sign3A_130 : i32
        %rem3A_132 = arith.remsi %add3A_114, %jit3A_115 : i32
        %ne3A_133 = arith.constant 0 : i32
        %ne3A_134 = arith.cmpi ne, %rem3A_132, %ne3A_133 : i32
        %and3A_135 = arith.andi %ne3A_131, %ne3A_134 : i1
        %sub3A_136 = arith.constant 1 : i32
        %sub3A_137 = arith.subi %div3A_116, %sub3A_136 : i32
        %select_n3A_138 = arith.select %and3A_135, %sub3A_137, %div3A_116 : i32
        %while3A = arith.constant 0 : i32
        %while3A_139 = arith.constant 0 : i32
        %while3A_140 = arith.subi %select_n3A_138, %while3A_139 : i32
        %while3A_141 = arith.addi %while3A_139, %while3A_140 : i32
        %while3A_142 = arith.constant 1 : i32
        %while3A_143 = arith.divsi %while3A_140, %while3A_142 : i32
        %while3A_144 = arith.muli %while3A_143, %while3A_142 : i32
        %while3A_145 = arith.addi %while3A_139, %while3A_144 : i32
        %while3A_146 = arith.constant 1 : i32
        scf.for %while3A_148 = %while3A_139 to %while3A_145 step %while3A_146  : i32 {
          %mul3A_149 = arith.constant 2 : i32
          %mul3A_150 = arith.muli %mul3A_149, %while3A_148 : i32
          %add3A_151 = arith.constant 1 : i32
          %add3A_152 = arith.addi %mul3A_150, %add3A_151 : i32
          %lt3A = arith.cmpi slt, %add3A_152, %select_n3A : i32
          %convert_element_type3A_153 = arith.extui %lt3A : i1 to i32
          %cond3A_154 = arith.constant 0 : i32
          %cond3A_155 = arith.cmpi ne, %convert_element_type3A_153, %cond3A_154 : i32
          scf.if %cond3A_155 {
            %add3A_170 = arith.constant 1 : i32
            %add3A_171 = arith.addi %mul3A_150, %add3A_170 : i32
            %mul3A_172 = arith.constant 128 : i32
            %mul3A_173 = arith.muli %add3A_171, %mul3A_172 : i32
            %add3A_174 = arith.constant 0 : i32
            %add3A_175 = arith.addi %mul3A_173, %add3A_174 : i32
            %get3A = arith.index_cast %add3A_175 : i32 to index
            %get3A_176 = tpu.vector_load %arg6[%get3A] {strides = array<i32>} : memref<4128xi32, #tpu.memory_space<vmem>>, vector<16xi32>,
            %shift_right_logical3A = arith.constant 15 : i32
            %shift_right_logical3A_177 = vector.broadcast %shift_right_logical3A : i32 to vector<16xi32>
            %shift_right_logical3A_178 = arith.shrui %get3A_176, %shift_right_logical3A_177 : vector<16xi32>
            %swap3A_179 = arith.constant 0 : index
            %swap3A_180 = tpu.vector_load %arg9[%swap3A_179] {strides = array<i32>} : memref<128xi32, #tpu.memory_space<vmem>>, vector<16xi32>,
            tpu.vector_store %arg9[%swap3A_179], %shift_right_logical3A_178 {strides = array<i32>} : memref<128xi32, #tpu.memory_space<vmem>>, vector<16xi32>,
            %and3A_181 = arith.constant 32767 : i32
            %and3A_182 = vector.broadcast %and3A_181 : i32 to vector<16xi32>
            %and3A_183 = arith.andi %get3A_176, %and3A_182 : vector<16xi32>
            %swap3A_184 = arith.constant 0 : index
            %swap3A_185 = tpu.vector_load %arg10[%swap3A_184] {strides = array<i32>} : memref<128xi32, #tpu.memory_space<vmem>>, vector<16xi32>,
            tpu.vector_store %arg10[%swap3A_184], %and3A_183 {strides = array<i32>} : memref<128xi32, #tpu.memory_space<vmem>>, vector<16xi32>,
            %mul3A_186 = arith.constant 128 : i32
            %mul3A_187 = arith.muli %add3A_171, %mul3A_186 : i32
            %add3A_188 = arith.constant 16 : i32
            %add3A_189 = arith.addi %mul3A_187, %add3A_188 : i32
            %get3A_190 = arith.index_cast %add3A_189 : i32 to index
            %get3A_191 = tpu.vector_load %arg6[%get3A_190] {strides = array<i32>} : memref<4128xi32, #tpu.memory_space<vmem>>, vector<16xi32>,
            %shift_right_logical3A_192 = arith.constant 15 : i32
            %shift_right_logical3A_193 = vector.broadcast %shift_right_logical3A_192 : i32 to vector<16xi32>
            %shift_right_logical3A_194 = arith.shrui %get3A_191, %shift_right_logical3A_193 : vector<16xi32>
            %swap3A_195 = arith.constant 16 : index
            %swap3A_196 = tpu.vector_load %arg9[%swap3A_195] {strides = array<i32>} : memref<128xi32, #tpu.memory_space<vmem>>, vector<16xi32>,
            tpu.vector_store %arg9[%swap3A_195], %shift_right_logical3A_194 {strides = array<i32>} : memref<128xi32, #tpu.memory_space<vmem>>, vector<16xi32>,
            %and3A_197 = arith.constant 32767 : i32
            %and3A_198 = vector.broadcast %and3A_197 : i32 to vector<16xi32>
            %and3A_199 = arith.andi %get3A_191, %and3A_198 : vector<16xi32>
            %swap3A_200 = arith.constant 16 : index
            %swap3A_201 = tpu.vector_load %arg10[%swap3A_200] {strides = array<i32>} : memref<128xi32, #tpu.memory_space<vmem>>, vector<16xi32>,
            tpu.vector_store %arg10[%swap3A_200], %and3A_199 {strides = array<i32>} : memref<128xi32, #tpu.memory_space<vmem>>, vector<16xi32>,
            %mul3A_202 = arith.constant 128 : i32
            %mul3A_203 = arith.muli %add3A_171, %mul3A_202 : i32
            %add3A_204 = arith.constant 32 : i32
            %add3A_205 = arith.addi %mul3A_203, %add3A_204 : i32
            %get3A_206 = arith.index_cast %add3A_205 : i32 to index
            %get3A_207 = tpu.vector_load %arg6[%get3A_206] {strides = array<i32>} : memref<4128xi32, #tpu.memory_space<vmem>>, vector<16xi32>,
            %shift_right_logical3A_208 = arith.constant 15 : i32
            %shift_right_logical3A_209 = vector.broadcast %shift_right_logical3A_208 : i32 to vector<16xi32>
            %shift_right_logical3A_210 = arith.shrui %get3A_207, %shift_right_logical3A_209 : vector<16xi32>
            %swap3A_211 = arith.constant 32 : index
            %swap3A_212 = tpu.vector_load %arg9[%swap3A_211] {strides = array<i32>} : memref<128xi32, #tpu.memory_space<vmem>>, vector<16xi32>,
            tpu.vector_store %arg9[%swap3A_211], %shift_right_logical3A_210 {strides = array<i32>} : memref<128xi32, #tpu.memory_space<vmem>>, vector<16xi32>,
            %and3A_213 = arith.constant 32767 : i32
            %and3A_214 = vector.broadcast %and3A_213 : i32 to vector<16xi32>
            %and3A_215 = arith.andi %get3A_207, %and3A_214 : vector<16xi32>
            %swap3A_216 = arith.constant 32 : index
            %swap3A_217 = tpu.vector_load %arg10[%swap3A_216] {strides = array<i32>} : memref<128xi32, #tpu.memory_space<vmem>>, vector<16xi32>,
            tpu.vector_store %arg10[%swap3A_216], %and3A_215 {strides = array<i32>} : memref<128xi32, #tpu.memory_space<vmem>>, vector<16xi32>,
            %mul3A_218 = arith.constant 128 : i32
            %mul3A_219 = arith.muli %add3A_171, %mul3A_218 : i32
            %add3A_220 = arith.constant 48 : i32
            %add3A_221 = arith.addi %mul3A_219, %add3A_220 : i32
            %get3A_222 = arith.index_cast %add3A_221 : i32 to index
            %get3A_223 = tpu.vector_load %arg6[%get3A_222] {strides = array<i32>} : memref<4128xi32, #tpu.memory_space<vmem>>, vector<16xi32>,
            %shift_right_logical3A_224 = arith.constant 15 : i32
            %shift_right_logical3A_225 = vector.broadcast %shift_right_logical3A_224 : i32 to vector<16xi32>
            %shift_right_logical3A_226 = arith.shrui %get3A_223, %shift_right_logical3A_225 : vector<16xi32>
            %swap3A_227 = arith.constant 48 : index
            %swap3A_228 = tpu.vector_load %arg9[%swap3A_227] {strides = array<i32>} : memref<128xi32, #tpu.memory_space<vmem>>, vector<16xi32>,
            tpu.vector_store %arg9[%swap3A_227], %shift_right_logical3A_226 {strides = array<i32>} : memref<128xi32, #tpu.memory_space<vmem>>, vector<16xi32>,
            %and3A_229 = arith.constant 32767 : i32
            %and3A_230 = vector.broadcast %and3A_229 : i32 to vector<16xi32>
            %and3A_231 = arith.andi %get3A_223, %and3A_230 : vector<16xi32>
            %swap3A_232 = arith.constant 48 : index
            %swap3A_233 = tpu.vector_load %arg10[%swap3A_232] {strides = array<i32>} : memref<128xi32, #tpu.memory_space<vmem>>, vector<16xi32>,
            tpu.vector_store %arg10[%swap3A_232], %and3A_231 {strides = array<i32>} : memref<128xi32, #tpu.memory_space<vmem>>, vector<16xi32>,
            %mul3A_234 = arith.constant 128 : i32
            %mul3A_235 = arith.muli %add3A_171, %mul3A_234 : i32
            %add3A_236 = arith.constant 64 : i32
            %add3A_237 = arith.addi %mul3A_235, %add3A_236 : i32
            %get3A_238 = arith.index_cast %add3A_237 : i32 to index
            %get3A_239 = tpu.vector_load %arg6[%get3A_238] {strides = array<i32>} : memref<4128xi32, #tpu.memory_space<vmem>>, vector<16xi32>,
            %shift_right_logical3A_240 = arith.constant 15 : i32
            %shift_right_logical3A_241 = vector.broadcast %shift_right_logical3A_240 : i32 to vector<16xi32>
            %shift_right_logical3A_242 = arith.shrui %get3A_239, %shift_right_logical3A_241 : vector<16xi32>
            %swap3A_243 = arith.constant 64 : index
            %swap3A_244 = tpu.vector_load %arg9[%swap3A_243] {strides = array<i32>} : memref<128xi32, #tpu.memory_space<vmem>>, vector<16xi32>,
            tpu.vector_store %arg9[%swap3A_243], %shift_right_logical3A_242 {strides = array<i32>} : memref<128xi32, #tpu.memory_space<vmem>>, vector<16xi32>,
            %and3A_245 = arith.constant 32767 : i32
            %and3A_246 = vector.broadcast %and3A_245 : i32 to vector<16xi32>
            %and3A_247 = arith.andi %get3A_239, %and3A_246 : vector<16xi32>
            %swap3A_248 = arith.constant 64 : index
            %swap3A_249 = tpu.vector_load %arg10[%swap3A_248] {strides = array<i32>} : memref<128xi32, #tpu.memory_space<vmem>>, vector<16xi32>,
            tpu.vector_store %arg10[%swap3A_248], %and3A_247 {strides = array<i32>} : memref<128xi32, #tpu.memory_space<vmem>>, vector<16xi32>,
            %mul3A_250 = arith.constant 128 : i32
            %mul3A_251 = arith.muli %add3A_171, %mul3A_250 : i32
            %add3A_252 = arith.constant 80 : i32
            %add3A_253 = arith.addi %mul3A_251, %add3A_252 : i32
            %get3A_254 = arith.index_cast %add3A_253 : i32 to index
            %get3A_255 = tpu.vector_load %arg6[%get3A_254] {strides = array<i32>} : memref<4128xi32, #tpu.memory_space<vmem>>, vector<16xi32>,
            %shift_right_logical3A_256 = arith.constant 15 : i32
            %shift_right_logical3A_257 = vector.broadcast %shift_right_logical3A_256 : i32 to vector<16xi32>
            %shift_right_logical3A_258 = arith.shrui %get3A_255, %shift_right_logical3A_257 : vector<16xi32>
            %swap3A_259 = arith.constant 80 : index
            %swap3A_260 = tpu.vector_load %arg9[%swap3A_259] {strides = array<i32>} : memref<128xi32, #tpu.memory_space<vmem>>, vector<16xi32>,
            tpu.vector_store %arg9[%swap3A_259], %shift_right_logical3A_258 {strides = array<i32>} : memref<128xi32, #tpu.memory_space<vmem>>, vector<16xi32>,
            %and3A_261 = arith.constant 32767 : i32
            %and3A_262 = vector.broadcast %and3A_261 : i32 to vector<16xi32>
            %and3A_263 = arith.andi %get3A_255, %and3A_262 : vector<16xi32>
            %swap3A_264 = arith.constant 80 : index
            %swap3A_265 = tpu.vector_load %arg10[%swap3A_264] {strides = array<i32>} : memref<128xi32, #tpu.memory_space<vmem>>, vector<16xi32>,
            tpu.vector_store %arg10[%swap3A_264], %and3A_263 {strides = array<i32>} : memref<128xi32, #tpu.memory_space<vmem>>, vector<16xi32>,
            %mul3A_266 = arith.constant 128 : i32
            %mul3A_267 = arith.muli %add3A_171, %mul3A_266 : i32
            %add3A_268 = arith.constant 96 : i32
            %add3A_269 = arith.addi %mul3A_267, %add3A_268 : i32
            %get3A_270 = arith.index_cast %add3A_269 : i32 to index
            %get3A_271 = tpu.vector_load %arg6[%get3A_270] {strides = array<i32>} : memref<4128xi32, #tpu.memory_space<vmem>>, vector<16xi32>,
            %shift_right_logical3A_272 = arith.constant 15 : i32
            %shift_right_logical3A_273 = vector.broadcast %shift_right_logical3A_272 : i32 to vector<16xi32>
            %shift_right_logical3A_274 = arith.shrui %get3A_271, %shift_right_logical3A_273 : vector<16xi32>
            %swap3A_275 = arith.constant 96 : index
            %swap3A_276 = tpu.vector_load %arg9[%swap3A_275] {strides = array<i32>} : memref<128xi32, #tpu.memory_space<vmem>>, vector<16xi32>,
            tpu.vector_store %arg9[%swap3A_275], %shift_right_logical3A_274 {strides = array<i32>} : memref<128xi32, #tpu.memory_space<vmem>>, vector<16xi32>,
            %and3A_277 = arith.constant 32767 : i32
            %and3A_278 = vector.broadcast %and3A_277 : i32 to vector<16xi32>
            %and3A_279 = arith.andi %get3A_271, %and3A_278 : vector<16xi32>
            %swap3A_280 = arith.constant 96 : index
            %swap3A_281 = tpu.vector_load %arg10[%swap3A_280] {strides = array<i32>} : memref<128xi32, #tpu.memory_space<vmem>>, vector<16xi32>,
            tpu.vector_store %arg10[%swap3A_280], %and3A_279 {strides = array<i32>} : memref<128xi32, #tpu.memory_space<vmem>>, vector<16xi32>,
            %mul3A_282 = arith.constant 128 : i32
            %mul3A_283 = arith.muli %add3A_171, %mul3A_282 : i32
            %add3A_284 = arith.constant 112 : i32
            %add3A_285 = arith.addi %mul3A_283, %add3A_284 : i32
            %get3A_286 = arith.index_cast %add3A_285 : i32 to index
            %get3A_287 = tpu.vector_load %arg6[%get3A_286] {strides = array<i32>} : memref<4128xi32, #tpu.memory_space<vmem>>, vector<16xi32>,
            %shift_right_logical3A_288 = arith.constant 15 : i32
            %shift_right_logical3A_289 = vector.broadcast %shift_right_logical3A_288 : i32 to vector<16xi32>
            %shift_right_logical3A_290 = arith.shrui %get3A_287, %shift_right_logical3A_289 : vector<16xi32>
            %swap3A_291 = arith.constant 112 : index
            %swap3A_292 = tpu.vector_load %arg9[%swap3A_291] {strides = array<i32>} : memref<128xi32, #tpu.memory_space<vmem>>, vector<16xi32>,
            tpu.vector_store %arg9[%swap3A_291], %shift_right_logical3A_290 {strides = array<i32>} : memref<128xi32, #tpu.memory_space<vmem>>, vector<16xi32>,
            %and3A_293 = arith.constant 32767 : i32
            %and3A_294 = vector.broadcast %and3A_293 : i32 to vector<16xi32>
            %and3A_295 = arith.andi %get3A_287, %and3A_294 : vector<16xi32>
            %swap3A_296 = arith.constant 112 : index
            %swap3A_297 = tpu.vector_load %arg10[%swap3A_296] {strides = array<i32>} : memref<128xi32, #tpu.memory_space<vmem>>, vector<16xi32>,
            tpu.vector_store %arg10[%swap3A_296], %and3A_295 {strides = array<i32>} : memref<128xi32, #tpu.memory_space<vmem>>, vector<16xi32>,
            %dma_start3A = arith.constant 0 : i32
            %dma_start3A_298 = arith.constant 0 : i32
            %dma_start3A_299 = tpu.memref_slice %arg2[%dma_start3A, %dma_start3A_298] : memref<100352x64xf32, #tpu.memory_space<hbm>> -> memref<100352x64xf32, #tpu.memory_space<hbm>>
            tpu.enqueue_indirect_dma source(%dma_start3A_299 : memref<100352x64xf32, #tpu.memory_space<hbm>>) target(%arg12 : memref<128x64xf32, #tpu.memory_space<vmem>>) offsets(%arg9 : memref<128xi32, #tpu.memory_space<vmem>>) semaphore(%arg15 : memref<!tpu.dma_semaphore, #tpu.memory_space<semaphore_mem>>)
          } else {
          }
          %dma_wait3A = arith.constant 0 : i32
          %dma_wait3A_156 = arith.constant 0 : i32
          %dma_wait3A_157 = tpu.memref_slice %arg2[%dma_wait3A, %dma_wait3A_156] : memref<100352x64xf32, #tpu.memory_space<hbm>> -> memref<100352x64xf32, #tpu.memory_space<hbm>>
          tpu.wait_indirect_dma semaphore(%arg14 : memref<!tpu.dma_semaphore, #tpu.memory_space<semaphore_mem>>) src(%dma_wait3A_157 : memref<100352x64xf32, #tpu.memory_space<hbm>>) dst(%arg11 : memref<128x64xf32, #tpu.memory_space<vmem>>)
          "tpu.region"() ({
            %run_scoped3A = tpu.sem_alloc : memref<!tpu.dma_semaphore, #tpu.memory_space<semaphore_mem>>
            %dma_start3A = arith.constant 0 : i32
            %dma_start3A_170 = arith.constant 0 : i32
            %dma_start3A_171 = tpu.memref_slice %arg13[%dma_start3A, %dma_start3A_170] : memref<25088x64xf32, #tpu.memory_space<vmem_shared>> -> memref<25088x64xf32, #tpu.memory_space<vmem_shared>>
            tpu.enqueue_indirect_dma source(%arg11 : memref<128x64xf32, #tpu.memory_space<vmem>>) target(%dma_start3A_171 : memref<25088x64xf32, #tpu.memory_space<vmem_shared>>) offsets(%arg8 : memref<128xi32, #tpu.memory_space<vmem>>) semaphore(%run_scoped3A : memref<!tpu.dma_semaphore, #tpu.memory_space<semaphore_mem>>) {add = true}
            %dma_wait3A_172 = arith.constant 0 : i32
            %dma_wait3A_173 = arith.constant 0 : i32
            %dma_wait3A_174 = tpu.memref_slice %arg13[%dma_wait3A_172, %dma_wait3A_173] : memref<25088x64xf32, #tpu.memory_space<vmem_shared>> -> memref<25088x64xf32, #tpu.memory_space<vmem_shared>>
            tpu.wait_indirect_dma semaphore(%run_scoped3A : memref<!tpu.dma_semaphore, #tpu.memory_space<semaphore_mem>>) src(%arg11 : memref<128x64xf32, #tpu.memory_space<vmem>>) dst(%dma_wait3A_174 : memref<25088x64xf32, #tpu.memory_space<vmem_shared>>)
            tpu.yield
          }) : () -> ()
          %add3A_158 = arith.constant 2 : i32
          %add3A_159 = arith.addi %mul3A_150, %add3A_158 : i32
          %lt3A_160 = arith.cmpi slt, %add3A_159, %select_n3A : i32
          %convert_element_type3A_161 = arith.extui %lt3A_160 : i1 to i32
          %cond3A_162 = arith.constant 0 : i32
          %cond3A_163 = arith.cmpi ne, %convert_element_type3A_161, %cond3A_162 : i32
          scf.if %cond3A_163 {
            %add3A_170 = arith.constant 2 : i32
            %add3A_171 = arith.addi %mul3A_150, %add3A_170 : i32
            %mul3A_172 = arith.constant 128 : i32
            %mul3A_173 = arith.muli %add3A_171, %mul3A_172 : i32
            %add3A_174 = arith.constant 0 : i32
            %add3A_175 = arith.addi %mul3A_173, %add3A_174 : i32
            %get3A = arith.index_cast %add3A_175 : i32 to index
            %get3A_176 = tpu.vector_load %arg6[%get3A] {strides = array<i32>} : memref<4128xi32, #tpu.memory_space<vmem>>, vector<16xi32>,
            %shift_right_logical3A = arith.constant 15 : i32
            %shift_right_logical3A_177 = vector.broadcast %shift_right_logical3A : i32 to vector<16xi32>
            %shift_right_logical3A_178 = arith.shrui %get3A_176, %shift_right_logical3A_177 : vector<16xi32>
            %swap3A_179 = arith.constant 0 : index
            %swap3A_180 = tpu.vector_load %arg7[%swap3A_179] {strides = array<i32>} : memref<128xi32, #tpu.memory_space<vmem>>, vector<16xi32>,
            tpu.vector_store %arg7[%swap3A_179], %shift_right_logical3A_178 {strides = array<i32>} : memref<128xi32, #tpu.memory_space<vmem>>, vector<16xi32>,
            %and3A_181 = arith.constant 32767 : i32
            %and3A_182 = vector.broadcast %and3A_181 : i32 to vector<16xi32>
            %and3A_183 = arith.andi %get3A_176, %and3A_182 : vector<16xi32>
            %swap3A_184 = arith.constant 0 : index
            %swap3A_185 = tpu.vector_load %arg8[%swap3A_184] {strides = array<i32>} : memref<128xi32, #tpu.memory_space<vmem>>, vector<16xi32>,
            tpu.vector_store %arg8[%swap3A_184], %and3A_183 {strides = array<i32>} : memref<128xi32, #tpu.memory_space<vmem>>, vector<16xi32>,
            %mul3A_186 = arith.constant 128 : i32
            %mul3A_187 = arith.muli %add3A_171, %mul3A_186 : i32
            %add3A_188 = arith.constant 16 : i32
            %add3A_189 = arith.addi %mul3A_187, %add3A_188 : i32
            %get3A_190 = arith.index_cast %add3A_189 : i32 to index
            %get3A_191 = tpu.vector_load %arg6[%get3A_190] {strides = array<i32>} : memref<4128xi32, #tpu.memory_space<vmem>>, vector<16xi32>,
            %shift_right_logical3A_192 = arith.constant 15 : i32
            %shift_right_logical3A_193 = vector.broadcast %shift_right_logical3A_192 : i32 to vector<16xi32>
            %shift_right_logical3A_194 = arith.shrui %get3A_191, %shift_right_logical3A_193 : vector<16xi32>
            %swap3A_195 = arith.constant 16 : index
            %swap3A_196 = tpu.vector_load %arg7[%swap3A_195] {strides = array<i32>} : memref<128xi32, #tpu.memory_space<vmem>>, vector<16xi32>,
            tpu.vector_store %arg7[%swap3A_195], %shift_right_logical3A_194 {strides = array<i32>} : memref<128xi32, #tpu.memory_space<vmem>>, vector<16xi32>,
            %and3A_197 = arith.constant 32767 : i32
            %and3A_198 = vector.broadcast %and3A_197 : i32 to vector<16xi32>
            %and3A_199 = arith.andi %get3A_191, %and3A_198 : vector<16xi32>
            %swap3A_200 = arith.constant 16 : index
            %swap3A_201 = tpu.vector_load %arg8[%swap3A_200] {strides = array<i32>} : memref<128xi32, #tpu.memory_space<vmem>>, vector<16xi32>,
            tpu.vector_store %arg8[%swap3A_200], %and3A_199 {strides = array<i32>} : memref<128xi32, #tpu.memory_space<vmem>>, vector<16xi32>,
            %mul3A_202 = arith.constant 128 : i32
            %mul3A_203 = arith.muli %add3A_171, %mul3A_202 : i32
            %add3A_204 = arith.constant 32 : i32
            %add3A_205 = arith.addi %mul3A_203, %add3A_204 : i32
            %get3A_206 = arith.index_cast %add3A_205 : i32 to index
            %get3A_207 = tpu.vector_load %arg6[%get3A_206] {strides = array<i32>} : memref<4128xi32, #tpu.memory_space<vmem>>, vector<16xi32>,
            %shift_right_logical3A_208 = arith.constant 15 : i32
            %shift_right_logical3A_209 = vector.broadcast %shift_right_logical3A_208 : i32 to vector<16xi32>
            %shift_right_logical3A_210 = arith.shrui %get3A_207, %shift_right_logical3A_209 : vector<16xi32>
            %swap3A_211 = arith.constant 32 : index
            %swap3A_212 = tpu.vector_load %arg7[%swap3A_211] {strides = array<i32>} : memref<128xi32, #tpu.memory_space<vmem>>, vector<16xi32>,
            tpu.vector_store %arg7[%swap3A_211], %shift_right_logical3A_210 {strides = array<i32>} : memref<128xi32, #tpu.memory_space<vmem>>, vector<16xi32>,
            %and3A_213 = arith.constant 32767 : i32
            %and3A_214 = vector.broadcast %and3A_213 : i32 to vector<16xi32>
            %and3A_215 = arith.andi %get3A_207, %and3A_214 : vector<16xi32>
            %swap3A_216 = arith.constant 32 : index
            %swap3A_217 = tpu.vector_load %arg8[%swap3A_216] {strides = array<i32>} : memref<128xi32, #tpu.memory_space<vmem>>, vector<16xi32>,
            tpu.vector_store %arg8[%swap3A_216], %and3A_215 {strides = array<i32>} : memref<128xi32, #tpu.memory_space<vmem>>, vector<16xi32>,
            %mul3A_218 = arith.constant 128 : i32
            %mul3A_219 = arith.muli %add3A_171, %mul3A_218 : i32
            %add3A_220 = arith.constant 48 : i32
            %add3A_221 = arith.addi %mul3A_219, %add3A_220 : i32
            %get3A_222 = arith.index_cast %add3A_221 : i32 to index
            %get3A_223 = tpu.vector_load %arg6[%get3A_222] {strides = array<i32>} : memref<4128xi32, #tpu.memory_space<vmem>>, vector<16xi32>,
            %shift_right_logical3A_224 = arith.constant 15 : i32
            %shift_right_logical3A_225 = vector.broadcast %shift_right_logical3A_224 : i32 to vector<16xi32>
            %shift_right_logical3A_226 = arith.shrui %get3A_223, %shift_right_logical3A_225 : vector<16xi32>
            %swap3A_227 = arith.constant 48 : index
            %swap3A_228 = tpu.vector_load %arg7[%swap3A_227] {strides = array<i32>} : memref<128xi32, #tpu.memory_space<vmem>>, vector<16xi32>,
            tpu.vector_store %arg7[%swap3A_227], %shift_right_logical3A_226 {strides = array<i32>} : memref<128xi32, #tpu.memory_space<vmem>>, vector<16xi32>,
            %and3A_229 = arith.constant 32767 : i32
            %and3A_230 = vector.broadcast %and3A_229 : i32 to vector<16xi32>
            %and3A_231 = arith.andi %get3A_223, %and3A_230 : vector<16xi32>
            %swap3A_232 = arith.constant 48 : index
            %swap3A_233 = tpu.vector_load %arg8[%swap3A_232] {strides = array<i32>} : memref<128xi32, #tpu.memory_space<vmem>>, vector<16xi32>,
            tpu.vector_store %arg8[%swap3A_232], %and3A_231 {strides = array<i32>} : memref<128xi32, #tpu.memory_space<vmem>>, vector<16xi32>,
            %mul3A_234 = arith.constant 128 : i32
            %mul3A_235 = arith.muli %add3A_171, %mul3A_234 : i32
            %add3A_236 = arith.constant 64 : i32
            %add3A_237 = arith.addi %mul3A_235, %add3A_236 : i32
            %get3A_238 = arith.index_cast %add3A_237 : i32 to index
            %get3A_239 = tpu.vector_load %arg6[%get3A_238] {strides = array<i32>} : memref<4128xi32, #tpu.memory_space<vmem>>, vector<16xi32>,
            %shift_right_logical3A_240 = arith.constant 15 : i32
            %shift_right_logical3A_241 = vector.broadcast %shift_right_logical3A_240 : i32 to vector<16xi32>
            %shift_right_logical3A_242 = arith.shrui %get3A_239, %shift_right_logical3A_241 : vector<16xi32>
            %swap3A_243 = arith.constant 64 : index
            %swap3A_244 = tpu.vector_load %arg7[%swap3A_243] {strides = array<i32>} : memref<128xi32, #tpu.memory_space<vmem>>, vector<16xi32>,
            tpu.vector_store %arg7[%swap3A_243], %shift_right_logical3A_242 {strides = array<i32>} : memref<128xi32, #tpu.memory_space<vmem>>, vector<16xi32>,
            %and3A_245 = arith.constant 32767 : i32
            %and3A_246 = vector.broadcast %and3A_245 : i32 to vector<16xi32>
            %and3A_247 = arith.andi %get3A_239, %and3A_246 : vector<16xi32>
            %swap3A_248 = arith.constant 64 : index
            %swap3A_249 = tpu.vector_load %arg8[%swap3A_248] {strides = array<i32>} : memref<128xi32, #tpu.memory_space<vmem>>, vector<16xi32>,
            tpu.vector_store %arg8[%swap3A_248], %and3A_247 {strides = array<i32>} : memref<128xi32, #tpu.memory_space<vmem>>, vector<16xi32>,
            %mul3A_250 = arith.constant 128 : i32
            %mul3A_251 = arith.muli %add3A_171, %mul3A_250 : i32
            %add3A_252 = arith.constant 80 : i32
            %add3A_253 = arith.addi %mul3A_251, %add3A_252 : i32
            %get3A_254 = arith.index_cast %add3A_253 : i32 to index
            %get3A_255 = tpu.vector_load %arg6[%get3A_254] {strides = array<i32>} : memref<4128xi32, #tpu.memory_space<vmem>>, vector<16xi32>,
            %shift_right_logical3A_256 = arith.constant 15 : i32
            %shift_right_logical3A_257 = vector.broadcast %shift_right_logical3A_256 : i32 to vector<16xi32>
            %shift_right_logical3A_258 = arith.shrui %get3A_255, %shift_right_logical3A_257 : vector<16xi32>
            %swap3A_259 = arith.constant 80 : index
            %swap3A_260 = tpu.vector_load %arg7[%swap3A_259] {strides = array<i32>} : memref<128xi32, #tpu.memory_space<vmem>>, vector<16xi32>,
            tpu.vector_store %arg7[%swap3A_259], %shift_right_logical3A_258 {strides = array<i32>} : memref<128xi32, #tpu.memory_space<vmem>>, vector<16xi32>,
            %and3A_261 = arith.constant 32767 : i32
            %and3A_262 = vector.broadcast %and3A_261 : i32 to vector<16xi32>
            %and3A_263 = arith.andi %get3A_255, %and3A_262 : vector<16xi32>
            %swap3A_264 = arith.constant 80 : index
            %swap3A_265 = tpu.vector_load %arg8[%swap3A_264] {strides = array<i32>} : memref<128xi32, #tpu.memory_space<vmem>>, vector<16xi32>,
            tpu.vector_store %arg8[%swap3A_264], %and3A_263 {strides = array<i32>} : memref<128xi32, #tpu.memory_space<vmem>>, vector<16xi32>,
            %mul3A_266 = arith.constant 128 : i32
            %mul3A_267 = arith.muli %add3A_171, %mul3A_266 : i32
            %add3A_268 = arith.constant 96 : i32
            %add3A_269 = arith.addi %mul3A_267, %add3A_268 : i32
            %get3A_270 = arith.index_cast %add3A_269 : i32 to index
            %get3A_271 = tpu.vector_load %arg6[%get3A_270] {strides = array<i32>} : memref<4128xi32, #tpu.memory_space<vmem>>, vector<16xi32>,
            %shift_right_logical3A_272 = arith.constant 15 : i32
            %shift_right_logical3A_273 = vector.broadcast %shift_right_logical3A_272 : i32 to vector<16xi32>
            %shift_right_logical3A_274 = arith.shrui %get3A_271, %shift_right_logical3A_273 : vector<16xi32>
            %swap3A_275 = arith.constant 96 : index
            %swap3A_276 = tpu.vector_load %arg7[%swap3A_275] {strides = array<i32>} : memref<128xi32, #tpu.memory_space<vmem>>, vector<16xi32>,
            tpu.vector_store %arg7[%swap3A_275], %shift_right_logical3A_274 {strides = array<i32>} : memref<128xi32, #tpu.memory_space<vmem>>, vector<16xi32>,
            %and3A_277 = arith.constant 32767 : i32
            %and3A_278 = vector.broadcast %and3A_277 : i32 to vector<16xi32>
            %and3A_279 = arith.andi %get3A_271, %and3A_278 : vector<16xi32>
            %swap3A_280 = arith.constant 96 : index
            %swap3A_281 = tpu.vector_load %arg8[%swap3A_280] {strides = array<i32>} : memref<128xi32, #tpu.memory_space<vmem>>, vector<16xi32>,
            tpu.vector_store %arg8[%swap3A_280], %and3A_279 {strides = array<i32>} : memref<128xi32, #tpu.memory_space<vmem>>, vector<16xi32>,
            %mul3A_282 = arith.constant 128 : i32
            %mul3A_283 = arith.muli %add3A_171, %mul3A_282 : i32
            %add3A_284 = arith.constant 112 : i32
            %add3A_285 = arith.addi %mul3A_283, %add3A_284 : i32
            %get3A_286 = arith.index_cast %add3A_285 : i32 to index
            %get3A_287 = tpu.vector_load %arg6[%get3A_286] {strides = array<i32>} : memref<4128xi32, #tpu.memory_space<vmem>>, vector<16xi32>,
            %shift_right_logical3A_288 = arith.constant 15 : i32
            %shift_right_logical3A_289 = vector.broadcast %shift_right_logical3A_288 : i32 to vector<16xi32>
            %shift_right_logical3A_290 = arith.shrui %get3A_287, %shift_right_logical3A_289 : vector<16xi32>
            %swap3A_291 = arith.constant 112 : index
            %swap3A_292 = tpu.vector_load %arg7[%swap3A_291] {strides = array<i32>} : memref<128xi32, #tpu.memory_space<vmem>>, vector<16xi32>,
            tpu.vector_store %arg7[%swap3A_291], %shift_right_logical3A_290 {strides = array<i32>} : memref<128xi32, #tpu.memory_space<vmem>>, vector<16xi32>,
            %and3A_293 = arith.constant 32767 : i32
            %and3A_294 = vector.broadcast %and3A_293 : i32 to vector<16xi32>
            %and3A_295 = arith.andi %get3A_287, %and3A_294 : vector<16xi32>
            %swap3A_296 = arith.constant 112 : index
            %swap3A_297 = tpu.vector_load %arg8[%swap3A_296] {strides = array<i32>} : memref<128xi32, #tpu.memory_space<vmem>>, vector<16xi32>,
            tpu.vector_store %arg8[%swap3A_296], %and3A_295 {strides = array<i32>} : memref<128xi32, #tpu.memory_space<vmem>>, vector<16xi32>,
            %dma_start3A = arith.constant 0 : i32
            %dma_start3A_298 = arith.constant 0 : i32
            %dma_start3A_299 = tpu.memref_slice %arg2[%dma_start3A, %dma_start3A_298] : memref<100352x64xf32, #tpu.memory_space<hbm>> -> memref<100352x64xf32, #tpu.memory_space<hbm>>
            tpu.enqueue_indirect_dma source(%dma_start3A_299 : memref<100352x64xf32, #tpu.memory_space<hbm>>) target(%arg11 : memref<128x64xf32, #tpu.memory_space<vmem>>) offsets(%arg7 : memref<128xi32, #tpu.memory_space<vmem>>) semaphore(%arg14 : memref<!tpu.dma_semaphore, #tpu.memory_space<semaphore_mem>>)
          } else {
          }
          %add3A_164 = arith.constant 1 : i32
          %add3A_165 = arith.addi %mul3A_150, %add3A_164 : i32
          %lt3A_166 = arith.cmpi slt, %add3A_165, %select_n3A : i32
          %convert_element_type3A_167 = arith.extui %lt3A_166 : i1 to i32
          %cond3A_168 = arith.constant 0 : i32
          %cond3A_169 = arith.cmpi ne, %convert_element_type3A_167, %cond3A_168 : i32
          scf.if %cond3A_169 {
            %add3A_170 = arith.constant 1 : i32
            %add3A_171 = arith.addi %mul3A_150, %add3A_170 : i32
            %dma_wait3A_172 = arith.constant 0 : i32
            %dma_wait3A_173 = arith.constant 0 : i32
            %dma_wait3A_174 = tpu.memref_slice %arg2[%dma_wait3A_172, %dma_wait3A_173] : memref<100352x64xf32, #tpu.memory_space<hbm>> -> memref<100352x64xf32, #tpu.memory_space<hbm>>
            tpu.wait_indirect_dma semaphore(%arg15 : memref<!tpu.dma_semaphore, #tpu.memory_space<semaphore_mem>>) src(%dma_wait3A_174 : memref<100352x64xf32, #tpu.memory_space<hbm>>) dst(%arg12 : memref<128x64xf32, #tpu.memory_space<vmem>>)
            "tpu.region"() ({
              %run_scoped3A = tpu.sem_alloc : memref<!tpu.dma_semaphore, #tpu.memory_space<semaphore_mem>>
              %dma_start3A = arith.constant 0 : i32
              %dma_start3A_175 = arith.constant 0 : i32
              %dma_start3A_176 = tpu.memref_slice %arg13[%dma_start3A, %dma_start3A_175] : memref<25088x64xf32, #tpu.memory_space<vmem_shared>> -> memref<25088x64xf32, #tpu.memory_space<vmem_shared>>
              tpu.enqueue_indirect_dma source(%arg12 : memref<128x64xf32, #tpu.memory_space<vmem>>) target(%dma_start3A_176 : memref<25088x64xf32, #tpu.memory_space<vmem_shared>>) offsets(%arg10 : memref<128xi32, #tpu.memory_space<vmem>>) semaphore(%run_scoped3A : memref<!tpu.dma_semaphore, #tpu.memory_space<semaphore_mem>>) {add = true}
              %dma_wait3A_177 = arith.constant 0 : i32
              %dma_wait3A_178 = arith.constant 0 : i32
              %dma_wait3A_179 = tpu.memref_slice %arg13[%dma_wait3A_177, %dma_wait3A_178] : memref<25088x64xf32, #tpu.memory_space<vmem_shared>> -> memref<25088x64xf32, #tpu.memory_space<vmem_shared>>
              tpu.wait_indirect_dma semaphore(%run_scoped3A : memref<!tpu.dma_semaphore, #tpu.memory_space<semaphore_mem>>) src(%arg12 : memref<128x64xf32, #tpu.memory_space<vmem>>) dst(%dma_wait3A_179 : memref<25088x64xf32, #tpu.memory_space<vmem_shared>>)
              tpu.yield
            }) : () -> ()
          } else {
          }
        }
        %while3A_147 = arith.constant 1 : i32
        scf.for %while3A_148 = %while3A_145 to %while3A_141 step %while3A_147  : i32 {
          %mul3A_149 = arith.constant 2 : i32
          %mul3A_150 = arith.muli %mul3A_149, %while3A_148 : i32
          %add3A_151 = arith.constant 1 : i32
          %add3A_152 = arith.addi %mul3A_150, %add3A_151 : i32
          %lt3A = arith.cmpi slt, %add3A_152, %select_n3A : i32
          %convert_element_type3A_153 = arith.extui %lt3A : i1 to i32
          %cond3A_154 = arith.constant 0 : i32
          %cond3A_155 = arith.cmpi ne, %convert_element_type3A_153, %cond3A_154 : i32
          scf.if %cond3A_155 {
            %add3A_170 = arith.constant 1 : i32
            %add3A_171 = arith.addi %mul3A_150, %add3A_170 : i32
            %mul3A_172 = arith.constant 128 : i32
            %mul3A_173 = arith.muli %add3A_171, %mul3A_172 : i32
            %add3A_174 = arith.constant 0 : i32
            %add3A_175 = arith.addi %mul3A_173, %add3A_174 : i32
            %get3A = arith.index_cast %add3A_175 : i32 to index
            %get3A_176 = tpu.vector_load %arg6[%get3A] {strides = array<i32>} : memref<4128xi32, #tpu.memory_space<vmem>>, vector<16xi32>,
            %shift_right_logical3A = arith.constant 15 : i32
            %shift_right_logical3A_177 = vector.broadcast %shift_right_logical3A : i32 to vector<16xi32>
            %shift_right_logical3A_178 = arith.shrui %get3A_176, %shift_right_logical3A_177 : vector<16xi32>
            %swap3A_179 = arith.constant 0 : index
            %swap3A_180 = tpu.vector_load %arg9[%swap3A_179] {strides = array<i32>} : memref<128xi32, #tpu.memory_space<vmem>>, vector<16xi32>,
            tpu.vector_store %arg9[%swap3A_179], %shift_right_logical3A_178 {strides = array<i32>} : memref<128xi32, #tpu.memory_space<vmem>>, vector<16xi32>,
            %and3A_181 = arith.constant 32767 : i32
            %and3A_182 = vector.broadcast %and3A_181 : i32 to vector<16xi32>
            %and3A_183 = arith.andi %get3A_176, %and3A_182 : vector<16xi32>
            %swap3A_184 = arith.constant 0 : index
            %swap3A_185 = tpu.vector_load %arg10[%swap3A_184] {strides = array<i32>} : memref<128xi32, #tpu.memory_space<vmem>>, vector<16xi32>,
            tpu.vector_store %arg10[%swap3A_184], %and3A_183 {strides = array<i32>} : memref<128xi32, #tpu.memory_space<vmem>>, vector<16xi32>,
            %mul3A_186 = arith.constant 128 : i32
            %mul3A_187 = arith.muli %add3A_171, %mul3A_186 : i32
            %add3A_188 = arith.constant 16 : i32
            %add3A_189 = arith.addi %mul3A_187, %add3A_188 : i32
            %get3A_190 = arith.index_cast %add3A_189 : i32 to index
            %get3A_191 = tpu.vector_load %arg6[%get3A_190] {strides = array<i32>} : memref<4128xi32, #tpu.memory_space<vmem>>, vector<16xi32>,
            %shift_right_logical3A_192 = arith.constant 15 : i32
            %shift_right_logical3A_193 = vector.broadcast %shift_right_logical3A_192 : i32 to vector<16xi32>
            %shift_right_logical3A_194 = arith.shrui %get3A_191, %shift_right_logical3A_193 : vector<16xi32>
            %swap3A_195 = arith.constant 16 : index
            %swap3A_196 = tpu.vector_load %arg9[%swap3A_195] {strides = array<i32>} : memref<128xi32, #tpu.memory_space<vmem>>, vector<16xi32>,
            tpu.vector_store %arg9[%swap3A_195], %shift_right_logical3A_194 {strides = array<i32>} : memref<128xi32, #tpu.memory_space<vmem>>, vector<16xi32>,
            %and3A_197 = arith.constant 32767 : i32
            %and3A_198 = vector.broadcast %and3A_197 : i32 to vector<16xi32>
            %and3A_199 = arith.andi %get3A_191, %and3A_198 : vector<16xi32>
            %swap3A_200 = arith.constant 16 : index
            %swap3A_201 = tpu.vector_load %arg10[%swap3A_200] {strides = array<i32>} : memref<128xi32, #tpu.memory_space<vmem>>, vector<16xi32>,
            tpu.vector_store %arg10[%swap3A_200], %and3A_199 {strides = array<i32>} : memref<128xi32, #tpu.memory_space<vmem>>, vector<16xi32>,
            %mul3A_202 = arith.constant 128 : i32
            %mul3A_203 = arith.muli %add3A_171, %mul3A_202 : i32
            %add3A_204 = arith.constant 32 : i32
            %add3A_205 = arith.addi %mul3A_203, %add3A_204 : i32
            %get3A_206 = arith.index_cast %add3A_205 : i32 to index
            %get3A_207 = tpu.vector_load %arg6[%get3A_206] {strides = array<i32>} : memref<4128xi32, #tpu.memory_space<vmem>>, vector<16xi32>,
            %shift_right_logical3A_208 = arith.constant 15 : i32
            %shift_right_logical3A_209 = vector.broadcast %shift_right_logical3A_208 : i32 to vector<16xi32>
            %shift_right_logical3A_210 = arith.shrui %get3A_207, %shift_right_logical3A_209 : vector<16xi32>
            %swap3A_211 = arith.constant 32 : index
            %swap3A_212 = tpu.vector_load %arg9[%swap3A_211] {strides = array<i32>} : memref<128xi32, #tpu.memory_space<vmem>>, vector<16xi32>,
            tpu.vector_store %arg9[%swap3A_211], %shift_right_logical3A_210 {strides = array<i32>} : memref<128xi32, #tpu.memory_space<vmem>>, vector<16xi32>,
            %and3A_213 = arith.constant 32767 : i32
            %and3A_214 = vector.broadcast %and3A_213 : i32 to vector<16xi32>
            %and3A_215 = arith.andi %get3A_207, %and3A_214 : vector<16xi32>
            %swap3A_216 = arith.constant 32 : index
            %swap3A_217 = tpu.vector_load %arg10[%swap3A_216] {strides = array<i32>} : memref<128xi32, #tpu.memory_space<vmem>>, vector<16xi32>,
            tpu.vector_store %arg10[%swap3A_216], %and3A_215 {strides = array<i32>} : memref<128xi32, #tpu.memory_space<vmem>>, vector<16xi32>,
            %mul3A_218 = arith.constant 128 : i32
            %mul3A_219 = arith.muli %add3A_171, %mul3A_218 : i32
            %add3A_220 = arith.constant 48 : i32
            %add3A_221 = arith.addi %mul3A_219, %add3A_220 : i32
            %get3A_222 = arith.index_cast %add3A_221 : i32 to index
            %get3A_223 = tpu.vector_load %arg6[%get3A_222] {strides = array<i32>} : memref<4128xi32, #tpu.memory_space<vmem>>, vector<16xi32>,
            %shift_right_logical3A_224 = arith.constant 15 : i32
            %shift_right_logical3A_225 = vector.broadcast %shift_right_logical3A_224 : i32 to vector<16xi32>
            %shift_right_logical3A_226 = arith.shrui %get3A_223, %shift_right_logical3A_225 : vector<16xi32>
            %swap3A_227 = arith.constant 48 : index
            %swap3A_228 = tpu.vector_load %arg9[%swap3A_227] {strides = array<i32>} : memref<128xi32, #tpu.memory_space<vmem>>, vector<16xi32>,
            tpu.vector_store %arg9[%swap3A_227], %shift_right_logical3A_226 {strides = array<i32>} : memref<128xi32, #tpu.memory_space<vmem>>, vector<16xi32>,
            %and3A_229 = arith.constant 32767 : i32
            %and3A_230 = vector.broadcast %and3A_229 : i32 to vector<16xi32>
            %and3A_231 = arith.andi %get3A_223, %and3A_230 : vector<16xi32>
            %swap3A_232 = arith.constant 48 : index
            %swap3A_233 = tpu.vector_load %arg10[%swap3A_232] {strides = array<i32>} : memref<128xi32, #tpu.memory_space<vmem>>, vector<16xi32>,
            tpu.vector_store %arg10[%swap3A_232], %and3A_231 {strides = array<i32>} : memref<128xi32, #tpu.memory_space<vmem>>, vector<16xi32>,
            %mul3A_234 = arith.constant 128 : i32
            %mul3A_235 = arith.muli %add3A_171, %mul3A_234 : i32
            %add3A_236 = arith.constant 64 : i32
            %add3A_237 = arith.addi %mul3A_235, %add3A_236 : i32
            %get3A_238 = arith.index_cast %add3A_237 : i32 to index
            %get3A_239 = tpu.vector_load %arg6[%get3A_238] {strides = array<i32>} : memref<4128xi32, #tpu.memory_space<vmem>>, vector<16xi32>,
            %shift_right_logical3A_240 = arith.constant 15 : i32
            %shift_right_logical3A_241 = vector.broadcast %shift_right_logical3A_240 : i32 to vector<16xi32>
            %shift_right_logical3A_242 = arith.shrui %get3A_239, %shift_right_logical3A_241 : vector<16xi32>
            %swap3A_243 = arith.constant 64 : index
            %swap3A_244 = tpu.vector_load %arg9[%swap3A_243] {strides = array<i32>} : memref<128xi32, #tpu.memory_space<vmem>>, vector<16xi32>,
            tpu.vector_store %arg9[%swap3A_243], %shift_right_logical3A_242 {strides = array<i32>} : memref<128xi32, #tpu.memory_space<vmem>>, vector<16xi32>,
            %and3A_245 = arith.constant 32767 : i32
            %and3A_246 = vector.broadcast %and3A_245 : i32 to vector<16xi32>
            %and3A_247 = arith.andi %get3A_239, %and3A_246 : vector<16xi32>
            %swap3A_248 = arith.constant 64 : index
            %swap3A_249 = tpu.vector_load %arg10[%swap3A_248] {strides = array<i32>} : memref<128xi32, #tpu.memory_space<vmem>>, vector<16xi32>,
            tpu.vector_store %arg10[%swap3A_248], %and3A_247 {strides = array<i32>} : memref<128xi32, #tpu.memory_space<vmem>>, vector<16xi32>,
            %mul3A_250 = arith.constant 128 : i32
            %mul3A_251 = arith.muli %add3A_171, %mul3A_250 : i32
            %add3A_252 = arith.constant 80 : i32
            %add3A_253 = arith.addi %mul3A_251, %add3A_252 : i32
            %get3A_254 = arith.index_cast %add3A_253 : i32 to index
            %get3A_255 = tpu.vector_load %arg6[%get3A_254] {strides = array<i32>} : memref<4128xi32, #tpu.memory_space<vmem>>, vector<16xi32>,
            %shift_right_logical3A_256 = arith.constant 15 : i32
            %shift_right_logical3A_257 = vector.broadcast %shift_right_logical3A_256 : i32 to vector<16xi32>
            %shift_right_logical3A_258 = arith.shrui %get3A_255, %shift_right_logical3A_257 : vector<16xi32>
            %swap3A_259 = arith.constant 80 : index
            %swap3A_260 = tpu.vector_load %arg9[%swap3A_259] {strides = array<i32>} : memref<128xi32, #tpu.memory_space<vmem>>, vector<16xi32>,
            tpu.vector_store %arg9[%swap3A_259], %shift_right_logical3A_258 {strides = array<i32>} : memref<128xi32, #tpu.memory_space<vmem>>, vector<16xi32>,
            %and3A_261 = arith.constant 32767 : i32
            %and3A_262 = vector.broadcast %and3A_261 : i32 to vector<16xi32>
            %and3A_263 = arith.andi %get3A_255, %and3A_262 : vector<16xi32>
            %swap3A_264 = arith.constant 80 : index
            %swap3A_265 = tpu.vector_load %arg10[%swap3A_264] {strides = array<i32>} : memref<128xi32, #tpu.memory_space<vmem>>, vector<16xi32>,
            tpu.vector_store %arg10[%swap3A_264], %and3A_263 {strides = array<i32>} : memref<128xi32, #tpu.memory_space<vmem>>, vector<16xi32>,
            %mul3A_266 = arith.constant 128 : i32
            %mul3A_267 = arith.muli %add3A_171, %mul3A_266 : i32
            %add3A_268 = arith.constant 96 : i32
            %add3A_269 = arith.addi %mul3A_267, %add3A_268 : i32
            %get3A_270 = arith.index_cast %add3A_269 : i32 to index
            %get3A_271 = tpu.vector_load %arg6[%get3A_270] {strides = array<i32>} : memref<4128xi32, #tpu.memory_space<vmem>>, vector<16xi32>,
            %shift_right_logical3A_272 = arith.constant 15 : i32
            %shift_right_logical3A_273 = vector.broadcast %shift_right_logical3A_272 : i32 to vector<16xi32>
            %shift_right_logical3A_274 = arith.shrui %get3A_271, %shift_right_logical3A_273 : vector<16xi32>
            %swap3A_275 = arith.constant 96 : index
            %swap3A_276 = tpu.vector_load %arg9[%swap3A_275] {strides = array<i32>} : memref<128xi32, #tpu.memory_space<vmem>>, vector<16xi32>,
            tpu.vector_store %arg9[%swap3A_275], %shift_right_logical3A_274 {strides = array<i32>} : memref<128xi32, #tpu.memory_space<vmem>>, vector<16xi32>,
            %and3A_277 = arith.constant 32767 : i32
            %and3A_278 = vector.broadcast %and3A_277 : i32 to vector<16xi32>
            %and3A_279 = arith.andi %get3A_271, %and3A_278 : vector<16xi32>
            %swap3A_280 = arith.constant 96 : index
            %swap3A_281 = tpu.vector_load %arg10[%swap3A_280] {strides = array<i32>} : memref<128xi32, #tpu.memory_space<vmem>>, vector<16xi32>,
            tpu.vector_store %arg10[%swap3A_280], %and3A_279 {strides = array<i32>} : memref<128xi32, #tpu.memory_space<vmem>>, vector<16xi32>,
            %mul3A_282 = arith.constant 128 : i32
            %mul3A_283 = arith.muli %add3A_171, %mul3A_282 : i32
            %add3A_284 = arith.constant 112 : i32
            %add3A_285 = arith.addi %mul3A_283, %add3A_284 : i32
            %get3A_286 = arith.index_cast %add3A_285 : i32 to index
            %get3A_287 = tpu.vector_load %arg6[%get3A_286] {strides = array<i32>} : memref<4128xi32, #tpu.memory_space<vmem>>, vector<16xi32>,
            %shift_right_logical3A_288 = arith.constant 15 : i32
            %shift_right_logical3A_289 = vector.broadcast %shift_right_logical3A_288 : i32 to vector<16xi32>
            %shift_right_logical3A_290 = arith.shrui %get3A_287, %shift_right_logical3A_289 : vector<16xi32>
            %swap3A_291 = arith.constant 112 : index
            %swap3A_292 = tpu.vector_load %arg9[%swap3A_291] {strides = array<i32>} : memref<128xi32, #tpu.memory_space<vmem>>, vector<16xi32>,
            tpu.vector_store %arg9[%swap3A_291], %shift_right_logical3A_290 {strides = array<i32>} : memref<128xi32, #tpu.memory_space<vmem>>, vector<16xi32>,
            %and3A_293 = arith.constant 32767 : i32
            %and3A_294 = vector.broadcast %and3A_293 : i32 to vector<16xi32>
            %and3A_295 = arith.andi %get3A_287, %and3A_294 : vector<16xi32>
            %swap3A_296 = arith.constant 112 : index
            %swap3A_297 = tpu.vector_load %arg10[%swap3A_296] {strides = array<i32>} : memref<128xi32, #tpu.memory_space<vmem>>, vector<16xi32>,
            tpu.vector_store %arg10[%swap3A_296], %and3A_295 {strides = array<i32>} : memref<128xi32, #tpu.memory_space<vmem>>, vector<16xi32>,
            %dma_start3A = arith.constant 0 : i32
            %dma_start3A_298 = arith.constant 0 : i32
            %dma_start3A_299 = tpu.memref_slice %arg2[%dma_start3A, %dma_start3A_298] : memref<100352x64xf32, #tpu.memory_space<hbm>> -> memref<100352x64xf32, #tpu.memory_space<hbm>>
            tpu.enqueue_indirect_dma source(%dma_start3A_299 : memref<100352x64xf32, #tpu.memory_space<hbm>>) target(%arg12 : memref<128x64xf32, #tpu.memory_space<vmem>>) offsets(%arg9 : memref<128xi32, #tpu.memory_space<vmem>>) semaphore(%arg15 : memref<!tpu.dma_semaphore, #tpu.memory_space<semaphore_mem>>)
          } else {
          }
          %dma_wait3A = arith.constant 0 : i32
          %dma_wait3A_156 = arith.constant 0 : i32
          %dma_wait3A_157 = tpu.memref_slice %arg2[%dma_wait3A, %dma_wait3A_156] : memref<100352x64xf32, #tpu.memory_space<hbm>> -> memref<100352x64xf32, #tpu.memory_space<hbm>>
          tpu.wait_indirect_dma semaphore(%arg14 : memref<!tpu.dma_semaphore, #tpu.memory_space<semaphore_mem>>) src(%dma_wait3A_157 : memref<100352x64xf32, #tpu.memory_space<hbm>>) dst(%arg11 : memref<128x64xf32, #tpu.memory_space<vmem>>)
          "tpu.region"() ({
            %run_scoped3A = tpu.sem_alloc : memref<!tpu.dma_semaphore, #tpu.memory_space<semaphore_mem>>
            %dma_start3A = arith.constant 0 : i32
            %dma_start3A_170 = arith.constant 0 : i32
            %dma_start3A_171 = tpu.memref_slice %arg13[%dma_start3A, %dma_start3A_170] : memref<25088x64xf32, #tpu.memory_space<vmem_shared>> -> memref<25088x64xf32, #tpu.memory_space<vmem_shared>>
            tpu.enqueue_indirect_dma source(%arg11 : memref<128x64xf32, #tpu.memory_space<vmem>>) target(%dma_start3A_171 : memref<25088x64xf32, #tpu.memory_space<vmem_shared>>) offsets(%arg8 : memref<128xi32, #tpu.memory_space<vmem>>) semaphore(%run_scoped3A : memref<!tpu.dma_semaphore, #tpu.memory_space<semaphore_mem>>) {add = true}
            %dma_wait3A_172 = arith.constant 0 : i32
            %dma_wait3A_173 = arith.constant 0 : i32
            %dma_wait3A_174 = tpu.memref_slice %arg13[%dma_wait3A_172, %dma_wait3A_173] : memref<25088x64xf32, #tpu.memory_space<vmem_shared>> -> memref<25088x64xf32, #tpu.memory_space<vmem_shared>>
            tpu.wait_indirect_dma semaphore(%run_scoped3A : memref<!tpu.dma_semaphore, #tpu.memory_space<semaphore_mem>>) src(%arg11 : memref<128x64xf32, #tpu.memory_space<vmem>>) dst(%dma_wait3A_174 : memref<25088x64xf32, #tpu.memory_space<vmem_shared>>)
            tpu.yield
          }) : () -> ()
          %add3A_158 = arith.constant 2 : i32
          %add3A_159 = arith.addi %mul3A_150, %add3A_158 : i32
          %lt3A_160 = arith.cmpi slt, %add3A_159, %select_n3A : i32
          %convert_element_type3A_161 = arith.extui %lt3A_160 : i1 to i32
          %cond3A_162 = arith.constant 0 : i32
          %cond3A_163 = arith.cmpi ne, %convert_element_type3A_161, %cond3A_162 : i32
          scf.if %cond3A_163 {
            %add3A_170 = arith.constant 2 : i32
            %add3A_171 = arith.addi %mul3A_150, %add3A_170 : i32
            %mul3A_172 = arith.constant 128 : i32
            %mul3A_173 = arith.muli %add3A_171, %mul3A_172 : i32
            %add3A_174 = arith.constant 0 : i32
            %add3A_175 = arith.addi %mul3A_173, %add3A_174 : i32
            %get3A = arith.index_cast %add3A_175 : i32 to index
            %get3A_176 = tpu.vector_load %arg6[%get3A] {strides = array<i32>} : memref<4128xi32, #tpu.memory_space<vmem>>, vector<16xi32>,
            %shift_right_logical3A = arith.constant 15 : i32
            %shift_right_logical3A_177 = vector.broadcast %shift_right_logical3A : i32 to vector<16xi32>
            %shift_right_logical3A_178 = arith.shrui %get3A_176, %shift_right_logical3A_177 : vector<16xi32>
            %swap3A_179 = arith.constant 0 : index
            %swap3A_180 = tpu.vector_load %arg7[%swap3A_179] {strides = array<i32>} : memref<128xi32, #tpu.memory_space<vmem>>, vector<16xi32>,
            tpu.vector_store %arg7[%swap3A_179], %shift_right_logical3A_178 {strides = array<i32>} : memref<128xi32, #tpu.memory_space<vmem>>, vector<16xi32>,
            %and3A_181 = arith.constant 32767 : i32
            %and3A_182 = vector.broadcast %and3A_181 : i32 to vector<16xi32>
            %and3A_183 = arith.andi %get3A_176, %and3A_182 : vector<16xi32>
            %swap3A_184 = arith.constant 0 : index
            %swap3A_185 = tpu.vector_load %arg8[%swap3A_184] {strides = array<i32>} : memref<128xi32, #tpu.memory_space<vmem>>, vector<16xi32>,
            tpu.vector_store %arg8[%swap3A_184], %and3A_183 {strides = array<i32>} : memref<128xi32, #tpu.memory_space<vmem>>, vector<16xi32>,
            %mul3A_186 = arith.constant 128 : i32
            %mul3A_187 = arith.muli %add3A_171, %mul3A_186 : i32
            %add3A_188 = arith.constant 16 : i32
            %add3A_189 = arith.addi %mul3A_187, %add3A_188 : i32
            %get3A_190 = arith.index_cast %add3A_189 : i32 to index
            %get3A_191 = tpu.vector_load %arg6[%get3A_190] {strides = array<i32>} : memref<4128xi32, #tpu.memory_space<vmem>>, vector<16xi32>,
            %shift_right_logical3A_192 = arith.constant 15 : i32
            %shift_right_logical3A_193 = vector.broadcast %shift_right_logical3A_192 : i32 to vector<16xi32>
            %shift_right_logical3A_194 = arith.shrui %get3A_191, %shift_right_logical3A_193 : vector<16xi32>
            %swap3A_195 = arith.constant 16 : index
            %swap3A_196 = tpu.vector_load %arg7[%swap3A_195] {strides = array<i32>} : memref<128xi32, #tpu.memory_space<vmem>>, vector<16xi32>,
            tpu.vector_store %arg7[%swap3A_195], %shift_right_logical3A_194 {strides = array<i32>} : memref<128xi32, #tpu.memory_space<vmem>>, vector<16xi32>,
            %and3A_197 = arith.constant 32767 : i32
            %and3A_198 = vector.broadcast %and3A_197 : i32 to vector<16xi32>
            %and3A_199 = arith.andi %get3A_191, %and3A_198 : vector<16xi32>
            %swap3A_200 = arith.constant 16 : index
            %swap3A_201 = tpu.vector_load %arg8[%swap3A_200] {strides = array<i32>} : memref<128xi32, #tpu.memory_space<vmem>>, vector<16xi32>,
            tpu.vector_store %arg8[%swap3A_200], %and3A_199 {strides = array<i32>} : memref<128xi32, #tpu.memory_space<vmem>>, vector<16xi32>,
            %mul3A_202 = arith.constant 128 : i32
            %mul3A_203 = arith.muli %add3A_171, %mul3A_202 : i32
            %add3A_204 = arith.constant 32 : i32
            %add3A_205 = arith.addi %mul3A_203, %add3A_204 : i32
            %get3A_206 = arith.index_cast %add3A_205 : i32 to index
            %get3A_207 = tpu.vector_load %arg6[%get3A_206] {strides = array<i32>} : memref<4128xi32, #tpu.memory_space<vmem>>, vector<16xi32>,
            %shift_right_logical3A_208 = arith.constant 15 : i32
            %shift_right_logical3A_209 = vector.broadcast %shift_right_logical3A_208 : i32 to vector<16xi32>
            %shift_right_logical3A_210 = arith.shrui %get3A_207, %shift_right_logical3A_209 : vector<16xi32>
            %swap3A_211 = arith.constant 32 : index
            %swap3A_212 = tpu.vector_load %arg7[%swap3A_211] {strides = array<i32>} : memref<128xi32, #tpu.memory_space<vmem>>, vector<16xi32>,
            tpu.vector_store %arg7[%swap3A_211], %shift_right_logical3A_210 {strides = array<i32>} : memref<128xi32, #tpu.memory_space<vmem>>, vector<16xi32>,
            %and3A_213 = arith.constant 32767 : i32
            %and3A_214 = vector.broadcast %and3A_213 : i32 to vector<16xi32>
            %and3A_215 = arith.andi %get3A_207, %and3A_214 : vector<16xi32>
            %swap3A_216 = arith.constant 32 : index
            %swap3A_217 = tpu.vector_load %arg8[%swap3A_216] {strides = array<i32>} : memref<128xi32, #tpu.memory_space<vmem>>, vector<16xi32>,
            tpu.vector_store %arg8[%swap3A_216], %and3A_215 {strides = array<i32>} : memref<128xi32, #tpu.memory_space<vmem>>, vector<16xi32>,
            %mul3A_218 = arith.constant 128 : i32
            %mul3A_219 = arith.muli %add3A_171, %mul3A_218 : i32
            %add3A_220 = arith.constant 48 : i32
            %add3A_221 = arith.addi %mul3A_219, %add3A_220 : i32
            %get3A_222 = arith.index_cast %add3A_221 : i32 to index
            %get3A_223 = tpu.vector_load %arg6[%get3A_222] {strides = array<i32>} : memref<4128xi32, #tpu.memory_space<vmem>>, vector<16xi32>,
            %shift_right_logical3A_224 = arith.constant 15 : i32
            %shift_right_logical3A_225 = vector.broadcast %shift_right_logical3A_224 : i32 to vector<16xi32>
            %shift_right_logical3A_226 = arith.shrui %get3A_223, %shift_right_logical3A_225 : vector<16xi32>
            %swap3A_227 = arith.constant 48 : index
            %swap3A_228 = tpu.vector_load %arg7[%swap3A_227] {strides = array<i32>} : memref<128xi32, #tpu.memory_space<vmem>>, vector<16xi32>,
            tpu.vector_store %arg7[%swap3A_227], %shift_right_logical3A_226 {strides = array<i32>} : memref<128xi32, #tpu.memory_space<vmem>>, vector<16xi32>,
            %and3A_229 = arith.constant 32767 : i32
            %and3A_230 = vector.broadcast %and3A_229 : i32 to vector<16xi32>
            %and3A_231 = arith.andi %get3A_223, %and3A_230 : vector<16xi32>
            %swap3A_232 = arith.constant 48 : index
            %swap3A_233 = tpu.vector_load %arg8[%swap3A_232] {strides = array<i32>} : memref<128xi32, #tpu.memory_space<vmem>>, vector<16xi32>,
            tpu.vector_store %arg8[%swap3A_232], %and3A_231 {strides = array<i32>} : memref<128xi32, #tpu.memory_space<vmem>>, vector<16xi32>,
            %mul3A_234 = arith.constant 128 : i32
            %mul3A_235 = arith.muli %add3A_171, %mul3A_234 : i32
            %add3A_236 = arith.constant 64 : i32
            %add3A_237 = arith.addi %mul3A_235, %add3A_236 : i32
            %get3A_238 = arith.index_cast %add3A_237 : i32 to index
            %get3A_239 = tpu.vector_load %arg6[%get3A_238] {strides = array<i32>} : memref<4128xi32, #tpu.memory_space<vmem>>, vector<16xi32>,
            %shift_right_logical3A_240 = arith.constant 15 : i32
            %shift_right_logical3A_241 = vector.broadcast %shift_right_logical3A_240 : i32 to vector<16xi32>
            %shift_right_logical3A_242 = arith.shrui %get3A_239, %shift_right_logical3A_241 : vector<16xi32>
            %swap3A_243 = arith.constant 64 : index
            %swap3A_244 = tpu.vector_load %arg7[%swap3A_243] {strides = array<i32>} : memref<128xi32, #tpu.memory_space<vmem>>, vector<16xi32>,
            tpu.vector_store %arg7[%swap3A_243], %shift_right_logical3A_242 {strides = array<i32>} : memref<128xi32, #tpu.memory_space<vmem>>, vector<16xi32>,
            %and3A_245 = arith.constant 32767 : i32
            %and3A_246 = vector.broadcast %and3A_245 : i32 to vector<16xi32>
            %and3A_247 = arith.andi %get3A_239, %and3A_246 : vector<16xi32>
            %swap3A_248 = arith.constant 64 : index
            %swap3A_249 = tpu.vector_load %arg8[%swap3A_248] {strides = array<i32>} : memref<128xi32, #tpu.memory_space<vmem>>, vector<16xi32>,
            tpu.vector_store %arg8[%swap3A_248], %and3A_247 {strides = array<i32>} : memref<128xi32, #tpu.memory_space<vmem>>, vector<16xi32>,
            %mul3A_250 = arith.constant 128 : i32
            %mul3A_251 = arith.muli %add3A_171, %mul3A_250 : i32
            %add3A_252 = arith.constant 80 : i32
            %add3A_253 = arith.addi %mul3A_251, %add3A_252 : i32
            %get3A_254 = arith.index_cast %add3A_253 : i32 to index
            %get3A_255 = tpu.vector_load %arg6[%get3A_254] {strides = array<i32>} : memref<4128xi32, #tpu.memory_space<vmem>>, vector<16xi32>,
            %shift_right_logical3A_256 = arith.constant 15 : i32
            %shift_right_logical3A_257 = vector.broadcast %shift_right_logical3A_256 : i32 to vector<16xi32>
            %shift_right_logical3A_258 = arith.shrui %get3A_255, %shift_right_logical3A_257 : vector<16xi32>
            %swap3A_259 = arith.constant 80 : index
            %swap3A_260 = tpu.vector_load %arg7[%swap3A_259] {strides = array<i32>} : memref<128xi32, #tpu.memory_space<vmem>>, vector<16xi32>,
            tpu.vector_store %arg7[%swap3A_259], %shift_right_logical3A_258 {strides = array<i32>} : memref<128xi32, #tpu.memory_space<vmem>>, vector<16xi32>,
            %and3A_261 = arith.constant 32767 : i32
            %and3A_262 = vector.broadcast %and3A_261 : i32 to vector<16xi32>
            %and3A_263 = arith.andi %get3A_255, %and3A_262 : vector<16xi32>
            %swap3A_264 = arith.constant 80 : index
            %swap3A_265 = tpu.vector_load %arg8[%swap3A_264] {strides = array<i32>} : memref<128xi32, #tpu.memory_space<vmem>>, vector<16xi32>,
            tpu.vector_store %arg8[%swap3A_264], %and3A_263 {strides = array<i32>} : memref<128xi32, #tpu.memory_space<vmem>>, vector<16xi32>,
            %mul3A_266 = arith.constant 128 : i32
            %mul3A_267 = arith.muli %add3A_171, %mul3A_266 : i32
            %add3A_268 = arith.constant 96 : i32
            %add3A_269 = arith.addi %mul3A_267, %add3A_268 : i32
            %get3A_270 = arith.index_cast %add3A_269 : i32 to index
            %get3A_271 = tpu.vector_load %arg6[%get3A_270] {strides = array<i32>} : memref<4128xi32, #tpu.memory_space<vmem>>, vector<16xi32>,
            %shift_right_logical3A_272 = arith.constant 15 : i32
            %shift_right_logical3A_273 = vector.broadcast %shift_right_logical3A_272 : i32 to vector<16xi32>
            %shift_right_logical3A_274 = arith.shrui %get3A_271, %shift_right_logical3A_273 : vector<16xi32>
            %swap3A_275 = arith.constant 96 : index
            %swap3A_276 = tpu.vector_load %arg7[%swap3A_275] {strides = array<i32>} : memref<128xi32, #tpu.memory_space<vmem>>, vector<16xi32>,
            tpu.vector_store %arg7[%swap3A_275], %shift_right_logical3A_274 {strides = array<i32>} : memref<128xi32, #tpu.memory_space<vmem>>, vector<16xi32>,
            %and3A_277 = arith.constant 32767 : i32
            %and3A_278 = vector.broadcast %and3A_277 : i32 to vector<16xi32>
            %and3A_279 = arith.andi %get3A_271, %and3A_278 : vector<16xi32>
            %swap3A_280 = arith.constant 96 : index
            %swap3A_281 = tpu.vector_load %arg8[%swap3A_280] {strides = array<i32>} : memref<128xi32, #tpu.memory_space<vmem>>, vector<16xi32>,
            tpu.vector_store %arg8[%swap3A_280], %and3A_279 {strides = array<i32>} : memref<128xi32, #tpu.memory_space<vmem>>, vector<16xi32>,
            %mul3A_282 = arith.constant 128 : i32
            %mul3A_283 = arith.muli %add3A_171, %mul3A_282 : i32
            %add3A_284 = arith.constant 112 : i32
            %add3A_285 = arith.addi %mul3A_283, %add3A_284 : i32
            %get3A_286 = arith.index_cast %add3A_285 : i32 to index
            %get3A_287 = tpu.vector_load %arg6[%get3A_286] {strides = array<i32>} : memref<4128xi32, #tpu.memory_space<vmem>>, vector<16xi32>,
            %shift_right_logical3A_288 = arith.constant 15 : i32
            %shift_right_logical3A_289 = vector.broadcast %shift_right_logical3A_288 : i32 to vector<16xi32>
            %shift_right_logical3A_290 = arith.shrui %get3A_287, %shift_right_logical3A_289 : vector<16xi32>
            %swap3A_291 = arith.constant 112 : index
            %swap3A_292 = tpu.vector_load %arg7[%swap3A_291] {strides = array<i32>} : memref<128xi32, #tpu.memory_space<vmem>>, vector<16xi32>,
            tpu.vector_store %arg7[%swap3A_291], %shift_right_logical3A_290 {strides = array<i32>} : memref<128xi32, #tpu.memory_space<vmem>>, vector<16xi32>,
            %and3A_293 = arith.constant 32767 : i32
            %and3A_294 = vector.broadcast %and3A_293 : i32 to vector<16xi32>
            %and3A_295 = arith.andi %get3A_287, %and3A_294 : vector<16xi32>
            %swap3A_296 = arith.constant 112 : index
            %swap3A_297 = tpu.vector_load %arg8[%swap3A_296] {strides = array<i32>} : memref<128xi32, #tpu.memory_space<vmem>>, vector<16xi32>,
            tpu.vector_store %arg8[%swap3A_296], %and3A_295 {strides = array<i32>} : memref<128xi32, #tpu.memory_space<vmem>>, vector<16xi32>,
            %dma_start3A = arith.constant 0 : i32
            %dma_start3A_298 = arith.constant 0 : i32
            %dma_start3A_299 = tpu.memref_slice %arg2[%dma_start3A, %dma_start3A_298] : memref<100352x64xf32, #tpu.memory_space<hbm>> -> memref<100352x64xf32, #tpu.memory_space<hbm>>
            tpu.enqueue_indirect_dma source(%dma_start3A_299 : memref<100352x64xf32, #tpu.memory_space<hbm>>) target(%arg11 : memref<128x64xf32, #tpu.memory_space<vmem>>) offsets(%arg7 : memref<128xi32, #tpu.memory_space<vmem>>) semaphore(%arg14 : memref<!tpu.dma_semaphore, #tpu.memory_space<semaphore_mem>>)
          } else {
          }
          %add3A_164 = arith.constant 1 : i32
          %add3A_165 = arith.addi %mul3A_150, %add3A_164 : i32
          %lt3A_166 = arith.cmpi slt, %add3A_165, %select_n3A : i32
          %convert_element_type3A_167 = arith.extui %lt3A_166 : i1 to i32
          %cond3A_168 = arith.constant 0 : i32
          %cond3A_169 = arith.cmpi ne, %convert_element_type3A_167, %cond3A_168 : i32
          scf.if %cond3A_169 {
            %add3A_170 = arith.constant 1 : i32
            %add3A_171 = arith.addi %mul3A_150, %add3A_170 : i32
            %dma_wait3A_172 = arith.constant 0 : i32
            %dma_wait3A_173 = arith.constant 0 : i32
            %dma_wait3A_174 = tpu.memref_slice %arg2[%dma_wait3A_172, %dma_wait3A_173] : memref<100352x64xf32, #tpu.memory_space<hbm>> -> memref<100352x64xf32, #tpu.memory_space<hbm>>
            tpu.wait_indirect_dma semaphore(%arg15 : memref<!tpu.dma_semaphore, #tpu.memory_space<semaphore_mem>>) src(%dma_wait3A_174 : memref<100352x64xf32, #tpu.memory_space<hbm>>) dst(%arg12 : memref<128x64xf32, #tpu.memory_space<vmem>>)
            "tpu.region"() ({
              %run_scoped3A = tpu.sem_alloc : memref<!tpu.dma_semaphore, #tpu.memory_space<semaphore_mem>>
              %dma_start3A = arith.constant 0 : i32
              %dma_start3A_175 = arith.constant 0 : i32
              %dma_start3A_176 = tpu.memref_slice %arg13[%dma_start3A, %dma_start3A_175] : memref<25088x64xf32, #tpu.memory_space<vmem_shared>> -> memref<25088x64xf32, #tpu.memory_space<vmem_shared>>
              tpu.enqueue_indirect_dma source(%arg12 : memref<128x64xf32, #tpu.memory_space<vmem>>) target(%dma_start3A_176 : memref<25088x64xf32, #tpu.memory_space<vmem_shared>>) offsets(%arg10 : memref<128xi32, #tpu.memory_space<vmem>>) semaphore(%run_scoped3A : memref<!tpu.dma_semaphore, #tpu.memory_space<semaphore_mem>>) {add = true}
              %dma_wait3A_177 = arith.constant 0 : i32
              %dma_wait3A_178 = arith.constant 0 : i32
              %dma_wait3A_179 = tpu.memref_slice %arg13[%dma_wait3A_177, %dma_wait3A_178] : memref<25088x64xf32, #tpu.memory_space<vmem_shared>> -> memref<25088x64xf32, #tpu.memory_space<vmem_shared>>
              tpu.wait_indirect_dma semaphore(%run_scoped3A : memref<!tpu.dma_semaphore, #tpu.memory_space<semaphore_mem>>) src(%arg12 : memref<128x64xf32, #tpu.memory_space<vmem>>) dst(%dma_wait3A_179 : memref<25088x64xf32, #tpu.memory_space<vmem_shared>>)
              tpu.yield
            }) : () -> ()
          } else {
          }
        }
      }
      %scan3A_33 = arith.constant 25 : i32
      %barrier3A_34 = arith.constant 0 : index
      tpu.barrier barrier_id(%barrier3A_34)
      %scan3A_35 = arith.constant 0 : i32
      %scan3A_36 = arith.constant 0 : i32
      %scan3A_37 = arith.constant 12 : i32
      %scan3A_38 = arith.addi %scan3A_36, %scan3A_37 : i32
      %scan3A_39 = arith.constant 1 : i32
      scf.for %scan3A_47 = %scan3A_36 to %scan3A_38 step %scan3A_39  : i32 {
        %mul3A_48 = arith.constant 128 : i32
        %mul3A_49 = arith.muli %scan3A_47, %mul3A_48 : i32
        %add3A_50 = arith.addi %mul3A_3, %mul3A_49 : i32
        "tpu.region"() ({
          %run_scoped3A = tpu.sem_alloc : memref<!tpu.dma_semaphore, #tpu.memory_space<semaphore_mem>>
          %dma_start3A = arith.constant 0 : i32
          %dma_start3A_55 = tpu.memref_slice %arg13[%add3A_50, %dma_start3A] : memref<25088x64xf32, #tpu.memory_space<vmem_shared>> -> memref<128x64xf32, #tpu.memory_space<vmem_shared>>
          %dma_start3A_56 = arith.constant 0 : i32
          %dma_start3A_57 = tpu.memref_slice %arg13[%add3A_50, %dma_start3A_56] : memref<25088x64xf32, #tpu.memory_space<vmem_shared>> -> memref<128x64xf32, #tpu.memory_space<vmem_shared>>
          tpu.enqueue_dma source(%dma_start3A_57 : memref<128x64xf32, #tpu.memory_space<vmem_shared>>) target(%arg11 : memref<128x64xf32, #tpu.memory_space<vmem>>) target_semaphore(%run_scoped3A : memref<!tpu.dma_semaphore, #tpu.memory_space<semaphore_mem>>)
          %dma_wait3A = arith.constant 0 : i32
          %dma_wait3A_58 = tpu.memref_slice %arg13[%add3A_50, %dma_wait3A] : memref<25088x64xf32, #tpu.memory_space<vmem_shared>> -> memref<128x64xf32, #tpu.memory_space<vmem_shared>>
          %dma_wait3A_59 = arith.constant 0 : i32
          %dma_wait3A_60 = tpu.memref_slice %arg13[%add3A_50, %dma_wait3A_59] : memref<25088x64xf32, #tpu.memory_space<vmem_shared>> -> memref<128x64xf32, #tpu.memory_space<vmem_shared>>
          tpu.wait_dma2 semaphore(%run_scoped3A : memref<!tpu.dma_semaphore, #tpu.memory_space<semaphore_mem>>) src(%dma_wait3A_60 : memref<128x64xf32, #tpu.memory_space<vmem_shared>>) dst(%arg11 : memref<128x64xf32, #tpu.memory_space<vmem>>)
          tpu.yield
        }) : () -> ()
        %add3A_51 = arith.addi %mul3A_13, %mul3A_3 : i32
        %mul3A_52 = arith.constant 128 : i32
        %mul3A_53 = arith.muli %scan3A_47, %mul3A_52 : i32
        %add3A_54 = arith.addi %add3A_51, %mul3A_53 : i32
        "tpu.region"() ({
          %run_scoped3A = tpu.sem_alloc : memref<!tpu.dma_semaphore, #tpu.memory_space<semaphore_mem>>
          %dma_start3A = arith.constant 0 : i32
          %dma_start3A_55 = tpu.memref_slice %arg4[%add3A_54, %dma_start3A] : memref<100352x64xf32, #tpu.memory_space<hbm>> -> memref<128x64xf32, #tpu.memory_space<hbm>>
          %dma_start3A_56 = arith.constant 0 : i32
          %dma_start3A_57 = tpu.memref_slice %arg4[%add3A_54, %dma_start3A_56] : memref<100352x64xf32, #tpu.memory_space<hbm>> -> memref<128x64xf32, #tpu.memory_space<hbm>>
          tpu.enqueue_dma source(%arg11 : memref<128x64xf32, #tpu.memory_space<vmem>>) target(%dma_start3A_57 : memref<128x64xf32, #tpu.memory_space<hbm>>) target_semaphore(%run_scoped3A : memref<!tpu.dma_semaphore, #tpu.memory_space<semaphore_mem>>)
          %dma_wait3A = arith.constant 0 : i32
          %dma_wait3A_58 = tpu.memref_slice %arg4[%add3A_54, %dma_wait3A] : memref<100352x64xf32, #tpu.memory_space<hbm>> -> memref<128x64xf32, #tpu.memory_space<hbm>>
          %dma_wait3A_59 = arith.constant 0 : i32
          %dma_wait3A_60 = tpu.memref_slice %arg4[%add3A_54, %dma_wait3A_59] : memref<100352x64xf32, #tpu.memory_space<hbm>> -> memref<128x64xf32, #tpu.memory_space<hbm>>
          tpu.wait_dma2 semaphore(%run_scoped3A : memref<!tpu.dma_semaphore, #tpu.memory_space<semaphore_mem>>) src(%arg11 : memref<128x64xf32, #tpu.memory_space<vmem>>) dst(%dma_wait3A_60 : memref<128x64xf32, #tpu.memory_space<hbm>>)
          tpu.yield
        }) : () -> ()
      }
      %scan3A_40 = arith.constant 12 : i32
      %add3A_41 = arith.constant 1536 : i32
      %add3A_42 = arith.addi %mul3A_3, %add3A_41 : i32
      "tpu.region"() ({
        %run_scoped3A = tpu.sem_alloc : memref<!tpu.dma_semaphore, #tpu.memory_space<semaphore_mem>>
        %dma_start3A = arith.constant 0 : i32
        %dma_start3A_47 = arith.constant 0 : i32
        %dma_start3A_48 = tpu.memref_slice %arg11[%dma_start3A, %dma_start3A_47] : memref<128x64xf32, #tpu.memory_space<vmem>> -> memref<32x64xf32, #tpu.memory_space<vmem>>
        %dma_start3A_49 = arith.constant 0 : i32
        %dma_start3A_50 = tpu.memref_slice %arg13[%add3A_42, %dma_start3A_49] : memref<25088x64xf32, #tpu.memory_space<vmem_shared>> -> memref<32x64xf32, #tpu.memory_space<vmem_shared>>
        %dma_start3A_51 = arith.constant 0 : i32
        %dma_start3A_52 = arith.constant 0 : i32
        %dma_start3A_53 = tpu.memref_slice %arg11[%dma_start3A_51, %dma_start3A_52] : memref<128x64xf32, #tpu.memory_space<vmem>> -> memref<32x64xf32, #tpu.memory_space<vmem>>
        %dma_start3A_54 = arith.constant 0 : i32
        %dma_start3A_55 = tpu.memref_slice %arg13[%add3A_42, %dma_start3A_54] : memref<25088x64xf32, #tpu.memory_space<vmem_shared>> -> memref<32x64xf32, #tpu.memory_space<vmem_shared>>
        tpu.enqueue_dma source(%dma_start3A_55 : memref<32x64xf32, #tpu.memory_space<vmem_shared>>) target(%dma_start3A_53 : memref<32x64xf32, #tpu.memory_space<vmem>>) target_semaphore(%run_scoped3A : memref<!tpu.dma_semaphore, #tpu.memory_space<semaphore_mem>>)
        %dma_wait3A = arith.constant 0 : i32
        %dma_wait3A_56 = arith.constant 0 : i32
        %dma_wait3A_57 = tpu.memref_slice %arg11[%dma_wait3A, %dma_wait3A_56] : memref<128x64xf32, #tpu.memory_space<vmem>> -> memref<32x64xf32, #tpu.memory_space<vmem>>
        %dma_wait3A_58 = arith.constant 0 : i32
        %dma_wait3A_59 = tpu.memref_slice %arg13[%add3A_42, %dma_wait3A_58] : memref<25088x64xf32, #tpu.memory_space<vmem_shared>> -> memref<32x64xf32, #tpu.memory_space<vmem_shared>>
        %dma_wait3A_60 = arith.constant 0 : i32
        %dma_wait3A_61 = arith.constant 0 : i32
        %dma_wait3A_62 = tpu.memref_slice %arg11[%dma_wait3A_60, %dma_wait3A_61] : memref<128x64xf32, #tpu.memory_space<vmem>> -> memref<32x64xf32, #tpu.memory_space<vmem>>
        %dma_wait3A_63 = arith.constant 0 : i32
        %dma_wait3A_64 = tpu.memref_slice %arg13[%add3A_42, %dma_wait3A_63] : memref<25088x64xf32, #tpu.memory_space<vmem_shared>> -> memref<32x64xf32, #tpu.memory_space<vmem_shared>>
        tpu.wait_dma2 semaphore(%run_scoped3A : memref<!tpu.dma_semaphore, #tpu.memory_space<semaphore_mem>>) src(%dma_wait3A_64 : memref<32x64xf32, #tpu.memory_space<vmem_shared>>) dst(%dma_wait3A_62 : memref<32x64xf32, #tpu.memory_space<vmem>>)
        tpu.yield
      }) : () -> ()
      %add3A_43 = arith.addi %mul3A_13, %mul3A_3 : i32
      %add3A_44 = arith.constant 1536 : i32
      %add3A_45 = arith.addi %add3A_43, %add3A_44 : i32
      "tpu.region"() ({
        %run_scoped3A = tpu.sem_alloc : memref<!tpu.dma_semaphore, #tpu.memory_space<semaphore_mem>>
        %dma_start3A = arith.constant 0 : i32
        %dma_start3A_47 = arith.constant 0 : i32
        %dma_start3A_48 = tpu.memref_slice %arg11[%dma_start3A, %dma_start3A_47] : memref<128x64xf32, #tpu.memory_space<vmem>> -> memref<32x64xf32, #tpu.memory_space<vmem>>
        %dma_start3A_49 = arith.constant 0 : i32
        %dma_start3A_50 = tpu.memref_slice %arg4[%add3A_45, %dma_start3A_49] : memref<100352x64xf32, #tpu.memory_space<hbm>> -> memref<32x64xf32, #tpu.memory_space<hbm>>
        %dma_start3A_51 = arith.constant 0 : i32
        %dma_start3A_52 = tpu.memref_slice %arg4[%add3A_45, %dma_start3A_51] : memref<100352x64xf32, #tpu.memory_space<hbm>> -> memref<32x64xf32, #tpu.memory_space<hbm>>
        %dma_start3A_53 = arith.constant 0 : i32
        %dma_start3A_54 = arith.constant 0 : i32
        %dma_start3A_55 = tpu.memref_slice %arg11[%dma_start3A_53, %dma_start3A_54] : memref<128x64xf32, #tpu.memory_space<vmem>> -> memref<32x64xf32, #tpu.memory_space<vmem>>
        tpu.enqueue_dma source(%dma_start3A_55 : memref<32x64xf32, #tpu.memory_space<vmem>>) target(%dma_start3A_52 : memref<32x64xf32, #tpu.memory_space<hbm>>) target_semaphore(%run_scoped3A : memref<!tpu.dma_semaphore, #tpu.memory_space<semaphore_mem>>)
        %dma_wait3A = arith.constant 0 : i32
        %dma_wait3A_56 = arith.constant 0 : i32
        %dma_wait3A_57 = tpu.memref_slice %arg11[%dma_wait3A, %dma_wait3A_56] : memref<128x64xf32, #tpu.memory_space<vmem>> -> memref<32x64xf32, #tpu.memory_space<vmem>>
        %dma_wait3A_58 = arith.constant 0 : i32
        %dma_wait3A_59 = tpu.memref_slice %arg4[%add3A_45, %dma_wait3A_58] : memref<100352x64xf32, #tpu.memory_space<hbm>> -> memref<32x64xf32, #tpu.memory_space<hbm>>
        %dma_wait3A_60 = arith.constant 0 : i32
        %dma_wait3A_61 = tpu.memref_slice %arg4[%add3A_45, %dma_wait3A_60] : memref<100352x64xf32, #tpu.memory_space<hbm>> -> memref<32x64xf32, #tpu.memory_space<hbm>>
        %dma_wait3A_62 = arith.constant 0 : i32
        %dma_wait3A_63 = arith.constant 0 : i32
        %dma_wait3A_64 = tpu.memref_slice %arg11[%dma_wait3A_62, %dma_wait3A_63] : memref<128x64xf32, #tpu.memory_space<vmem>> -> memref<32x64xf32, #tpu.memory_space<vmem>>
        tpu.wait_dma2 semaphore(%run_scoped3A : memref<!tpu.dma_semaphore, #tpu.memory_space<semaphore_mem>>) src(%dma_wait3A_64 : memref<32x64xf32, #tpu.memory_space<vmem>>) dst(%dma_wait3A_61 : memref<32x64xf32, #tpu.memory_space<hbm>>)
        tpu.yield
      }) : () -> ()
      %barrier3A_46 = arith.constant 0 : index
      tpu.barrier barrier_id(%barrier3A_46)
    }
    %scan3A_8 = arith.constant 2 : i32
    return
  }
}

#map = affine_map<(d0, d1) -> (0, 0)>
module attributes {stable_mosaic.version = 14 : i64} {
  func.func @_scatter_body(%arg0: i32, %arg1: i32, %arg2: memref<100352x64xf32, #tpu.memory_space<hbm>>, %arg3: memref<2x1600000xi32, #tpu.memory_space<hbm>>, %arg4: memref<100352x64xf32, #tpu.memory_space<hbm>>, %arg5: memref<2x4000xi32, #tpu.memory_space<vmem>>, %arg6: memref<4128xi32, #tpu.memory_space<vmem>>, %arg7: memref<128xi32, #tpu.memory_space<vmem>>, %arg8: memref<128xi32, #tpu.memory_space<vmem>>, %arg9: memref<128xi32, #tpu.memory_space<vmem>>, %arg10: memref<128xi32, #tpu.memory_space<vmem>>, %arg11: memref<128x64xf32, #tpu.memory_space<vmem>>, %arg12: memref<128x64xf32, #tpu.memory_space<vmem>>, %arg13: memref<25088x64xf32, #tpu.memory_space<vmem_shared>>, %arg14: memref<!tpu.dma_semaphore, #tpu.memory_space<semaphore_mem>>, %arg15: memref<!tpu.dma_semaphore, #tpu.memory_space<semaphore_mem>>) attributes {dimension_semantics = [#tpu.dimension_semantics<core_parallel>, #tpu.dimension_semantics<subcore_parallel>], iteration_bounds = array<i64: 2, 16>, scalar_prefetch = 0 : i64, scratch_operands = 11 : i64, tpu.core_type = #tpu.core_type<sc_vector_subcore>, window_params = [{transform_indices = #map}, {transform_indices = #map}, {transform_indices = #map}]} {
    %broadcast_in_dim3A = arith.constant 0.000000e+00 : f32
    %broadcast_in_dim3A_0 = vector.broadcast %broadcast_in_dim3A : f32 to vector<16xf32>
    %mul3A = arith.constant 100000 : i32
    %mul3A_1 = arith.muli %arg1, %mul3A : i32
    %mul3A_2 = arith.constant 1568 : i32
    %mul3A_3 = arith.muli %arg1, %mul3A_2 : i32
    %scan3A = arith.constant 0 : i32
    %scan3A_4 = arith.constant 0 : i32
    %scan3A_5 = arith.constant 2 : i32
    %scan3A_6 = arith.addi %scan3A_4, %scan3A_5 : i32
    %scan3A_7 = arith.constant 1 : i32
    scf.for %scan3A_9 = %scan3A_4 to %scan3A_6 step %scan3A_7  : i32 {
      %mul3A_10 = arith.constant 2 : i32
      %mul3A_11 = arith.muli %arg0, %mul3A_10 : i32
      %add3A = arith.addi %mul3A_11, %scan3A_9 : i32
      %mul3A_12 = arith.constant 25088 : i32
      %mul3A_13 = arith.muli %add3A, %mul3A_12 : i32
      %scan3A_14 = arith.constant 0 : i32
      %scan3A_15 = arith.constant 0 : i32
      %scan3A_16 = arith.constant 128 : i32
      %scan3A_17 = arith.addi %scan3A_15, %scan3A_16 : i32
      %scan3A_18 = arith.constant 1 : i32
      scf.for %scan3A_47 = %scan3A_15 to %scan3A_17 step %scan3A_18  : i32 {
        %swap3A = arith.index_cast %scan3A_47 : i32 to index
        %swap3A_48 = arith.constant 0 : index
        %swap3A_49 = tpu.vector_load %arg11[%swap3A, %swap3A_48] {strides = array<i32>} : memref<128x64xf32, #tpu.memory_space<vmem>>, vector<16xf32>,
        tpu.vector_store %arg11[%swap3A, %swap3A_48], %broadcast_in_dim3A_0 {strides = array<i32>} : memref<128x64xf32, #tpu.memory_space<vmem>>, vector<16xf32>,
        %swap3A_50 = arith.index_cast %scan3A_47 : i32 to index
        %swap3A_51 = arith.constant 16 : index
        %swap3A_52 = tpu.vector_load %arg11[%swap3A_50, %swap3A_51] {strides = array<i32>} : memref<128x64xf32, #tpu.memory_space<vmem>>, vector<16xf32>,
        tpu.vector_store %arg11[%swap3A_50, %swap3A_51], %broadcast_in_dim3A_0 {strides = array<i32>} : memref<128x64xf32, #tpu.memory_space<vmem>>, vector<16xf32>,
        %swap3A_53 = arith.index_cast %scan3A_47 : i32 to index
        %swap3A_54 = arith.constant 32 : index
        %swap3A_55 = tpu.vector_load %arg11[%swap3A_53, %swap3A_54] {strides = array<i32>} : memref<128x64xf32, #tpu.memory_space<vmem>>, vector<16xf32>,
        tpu.vector_store %arg11[%swap3A_53, %swap3A_54], %broadcast_in_dim3A_0 {strides = array<i32>} : memref<128x64xf32, #tpu.memory_space<vmem>>, vector<16xf32>,
        %swap3A_56 = arith.index_cast %scan3A_47 : i32 to index
        %swap3A_57 = arith.constant 48 : index
        %swap3A_58 = tpu.vector_load %arg11[%swap3A_56, %swap3A_57] {strides = array<i32>} : memref<128x64xf32, #tpu.memory_space<vmem>>, vector<16xf32>,
        tpu.vector_store %arg11[%swap3A_56, %swap3A_57], %broadcast_in_dim3A_0 {strides = array<i32>} : memref<128x64xf32, #tpu.memory_space<vmem>>, vector<16xf32>,
      }
      %scan3A_19 = arith.constant 128 : i32
      %scan3A_20 = arith.constant 0 : i32
      %scan3A_21 = arith.constant 0 : i32
      %scan3A_22 = arith.constant 12 : i32
      %scan3A_23 = arith.addi %scan3A_21, %scan3A_22 : i32
      %scan3A_24 = arith.constant 1 : i32
      scf.for %scan3A_47 = %scan3A_21 to %scan3A_23 step %scan3A_24  : i32 {
        %mul3A_48 = arith.constant 128 : i32
        %mul3A_49 = arith.muli %scan3A_47, %mul3A_48 : i32
        %add3A_50 = arith.addi %mul3A_3, %mul3A_49 : i32
        "tpu.region"() ({
          %run_scoped3A = tpu.sem_alloc : memref<!tpu.dma_semaphore, #tpu.memory_space<semaphore_mem>>
          %dma_start3A = arith.constant 0 : i32
          %dma_start3A_51 = tpu.memref_slice %arg13[%add3A_50, %dma_start3A] : memref<25088x64xf32, #tpu.memory_space<vmem_shared>> -> memref<128x64xf32, #tpu.memory_space<vmem_shared>>
          %dma_start3A_52 = arith.constant 0 : i32
          %dma_start3A_53 = tpu.memref_slice %arg13[%add3A_50, %dma_start3A_52] : memref<25088x64xf32, #tpu.memory_space<vmem_shared>> -> memref<128x64xf32, #tpu.memory_space<vmem_shared>>
          tpu.enqueue_dma source(%arg11 : memref<128x64xf32, #tpu.memory_space<vmem>>) target(%dma_start3A_53 : memref<128x64xf32, #tpu.memory_space<vmem_shared>>) target_semaphore(%run_scoped3A : memref<!tpu.dma_semaphore, #tpu.memory_space<semaphore_mem>>)
          %dma_wait3A = arith.constant 0 : i32
          %dma_wait3A_54 = tpu.memref_slice %arg13[%add3A_50, %dma_wait3A] : memref<25088x64xf32, #tpu.memory_space<vmem_shared>> -> memref<128x64xf32, #tpu.memory_space<vmem_shared>>
          %dma_wait3A_55 = arith.constant 0 : i32
          %dma_wait3A_56 = tpu.memref_slice %arg13[%add3A_50, %dma_wait3A_55] : memref<25088x64xf32, #tpu.memory_space<vmem_shared>> -> memref<128x64xf32, #tpu.memory_space<vmem_shared>>
          tpu.wait_dma2 semaphore(%run_scoped3A : memref<!tpu.dma_semaphore, #tpu.memory_space<semaphore_mem>>) src(%arg11 : memref<128x64xf32, #tpu.memory_space<vmem>>) dst(%dma_wait3A_56 : memref<128x64xf32, #tpu.memory_space<vmem_shared>>)
          tpu.yield
        }) : () -> ()
      }
      %scan3A_25 = arith.constant 12 : i32
      %add3A_26 = arith.constant 1536 : i32
      %add3A_27 = arith.addi %mul3A_3, %add3A_26 : i32
      "tpu.region"() ({
        %run_scoped3A = tpu.sem_alloc : memref<!tpu.dma_semaphore, #tpu.memory_space<semaphore_mem>>
        %dma_start3A = arith.constant 0 : i32
        %dma_start3A_47 = arith.constant 0 : i32
        %dma_start3A_48 = tpu.memref_slice %arg11[%dma_start3A, %dma_start3A_47] : memref<128x64xf32, #tpu.memory_space<vmem>> -> memref<32x64xf32, #tpu.memory_space<vmem>>
        %dma_start3A_49 = arith.constant 0 : i32
        %dma_start3A_50 = tpu.memref_slice %arg13[%add3A_27, %dma_start3A_49] : memref<25088x64xf32, #tpu.memory_space<vmem_shared>> -> memref<32x64xf32, #tpu.memory_space<vmem_shared>>
        %dma_start3A_51 = arith.constant 0 : i32
        %dma_start3A_52 = tpu.memref_slice %arg13[%add3A_27, %dma_start3A_51] : memref<25088x64xf32, #tpu.memory_space<vmem_shared>> -> memref<32x64xf32, #tpu.memory_space<vmem_shared>>
        %dma_start3A_53 = arith.constant 0 : i32
        %dma_start3A_54 = arith.constant 0 : i32
        %dma_start3A_55 = tpu.memref_slice %arg11[%dma_start3A_53, %dma_start3A_54] : memref<128x64xf32, #tpu.memory_space<vmem>> -> memref<32x64xf32, #tpu.memory_space<vmem>>
        tpu.enqueue_dma source(%dma_start3A_55 : memref<32x64xf32, #tpu.memory_space<vmem>>) target(%dma_start3A_52 : memref<32x64xf32, #tpu.memory_space<vmem_shared>>) target_semaphore(%run_scoped3A : memref<!tpu.dma_semaphore, #tpu.memory_space<semaphore_mem>>)
        %dma_wait3A = arith.constant 0 : i32
        %dma_wait3A_56 = arith.constant 0 : i32
        %dma_wait3A_57 = tpu.memref_slice %arg11[%dma_wait3A, %dma_wait3A_56] : memref<128x64xf32, #tpu.memory_space<vmem>> -> memref<32x64xf32, #tpu.memory_space<vmem>>
        %dma_wait3A_58 = arith.constant 0 : i32
        %dma_wait3A_59 = tpu.memref_slice %arg13[%add3A_27, %dma_wait3A_58] : memref<25088x64xf32, #tpu.memory_space<vmem_shared>> -> memref<32x64xf32, #tpu.memory_space<vmem_shared>>
        %dma_wait3A_60 = arith.constant 0 : i32
        %dma_wait3A_61 = tpu.memref_slice %arg13[%add3A_27, %dma_wait3A_60] : memref<25088x64xf32, #tpu.memory_space<vmem_shared>> -> memref<32x64xf32, #tpu.memory_space<vmem_shared>>
        %dma_wait3A_62 = arith.constant 0 : i32
        %dma_wait3A_63 = arith.constant 0 : i32
        %dma_wait3A_64 = tpu.memref_slice %arg11[%dma_wait3A_62, %dma_wait3A_63] : memref<128x64xf32, #tpu.memory_space<vmem>> -> memref<32x64xf32, #tpu.memory_space<vmem>>
        tpu.wait_dma2 semaphore(%run_scoped3A : memref<!tpu.dma_semaphore, #tpu.memory_space<semaphore_mem>>) src(%dma_wait3A_64 : memref<32x64xf32, #tpu.memory_space<vmem>>) dst(%dma_wait3A_61 : memref<32x64xf32, #tpu.memory_space<vmem_shared>>)
        tpu.yield
      }) : () -> ()
      %barrier3A = arith.constant 0 : index
      tpu.barrier barrier_id(%barrier3A)
      %scan3A_28 = arith.constant 0 : i32
      %scan3A_29 = arith.constant 0 : i32
      %scan3A_30 = arith.constant 25 : i32
      %scan3A_31 = arith.addi %scan3A_29, %scan3A_30 : i32
      %scan3A_32 = arith.constant 1 : i32
      scf.for %scan3A_47 = %scan3A_29 to %scan3A_31 step %scan3A_32  : i32 {
        %mul3A_48 = arith.constant 4000 : i32
        %mul3A_49 = arith.muli %scan3A_47, %mul3A_48 : i32
        %add3A_50 = arith.addi %mul3A_1, %mul3A_49 : i32
        "tpu.region"() ({
          %run_scoped3A = tpu.sem_alloc : memref<!tpu.dma_semaphore, #tpu.memory_space<semaphore_mem>>
          %dma_start3A = arith.constant 0 : i32
          %dma_start3A_148 = tpu.memref_slice %arg3[%dma_start3A, %add3A_50] : memref<2x1600000xi32, #tpu.memory_space<hbm>> -> memref<2x4000xi32, #tpu.memory_space<hbm>>
          %dma_start3A_149 = arith.constant 0 : i32
          %dma_start3A_150 = tpu.memref_slice %arg3[%dma_start3A_149, %add3A_50] : memref<2x1600000xi32, #tpu.memory_space<hbm>> -> memref<2x4000xi32, #tpu.memory_space<hbm>>
          tpu.enqueue_dma source(%dma_start3A_150 : memref<2x4000xi32, #tpu.memory_space<hbm>>) target(%arg5 : memref<2x4000xi32, #tpu.memory_space<vmem>>) target_semaphore(%run_scoped3A : memref<!tpu.dma_semaphore, #tpu.memory_space<semaphore_mem>>)
          %dma_wait3A = arith.constant 0 : i32
          %dma_wait3A_151 = tpu.memref_slice %arg3[%dma_wait3A, %add3A_50] : memref<2x1600000xi32, #tpu.memory_space<hbm>> -> memref<2x4000xi32, #tpu.memory_space<hbm>>
          %dma_wait3A_152 = arith.constant 0 : i32
          %dma_wait3A_153 = tpu.memref_slice %arg3[%dma_wait3A_152, %add3A_50] : memref<2x1600000xi32, #tpu.memory_space<hbm>> -> memref<2x4000xi32, #tpu.memory_space<hbm>>
          tpu.wait_dma2 semaphore(%run_scoped3A : memref<!tpu.dma_semaphore, #tpu.memory_space<semaphore_mem>>) src(%dma_wait3A_153 : memref<2x4000xi32, #tpu.memory_space<hbm>>) dst(%arg5 : memref<2x4000xi32, #tpu.memory_space<vmem>>)
          tpu.yield
        }) : () -> ()
        %scan3A_51 = arith.constant 0 : i32
        %scan3A_52 = arith.constant 0 : i32
        %scan3A_53 = arith.constant 250 : i32
        %scan3A_54 = arith.addi %scan3A_52, %scan3A_53 : i32
        %scan3A_55 = arith.constant 1 : i32
        %scan3A_56 = scf.for %scan3A_148 = %scan3A_52 to %scan3A_54 step %scan3A_55 iter_args(%scan3A_149 = %scan3A_51) -> (i32)  : i32 {
          %mul3A_150 = arith.constant 16 : i32
          %mul3A_151 = arith.muli %scan3A_148, %mul3A_150 : i32
          %get3A = arith.constant 0 : i32
          %get3A_152 = arith.index_cast %get3A : i32 to index
          %get3A_153 = arith.index_cast %mul3A_151 : i32 to index
          %get3A_154 = tpu.vector_load %arg5[%get3A_152, %get3A_153] {strides = array<i32>} : memref<2x4000xi32, #tpu.memory_space<vmem>>, vector<16xi32>,
          %mul3A_155 = arith.constant 16 : i32
          %mul3A_156 = arith.muli %scan3A_148, %mul3A_155 : i32
          %get3A_157 = arith.constant 1 : i32
          %get3A_158 = arith.index_cast %get3A_157 : i32 to index
          %get3A_159 = arith.index_cast %mul3A_156 : i32 to index
          %get3A_160 = tpu.vector_load %arg5[%get3A_158, %get3A_159] {strides = array<i32>} : memref<2x4000xi32, #tpu.memory_space<vmem>>, vector<16xi32>,
          %ge3A = vector.broadcast %mul3A_13 : i32 to vector<16xi32>
          %ge3A_161 = arith.cmpi sge, %get3A_160, %ge3A : vector<16xi32>
          %add3A_162 = arith.constant 25088 : i32
          %add3A_163 = arith.addi %mul3A_13, %add3A_162 : i32
          %lt3A = vector.broadcast %add3A_163 : i32 to vector<16xi32>
          %lt3A_164 = arith.cmpi slt, %get3A_160, %lt3A : vector<16xi32>
          %and3A_165 = arith.andi %ge3A_161, %lt3A_164 : vector<16xi1>
          %shift_left3A = arith.constant 15 : i32
          %shift_left3A_166 = vector.broadcast %shift_left3A : i32 to vector<16xi32>
          %shift_left3A_167 = arith.shli %get3A_154, %shift_left3A_166 : vector<16xi32>
          %sub3A_168 = vector.broadcast %mul3A_13 : i32 to vector<16xi32>
          %sub3A_169 = arith.subi %get3A_160, %sub3A_168 : vector<16xi32>
          %and3A_170 = arith.constant 32767 : i32
          %and3A_171 = vector.broadcast %and3A_170 : i32 to vector<16xi32>
          %and3A_172 = arith.andi %sub3A_169, %and3A_171 : vector<16xi32>
          %or3A = arith.ori %shift_left3A_167, %and3A_172 : vector<16xi32>
          %convert_element_type3A_173 = arith.extui %and3A_165 : vector<16xi1> to vector<16xi32>
          %broadcast_in_dim3A_174 = arith.constant true
          %broadcast_in_dim3A_175 = vector.broadcast %broadcast_in_dim3A_174 : i1 to vector<16xi1>
          %masked_cumsum3A = tpu.scan <sum>, %convert_element_type3A_173 masked %broadcast_in_dim3A_175 : vector<16xi32>, vector<16xi1> -> vector<16xi32>
          %add3A_176 = vector.broadcast %scan3A_149 : i32 to vector<16xi32>
          %add3A_177 = arith.addi %add3A_176, %masked_cumsum3A : vector<16xi32>
          %sub3A_178 = arith.constant 1 : i32
          %sub3A_179 = vector.broadcast %sub3A_178 : i32 to vector<16xi32>
          %sub3A_180 = arith.subi %add3A_177, %sub3A_179 : vector<16xi32>
          tpu.vector_store_idx %arg6[%sub3A_180], %or3A masked %and3A_165 : memref<4128xi32, #tpu.memory_space<vmem>>[vector<16xi32>], vector<16xi32>, vector<16xi1>
          %all_reduce_population_count3A = tpu.all_reduce %and3A_165 {dim = 0 : i64, kind = #tpu.reduction_kind<sum>} : vector<16xi1> -> vector<16xi32>
          %slice3A = vector.extract_strided_slice %all_reduce_population_count3A {offsets = [0], sizes = [1], strides = [1]} : vector<16xi32> to vector<1xi32>
          %squeeze3A = vector.extract %slice3A[0] : i32 from vector<1xi32>
          %add3A_181 = arith.addi %scan3A_149, %squeeze3A : i32
          scf.yield %add3A_181 : i32
        }
        %scan3A_57 = arith.constant 250 : i32
        %broadcast_in_dim3A_58 = arith.constant -1018167296 : i32
        %broadcast_in_dim3A_59 = vector.broadcast %broadcast_in_dim3A_58 : i32 to vector<16xi32>
        %add3A_60 = arith.constant 0 : i32
        %add3A_61 = arith.addi %scan3A_56, %add3A_60 : i32
        %swap3A = arith.index_cast %add3A_61 : i32 to index
        %swap3A_62 = tpu.vector_load %arg6[%swap3A] {strides = array<i32>} : memref<4128xi32, #tpu.memory_space<vmem>>, vector<16xi32>,
        tpu.vector_store %arg6[%swap3A], %broadcast_in_dim3A_59 {strides = array<i32>} : memref<4128xi32, #tpu.memory_space<vmem>>, vector<16xi32>,
        %add3A_63 = arith.constant 16 : i32
        %add3A_64 = arith.addi %scan3A_56, %add3A_63 : i32
        %swap3A_65 = arith.index_cast %add3A_64 : i32 to index
        %swap3A_66 = tpu.vector_load %arg6[%swap3A_65] {strides = array<i32>} : memref<4128xi32, #tpu.memory_space<vmem>>, vector<16xi32>,
        tpu.vector_store %arg6[%swap3A_65], %broadcast_in_dim3A_59 {strides = array<i32>} : memref<4128xi32, #tpu.memory_space<vmem>>, vector<16xi32>,
        %add3A_67 = arith.constant 32 : i32
        %add3A_68 = arith.addi %scan3A_56, %add3A_67 : i32
        %swap3A_69 = arith.index_cast %add3A_68 : i32 to index
        %swap3A_70 = tpu.vector_load %arg6[%swap3A_69] {strides = array<i32>} : memref<4128xi32, #tpu.memory_space<vmem>>, vector<16xi32>,
        tpu.vector_store %arg6[%swap3A_69], %broadcast_in_dim3A_59 {strides = array<i32>} : memref<4128xi32, #tpu.memory_space<vmem>>, vector<16xi32>,
        %add3A_71 = arith.constant 48 : i32
        %add3A_72 = arith.addi %scan3A_56, %add3A_71 : i32
        %swap3A_73 = arith.index_cast %add3A_72 : i32 to index
        %swap3A_74 = tpu.vector_load %arg6[%swap3A_73] {strides = array<i32>} : memref<4128xi32, #tpu.memory_space<vmem>>, vector<16xi32>,
        tpu.vector_store %arg6[%swap3A_73], %broadcast_in_dim3A_59 {strides = array<i32>} : memref<4128xi32, #tpu.memory_space<vmem>>, vector<16xi32>,
        %add3A_75 = arith.constant 64 : i32
        %add3A_76 = arith.addi %scan3A_56, %add3A_75 : i32
        %swap3A_77 = arith.index_cast %add3A_76 : i32 to index
        %swap3A_78 = tpu.vector_load %arg6[%swap3A_77] {strides = array<i32>} : memref<4128xi32, #tpu.memory_space<vmem>>, vector<16xi32>,
        tpu.vector_store %arg6[%swap3A_77], %broadcast_in_dim3A_59 {strides = array<i32>} : memref<4128xi32, #tpu.memory_space<vmem>>, vector<16xi32>,
        %add3A_79 = arith.constant 80 : i32
        %add3A_80 = arith.addi %scan3A_56, %add3A_79 : i32
        %swap3A_81 = arith.index_cast %add3A_80 : i32 to index
        %swap3A_82 = tpu.vector_load %arg6[%swap3A_81] {strides = array<i32>} : memref<4128xi32, #tpu.memory_space<vmem>>, vector<16xi32>,
        tpu.vector_store %arg6[%swap3A_81], %broadcast_in_dim3A_59 {strides = array<i32>} : memref<4128xi32, #tpu.memory_space<vmem>>, vector<16xi32>,
        %add3A_83 = arith.constant 96 : i32
        %add3A_84 = arith.addi %scan3A_56, %add3A_83 : i32
        %swap3A_85 = arith.index_cast %add3A_84 : i32 to index
        %swap3A_86 = tpu.vector_load %arg6[%swap3A_85] {strides = array<i32>} : memref<4128xi32, #tpu.memory_space<vmem>>, vector<16xi32>,
        tpu.vector_store %arg6[%swap3A_85], %broadcast_in_dim3A_59 {strides = array<i32>} : memref<4128xi32, #tpu.memory_space<vmem>>, vector<16xi32>,
        %add3A_87 = arith.constant 112 : i32
        %add3A_88 = arith.addi %scan3A_56, %add3A_87 : i32
        %swap3A_89 = arith.index_cast %add3A_88 : i32 to index
        %swap3A_90 = tpu.vector_load %arg6[%swap3A_89] {strides = array<i32>} : memref<4128xi32, #tpu.memory_space<vmem>>, vector<16xi32>,
        tpu.vector_store %arg6[%swap3A_89], %broadcast_in_dim3A_59 {strides = array<i32>} : memref<4128xi32, #tpu.memory_space<vmem>>, vector<16xi32>,
        %add3A_91 = arith.constant 128 : i32
        %add3A_92 = arith.addi %scan3A_56, %add3A_91 : i32
        %sub3A = arith.constant 1 : i32
        %sub3A_93 = arith.subi %add3A_92, %sub3A : i32
        %jit3A = arith.constant 128 : i32
        %div3A = arith.divsi %sub3A_93, %jit3A : i32
        %sign3A = arith.constant 0 : i32
        %sign3A_94 = arith.cmpi sgt, %sub3A_93, %sign3A : i32
        %sign3A_95 = arith.extui %sign3A_94 : i1 to i32
        %sign3A_96 = arith.constant 0 : i32
        %sign3A_97 = arith.cmpi slt, %sub3A_93, %sign3A_96 : i32
        %sign3A_98 = arith.extui %sign3A_97 : i1 to i32
        %sign3A_99 = arith.subi %sign3A_95, %sign3A_98 : i32
        %sign3A_100 = arith.constant 0 : i32
        %sign3A_101 = arith.cmpi sgt, %jit3A, %sign3A_100 : i32
        %sign3A_102 = arith.extui %sign3A_101 : i1 to i32
        %sign3A_103 = arith.constant 0 : i32
        %sign3A_104 = arith.cmpi slt, %jit3A, %sign3A_103 : i32
        %sign3A_105 = arith.extui %sign3A_104 : i1 to i32
        %sign3A_106 = arith.subi %sign3A_102, %sign3A_105 : i32
        %ne3A = arith.cmpi ne, %sign3A_99, %sign3A_106 : i32
        %rem3A = arith.remsi %sub3A_93, %jit3A : i32
        %ne3A_107 = arith.constant 0 : i32
        %ne3A_108 = arith.cmpi ne, %rem3A, %ne3A_107 : i32
        %and3A = arith.andi %ne3A, %ne3A_108 : i1
        %sub3A_109 = arith.constant 1 : i32
        %sub3A_110 = arith.subi %div3A, %sub3A_109 : i32
        %select_n3A = arith.select %and3A, %sub3A_110, %div3A : i32
        %gt3A = arith.constant 0 : i32
        %gt3A_111 = arith.cmpi sgt, %select_n3A, %gt3A : i32
        %convert_element_type3A = arith.extui %gt3A_111 : i1 to i32
        %cond3A = arith.constant 0 : i32
        %cond3A_112 = arith.cmpi ne, %convert_element_type3A, %cond3A : i32
        scf.if %cond3A_112 {
          %get3A = arith.constant 0 : index
          %get3A_148 = tpu.vector_load %arg6[%get3A] {strides = array<i32>} : memref<4128xi32, #tpu.memory_space<vmem>>, vector<16xi32>,
          %shift_right_logical3A = arith.constant 15 : i32
          %shift_right_logical3A_149 = vector.broadcast %shift_right_logical3A : i32 to vector<16xi32>
          %shift_right_logical3A_150 = arith.shrui %get3A_148, %shift_right_logical3A_149 : vector<16xi32>
          %swap3A_151 = arith.constant 0 : index
          %swap3A_152 = tpu.vector_load %arg7[%swap3A_151] {strides = array<i32>} : memref<128xi32, #tpu.memory_space<vmem>>, vector<16xi32>,
          tpu.vector_store %arg7[%swap3A_151], %shift_right_logical3A_150 {strides = array<i32>} : memref<128xi32, #tpu.memory_space<vmem>>, vector<16xi32>,
          %and3A_153 = arith.constant 32767 : i32
          %and3A_154 = vector.broadcast %and3A_153 : i32 to vector<16xi32>
          %and3A_155 = arith.andi %get3A_148, %and3A_154 : vector<16xi32>
          %swap3A_156 = arith.constant 0 : index
          %swap3A_157 = tpu.vector_load %arg8[%swap3A_156] {strides = array<i32>} : memref<128xi32, #tpu.memory_space<vmem>>, vector<16xi32>,
          tpu.vector_store %arg8[%swap3A_156], %and3A_155 {strides = array<i32>} : memref<128xi32, #tpu.memory_space<vmem>>, vector<16xi32>,
          %get3A_158 = arith.constant 16 : index
          %get3A_159 = tpu.vector_load %arg6[%get3A_158] {strides = array<i32>} : memref<4128xi32, #tpu.memory_space<vmem>>, vector<16xi32>,
          %shift_right_logical3A_160 = arith.constant 15 : i32
          %shift_right_logical3A_161 = vector.broadcast %shift_right_logical3A_160 : i32 to vector<16xi32>
          %shift_right_logical3A_162 = arith.shrui %get3A_159, %shift_right_logical3A_161 : vector<16xi32>
          %swap3A_163 = arith.constant 16 : index
          %swap3A_164 = tpu.vector_load %arg7[%swap3A_163] {strides = array<i32>} : memref<128xi32, #tpu.memory_space<vmem>>, vector<16xi32>,
          tpu.vector_store %arg7[%swap3A_163], %shift_right_logical3A_162 {strides = array<i32>} : memref<128xi32, #tpu.memory_space<vmem>>, vector<16xi32>,
          %and3A_165 = arith.constant 32767 : i32
          %and3A_166 = vector.broadcast %and3A_165 : i32 to vector<16xi32>
          %and3A_167 = arith.andi %get3A_159, %and3A_166 : vector<16xi32>
          %swap3A_168 = arith.constant 16 : index
          %swap3A_169 = tpu.vector_load %arg8[%swap3A_168] {strides = array<i32>} : memref<128xi32, #tpu.memory_space<vmem>>, vector<16xi32>,
          tpu.vector_store %arg8[%swap3A_168], %and3A_167 {strides = array<i32>} : memref<128xi32, #tpu.memory_space<vmem>>, vector<16xi32>,
          %get3A_170 = arith.constant 32 : index
          %get3A_171 = tpu.vector_load %arg6[%get3A_170] {strides = array<i32>} : memref<4128xi32, #tpu.memory_space<vmem>>, vector<16xi32>,
          %shift_right_logical3A_172 = arith.constant 15 : i32
          %shift_right_logical3A_173 = vector.broadcast %shift_right_logical3A_172 : i32 to vector<16xi32>
          %shift_right_logical3A_174 = arith.shrui %get3A_171, %shift_right_logical3A_173 : vector<16xi32>
          %swap3A_175 = arith.constant 32 : index
          %swap3A_176 = tpu.vector_load %arg7[%swap3A_175] {strides = array<i32>} : memref<128xi32, #tpu.memory_space<vmem>>, vector<16xi32>,
          tpu.vector_store %arg7[%swap3A_175], %shift_right_logical3A_174 {strides = array<i32>} : memref<128xi32, #tpu.memory_space<vmem>>, vector<16xi32>,
          %and3A_177 = arith.constant 32767 : i32
          %and3A_178 = vector.broadcast %and3A_177 : i32 to vector<16xi32>
          %and3A_179 = arith.andi %get3A_171, %and3A_178 : vector<16xi32>
          %swap3A_180 = arith.constant 32 : index
          %swap3A_181 = tpu.vector_load %arg8[%swap3A_180] {strides = array<i32>} : memref<128xi32, #tpu.memory_space<vmem>>, vector<16xi32>,
          tpu.vector_store %arg8[%swap3A_180], %and3A_179 {strides = array<i32>} : memref<128xi32, #tpu.memory_space<vmem>>, vector<16xi32>,
          %get3A_182 = arith.constant 48 : index
          %get3A_183 = tpu.vector_load %arg6[%get3A_182] {strides = array<i32>} : memref<4128xi32, #tpu.memory_space<vmem>>, vector<16xi32>,
          %shift_right_logical3A_184 = arith.constant 15 : i32
          %shift_right_logical3A_185 = vector.broadcast %shift_right_logical3A_184 : i32 to vector<16xi32>
          %shift_right_logical3A_186 = arith.shrui %get3A_183, %shift_right_logical3A_185 : vector<16xi32>
          %swap3A_187 = arith.constant 48 : index
          %swap3A_188 = tpu.vector_load %arg7[%swap3A_187] {strides = array<i32>} : memref<128xi32, #tpu.memory_space<vmem>>, vector<16xi32>,
          tpu.vector_store %arg7[%swap3A_187], %shift_right_logical3A_186 {strides = array<i32>} : memref<128xi32, #tpu.memory_space<vmem>>, vector<16xi32>,
          %and3A_189 = arith.constant 32767 : i32
          %and3A_190 = vector.broadcast %and3A_189 : i32 to vector<16xi32>
          %and3A_191 = arith.andi %get3A_183, %and3A_190 : vector<16xi32>
          %swap3A_192 = arith.constant 48 : index
          %swap3A_193 = tpu.vector_load %arg8[%swap3A_192] {strides = array<i32>} : memref<128xi32, #tpu.memory_space<vmem>>, vector<16xi32>,
          tpu.vector_store %arg8[%swap3A_192], %and3A_191 {strides = array<i32>} : memref<128xi32, #tpu.memory_space<vmem>>, vector<16xi32>,
          %get3A_194 = arith.constant 64 : index
          %get3A_195 = tpu.vector_load %arg6[%get3A_194] {strides = array<i32>} : memref<4128xi32, #tpu.memory_space<vmem>>, vector<16xi32>,
          %shift_right_logical3A_196 = arith.constant 15 : i32
          %shift_right_logical3A_197 = vector.broadcast %shift_right_logical3A_196 : i32 to vector<16xi32>
          %shift_right_logical3A_198 = arith.shrui %get3A_195, %shift_right_logical3A_197 : vector<16xi32>
          %swap3A_199 = arith.constant 64 : index
          %swap3A_200 = tpu.vector_load %arg7[%swap3A_199] {strides = array<i32>} : memref<128xi32, #tpu.memory_space<vmem>>, vector<16xi32>,
          tpu.vector_store %arg7[%swap3A_199], %shift_right_logical3A_198 {strides = array<i32>} : memref<128xi32, #tpu.memory_space<vmem>>, vector<16xi32>,
          %and3A_201 = arith.constant 32767 : i32
          %and3A_202 = vector.broadcast %and3A_201 : i32 to vector<16xi32>
          %and3A_203 = arith.andi %get3A_195, %and3A_202 : vector<16xi32>
          %swap3A_204 = arith.constant 64 : index
          %swap3A_205 = tpu.vector_load %arg8[%swap3A_204] {strides = array<i32>} : memref<128xi32, #tpu.memory_space<vmem>>, vector<16xi32>,
          tpu.vector_store %arg8[%swap3A_204], %and3A_203 {strides = array<i32>} : memref<128xi32, #tpu.memory_space<vmem>>, vector<16xi32>,
          %get3A_206 = arith.constant 80 : index
          %get3A_207 = tpu.vector_load %arg6[%get3A_206] {strides = array<i32>} : memref<4128xi32, #tpu.memory_space<vmem>>, vector<16xi32>,
          %shift_right_logical3A_208 = arith.constant 15 : i32
          %shift_right_logical3A_209 = vector.broadcast %shift_right_logical3A_208 : i32 to vector<16xi32>
          %shift_right_logical3A_210 = arith.shrui %get3A_207, %shift_right_logical3A_209 : vector<16xi32>
          %swap3A_211 = arith.constant 80 : index
          %swap3A_212 = tpu.vector_load %arg7[%swap3A_211] {strides = array<i32>} : memref<128xi32, #tpu.memory_space<vmem>>, vector<16xi32>,
          tpu.vector_store %arg7[%swap3A_211], %shift_right_logical3A_210 {strides = array<i32>} : memref<128xi32, #tpu.memory_space<vmem>>, vector<16xi32>,
          %and3A_213 = arith.constant 32767 : i32
          %and3A_214 = vector.broadcast %and3A_213 : i32 to vector<16xi32>
          %and3A_215 = arith.andi %get3A_207, %and3A_214 : vector<16xi32>
          %swap3A_216 = arith.constant 80 : index
          %swap3A_217 = tpu.vector_load %arg8[%swap3A_216] {strides = array<i32>} : memref<128xi32, #tpu.memory_space<vmem>>, vector<16xi32>,
          tpu.vector_store %arg8[%swap3A_216], %and3A_215 {strides = array<i32>} : memref<128xi32, #tpu.memory_space<vmem>>, vector<16xi32>,
          %get3A_218 = arith.constant 96 : index
          %get3A_219 = tpu.vector_load %arg6[%get3A_218] {strides = array<i32>} : memref<4128xi32, #tpu.memory_space<vmem>>, vector<16xi32>,
          %shift_right_logical3A_220 = arith.constant 15 : i32
          %shift_right_logical3A_221 = vector.broadcast %shift_right_logical3A_220 : i32 to vector<16xi32>
          %shift_right_logical3A_222 = arith.shrui %get3A_219, %shift_right_logical3A_221 : vector<16xi32>
          %swap3A_223 = arith.constant 96 : index
          %swap3A_224 = tpu.vector_load %arg7[%swap3A_223] {strides = array<i32>} : memref<128xi32, #tpu.memory_space<vmem>>, vector<16xi32>,
          tpu.vector_store %arg7[%swap3A_223], %shift_right_logical3A_222 {strides = array<i32>} : memref<128xi32, #tpu.memory_space<vmem>>, vector<16xi32>,
          %and3A_225 = arith.constant 32767 : i32
          %and3A_226 = vector.broadcast %and3A_225 : i32 to vector<16xi32>
          %and3A_227 = arith.andi %get3A_219, %and3A_226 : vector<16xi32>
          %swap3A_228 = arith.constant 96 : index
          %swap3A_229 = tpu.vector_load %arg8[%swap3A_228] {strides = array<i32>} : memref<128xi32, #tpu.memory_space<vmem>>, vector<16xi32>,
          tpu.vector_store %arg8[%swap3A_228], %and3A_227 {strides = array<i32>} : memref<128xi32, #tpu.memory_space<vmem>>, vector<16xi32>,
          %get3A_230 = arith.constant 112 : index
          %get3A_231 = tpu.vector_load %arg6[%get3A_230] {strides = array<i32>} : memref<4128xi32, #tpu.memory_space<vmem>>, vector<16xi32>,
          %shift_right_logical3A_232 = arith.constant 15 : i32
          %shift_right_logical3A_233 = vector.broadcast %shift_right_logical3A_232 : i32 to vector<16xi32>
          %shift_right_logical3A_234 = arith.shrui %get3A_231, %shift_right_logical3A_233 : vector<16xi32>
          %swap3A_235 = arith.constant 112 : index
          %swap3A_236 = tpu.vector_load %arg7[%swap3A_235] {strides = array<i32>} : memref<128xi32, #tpu.memory_space<vmem>>, vector<16xi32>,
          tpu.vector_store %arg7[%swap3A_235], %shift_right_logical3A_234 {strides = array<i32>} : memref<128xi32, #tpu.memory_space<vmem>>, vector<16xi32>,
          %and3A_237 = arith.constant 32767 : i32
          %and3A_238 = vector.broadcast %and3A_237 : i32 to vector<16xi32>
          %and3A_239 = arith.andi %get3A_231, %and3A_238 : vector<16xi32>
          %swap3A_240 = arith.constant 112 : index
          %swap3A_241 = tpu.vector_load %arg8[%swap3A_240] {strides = array<i32>} : memref<128xi32, #tpu.memory_space<vmem>>, vector<16xi32>,
          tpu.vector_store %arg8[%swap3A_240], %and3A_239 {strides = array<i32>} : memref<128xi32, #tpu.memory_space<vmem>>, vector<16xi32>,
          %dma_start3A = arith.constant 0 : i32
          %dma_start3A_242 = arith.constant 0 : i32
          %dma_start3A_243 = tpu.memref_slice %arg2[%dma_start3A, %dma_start3A_242] : memref<100352x64xf32, #tpu.memory_space<hbm>> -> memref<100352x64xf32, #tpu.memory_space<hbm>>
          tpu.enqueue_indirect_dma source(%dma_start3A_243 : memref<100352x64xf32, #tpu.memory_space<hbm>>) target(%arg11 : memref<128x64xf32, #tpu.memory_space<vmem>>) offsets(%arg7 : memref<128xi32, #tpu.memory_space<vmem>>) semaphore(%arg14 : memref<!tpu.dma_semaphore, #tpu.memory_space<semaphore_mem>>)
        } else {
        }
        %add3A_113 = arith.constant 1 : i32
        %add3A_114 = arith.addi %select_n3A, %add3A_113 : i32
        %jit3A_115 = arith.constant 2 : i32
        %div3A_116 = arith.divsi %add3A_114, %jit3A_115 : i32
        %sign3A_117 = arith.constant 0 : i32
        %sign3A_118 = arith.cmpi sgt, %add3A_114, %sign3A_117 : i32
        %sign3A_119 = arith.extui %sign3A_118 : i1 to i32
        %sign3A_120 = arith.constant 0 : i32
        %sign3A_121 = arith.cmpi slt, %add3A_114, %sign3A_120 : i32
        %sign3A_122 = arith.extui %sign3A_121 : i1 to i32
        %sign3A_123 = arith.subi %sign3A_119, %sign3A_122 : i32
        %sign3A_124 = arith.constant 0 : i32
        %sign3A_125 = arith.cmpi sgt, %jit3A_115, %sign3A_124 : i32
        %sign3A_126 = arith.extui %sign3A_125 : i1 to i32
        %sign3A_127 = arith.constant 0 : i32
        %sign3A_128 = arith.cmpi slt, %jit3A_115, %sign3A_127 : i32
        %sign3A_129 = arith.extui %sign3A_128 : i1 to i32
        %sign3A_130 = arith.subi %sign3A_126, %sign3A_129 : i32
        %ne3A_131 = arith.cmpi ne, %sign3A_123, %sign3A_130 : i32
        %rem3A_132 = arith.remsi %add3A_114, %jit3A_115 : i32
        %ne3A_133 = arith.constant 0 : i32
        %ne3A_134 = arith.cmpi ne, %rem3A_132, %ne3A_133 : i32
        %and3A_135 = arith.andi %ne3A_131, %ne3A_134 : i1
        %sub3A_136 = arith.constant 1 : i32
        %sub3A_137 = arith.subi %div3A_116, %sub3A_136 : i32
        %select_n3A_138 = arith.select %and3A_135, %sub3A_137, %div3A_116 : i32
        %while3A = arith.constant 0 : i32
        %while3A_139 = arith.constant 0 : i32
        %while3A_140 = arith.subi %select_n3A_138, %while3A_139 : i32
        %while3A_141 = arith.addi %while3A_139, %while3A_140 : i32
        %while3A_142 = arith.constant 1 : i32
        %while3A_143 = arith.divsi %while3A_140, %while3A_142 : i32
        %while3A_144 = arith.muli %while3A_143, %while3A_142 : i32
        %while3A_145 = arith.addi %while3A_139, %while3A_144 : i32
        %while3A_146 = arith.constant 1 : i32
        scf.for %while3A_148 = %while3A_139 to %while3A_145 step %while3A_146  : i32 {
          %mul3A_149 = arith.constant 2 : i32
          %mul3A_150 = arith.muli %mul3A_149, %while3A_148 : i32
          %add3A_151 = arith.constant 1 : i32
          %add3A_152 = arith.addi %mul3A_150, %add3A_151 : i32
          %lt3A = arith.cmpi slt, %add3A_152, %select_n3A : i32
          %convert_element_type3A_153 = arith.extui %lt3A : i1 to i32
          %cond3A_154 = arith.constant 0 : i32
          %cond3A_155 = arith.cmpi ne, %convert_element_type3A_153, %cond3A_154 : i32
          scf.if %cond3A_155 {
            %add3A_170 = arith.constant 1 : i32
            %add3A_171 = arith.addi %mul3A_150, %add3A_170 : i32
            %mul3A_172 = arith.constant 128 : i32
            %mul3A_173 = arith.muli %add3A_171, %mul3A_172 : i32
            %add3A_174 = arith.constant 0 : i32
            %add3A_175 = arith.addi %mul3A_173, %add3A_174 : i32
            %get3A = arith.index_cast %add3A_175 : i32 to index
            %get3A_176 = tpu.vector_load %arg6[%get3A] {strides = array<i32>} : memref<4128xi32, #tpu.memory_space<vmem>>, vector<16xi32>,
            %shift_right_logical3A = arith.constant 15 : i32
            %shift_right_logical3A_177 = vector.broadcast %shift_right_logical3A : i32 to vector<16xi32>
            %shift_right_logical3A_178 = arith.shrui %get3A_176, %shift_right_logical3A_177 : vector<16xi32>
            %swap3A_179 = arith.constant 0 : index
            %swap3A_180 = tpu.vector_load %arg9[%swap3A_179] {strides = array<i32>} : memref<128xi32, #tpu.memory_space<vmem>>, vector<16xi32>,
            tpu.vector_store %arg9[%swap3A_179], %shift_right_logical3A_178 {strides = array<i32>} : memref<128xi32, #tpu.memory_space<vmem>>, vector<16xi32>,
            %and3A_181 = arith.constant 32767 : i32
            %and3A_182 = vector.broadcast %and3A_181 : i32 to vector<16xi32>
            %and3A_183 = arith.andi %get3A_176, %and3A_182 : vector<16xi32>
            %swap3A_184 = arith.constant 0 : index
            %swap3A_185 = tpu.vector_load %arg10[%swap3A_184] {strides = array<i32>} : memref<128xi32, #tpu.memory_space<vmem>>, vector<16xi32>,
            tpu.vector_store %arg10[%swap3A_184], %and3A_183 {strides = array<i32>} : memref<128xi32, #tpu.memory_space<vmem>>, vector<16xi32>,
            %mul3A_186 = arith.constant 128 : i32
            %mul3A_187 = arith.muli %add3A_171, %mul3A_186 : i32
            %add3A_188 = arith.constant 16 : i32
            %add3A_189 = arith.addi %mul3A_187, %add3A_188 : i32
            %get3A_190 = arith.index_cast %add3A_189 : i32 to index
            %get3A_191 = tpu.vector_load %arg6[%get3A_190] {strides = array<i32>} : memref<4128xi32, #tpu.memory_space<vmem>>, vector<16xi32>,
            %shift_right_logical3A_192 = arith.constant 15 : i32
            %shift_right_logical3A_193 = vector.broadcast %shift_right_logical3A_192 : i32 to vector<16xi32>
            %shift_right_logical3A_194 = arith.shrui %get3A_191, %shift_right_logical3A_193 : vector<16xi32>
            %swap3A_195 = arith.constant 16 : index
            %swap3A_196 = tpu.vector_load %arg9[%swap3A_195] {strides = array<i32>} : memref<128xi32, #tpu.memory_space<vmem>>, vector<16xi32>,
            tpu.vector_store %arg9[%swap3A_195], %shift_right_logical3A_194 {strides = array<i32>} : memref<128xi32, #tpu.memory_space<vmem>>, vector<16xi32>,
            %and3A_197 = arith.constant 32767 : i32
            %and3A_198 = vector.broadcast %and3A_197 : i32 to vector<16xi32>
            %and3A_199 = arith.andi %get3A_191, %and3A_198 : vector<16xi32>
            %swap3A_200 = arith.constant 16 : index
            %swap3A_201 = tpu.vector_load %arg10[%swap3A_200] {strides = array<i32>} : memref<128xi32, #tpu.memory_space<vmem>>, vector<16xi32>,
            tpu.vector_store %arg10[%swap3A_200], %and3A_199 {strides = array<i32>} : memref<128xi32, #tpu.memory_space<vmem>>, vector<16xi32>,
            %mul3A_202 = arith.constant 128 : i32
            %mul3A_203 = arith.muli %add3A_171, %mul3A_202 : i32
            %add3A_204 = arith.constant 32 : i32
            %add3A_205 = arith.addi %mul3A_203, %add3A_204 : i32
            %get3A_206 = arith.index_cast %add3A_205 : i32 to index
            %get3A_207 = tpu.vector_load %arg6[%get3A_206] {strides = array<i32>} : memref<4128xi32, #tpu.memory_space<vmem>>, vector<16xi32>,
            %shift_right_logical3A_208 = arith.constant 15 : i32
            %shift_right_logical3A_209 = vector.broadcast %shift_right_logical3A_208 : i32 to vector<16xi32>
            %shift_right_logical3A_210 = arith.shrui %get3A_207, %shift_right_logical3A_209 : vector<16xi32>
            %swap3A_211 = arith.constant 32 : index
            %swap3A_212 = tpu.vector_load %arg9[%swap3A_211] {strides = array<i32>} : memref<128xi32, #tpu.memory_space<vmem>>, vector<16xi32>,
            tpu.vector_store %arg9[%swap3A_211], %shift_right_logical3A_210 {strides = array<i32>} : memref<128xi32, #tpu.memory_space<vmem>>, vector<16xi32>,
            %and3A_213 = arith.constant 32767 : i32
            %and3A_214 = vector.broadcast %and3A_213 : i32 to vector<16xi32>
            %and3A_215 = arith.andi %get3A_207, %and3A_214 : vector<16xi32>
            %swap3A_216 = arith.constant 32 : index
            %swap3A_217 = tpu.vector_load %arg10[%swap3A_216] {strides = array<i32>} : memref<128xi32, #tpu.memory_space<vmem>>, vector<16xi32>,
            tpu.vector_store %arg10[%swap3A_216], %and3A_215 {strides = array<i32>} : memref<128xi32, #tpu.memory_space<vmem>>, vector<16xi32>,
            %mul3A_218 = arith.constant 128 : i32
            %mul3A_219 = arith.muli %add3A_171, %mul3A_218 : i32
            %add3A_220 = arith.constant 48 : i32
            %add3A_221 = arith.addi %mul3A_219, %add3A_220 : i32
            %get3A_222 = arith.index_cast %add3A_221 : i32 to index
            %get3A_223 = tpu.vector_load %arg6[%get3A_222] {strides = array<i32>} : memref<4128xi32, #tpu.memory_space<vmem>>, vector<16xi32>,
            %shift_right_logical3A_224 = arith.constant 15 : i32
            %shift_right_logical3A_225 = vector.broadcast %shift_right_logical3A_224 : i32 to vector<16xi32>
            %shift_right_logical3A_226 = arith.shrui %get3A_223, %shift_right_logical3A_225 : vector<16xi32>
            %swap3A_227 = arith.constant 48 : index
            %swap3A_228 = tpu.vector_load %arg9[%swap3A_227] {strides = array<i32>} : memref<128xi32, #tpu.memory_space<vmem>>, vector<16xi32>,
            tpu.vector_store %arg9[%swap3A_227], %shift_right_logical3A_226 {strides = array<i32>} : memref<128xi32, #tpu.memory_space<vmem>>, vector<16xi32>,
            %and3A_229 = arith.constant 32767 : i32
            %and3A_230 = vector.broadcast %and3A_229 : i32 to vector<16xi32>
            %and3A_231 = arith.andi %get3A_223, %and3A_230 : vector<16xi32>
            %swap3A_232 = arith.constant 48 : index
            %swap3A_233 = tpu.vector_load %arg10[%swap3A_232] {strides = array<i32>} : memref<128xi32, #tpu.memory_space<vmem>>, vector<16xi32>,
            tpu.vector_store %arg10[%swap3A_232], %and3A_231 {strides = array<i32>} : memref<128xi32, #tpu.memory_space<vmem>>, vector<16xi32>,
            %mul3A_234 = arith.constant 128 : i32
            %mul3A_235 = arith.muli %add3A_171, %mul3A_234 : i32
            %add3A_236 = arith.constant 64 : i32
            %add3A_237 = arith.addi %mul3A_235, %add3A_236 : i32
            %get3A_238 = arith.index_cast %add3A_237 : i32 to index
            %get3A_239 = tpu.vector_load %arg6[%get3A_238] {strides = array<i32>} : memref<4128xi32, #tpu.memory_space<vmem>>, vector<16xi32>,
            %shift_right_logical3A_240 = arith.constant 15 : i32
            %shift_right_logical3A_241 = vector.broadcast %shift_right_logical3A_240 : i32 to vector<16xi32>
            %shift_right_logical3A_242 = arith.shrui %get3A_239, %shift_right_logical3A_241 : vector<16xi32>
            %swap3A_243 = arith.constant 64 : index
            %swap3A_244 = tpu.vector_load %arg9[%swap3A_243] {strides = array<i32>} : memref<128xi32, #tpu.memory_space<vmem>>, vector<16xi32>,
            tpu.vector_store %arg9[%swap3A_243], %shift_right_logical3A_242 {strides = array<i32>} : memref<128xi32, #tpu.memory_space<vmem>>, vector<16xi32>,
            %and3A_245 = arith.constant 32767 : i32
            %and3A_246 = vector.broadcast %and3A_245 : i32 to vector<16xi32>
            %and3A_247 = arith.andi %get3A_239, %and3A_246 : vector<16xi32>
            %swap3A_248 = arith.constant 64 : index
            %swap3A_249 = tpu.vector_load %arg10[%swap3A_248] {strides = array<i32>} : memref<128xi32, #tpu.memory_space<vmem>>, vector<16xi32>,
            tpu.vector_store %arg10[%swap3A_248], %and3A_247 {strides = array<i32>} : memref<128xi32, #tpu.memory_space<vmem>>, vector<16xi32>,
            %mul3A_250 = arith.constant 128 : i32
            %mul3A_251 = arith.muli %add3A_171, %mul3A_250 : i32
            %add3A_252 = arith.constant 80 : i32
            %add3A_253 = arith.addi %mul3A_251, %add3A_252 : i32
            %get3A_254 = arith.index_cast %add3A_253 : i32 to index
            %get3A_255 = tpu.vector_load %arg6[%get3A_254] {strides = array<i32>} : memref<4128xi32, #tpu.memory_space<vmem>>, vector<16xi32>,
            %shift_right_logical3A_256 = arith.constant 15 : i32
            %shift_right_logical3A_257 = vector.broadcast %shift_right_logical3A_256 : i32 to vector<16xi32>
            %shift_right_logical3A_258 = arith.shrui %get3A_255, %shift_right_logical3A_257 : vector<16xi32>
            %swap3A_259 = arith.constant 80 : index
            %swap3A_260 = tpu.vector_load %arg9[%swap3A_259] {strides = array<i32>} : memref<128xi32, #tpu.memory_space<vmem>>, vector<16xi32>,
            tpu.vector_store %arg9[%swap3A_259], %shift_right_logical3A_258 {strides = array<i32>} : memref<128xi32, #tpu.memory_space<vmem>>, vector<16xi32>,
            %and3A_261 = arith.constant 32767 : i32
            %and3A_262 = vector.broadcast %and3A_261 : i32 to vector<16xi32>
            %and3A_263 = arith.andi %get3A_255, %and3A_262 : vector<16xi32>
            %swap3A_264 = arith.constant 80 : index
            %swap3A_265 = tpu.vector_load %arg10[%swap3A_264] {strides = array<i32>} : memref<128xi32, #tpu.memory_space<vmem>>, vector<16xi32>,
            tpu.vector_store %arg10[%swap3A_264], %and3A_263 {strides = array<i32>} : memref<128xi32, #tpu.memory_space<vmem>>, vector<16xi32>,
            %mul3A_266 = arith.constant 128 : i32
            %mul3A_267 = arith.muli %add3A_171, %mul3A_266 : i32
            %add3A_268 = arith.constant 96 : i32
            %add3A_269 = arith.addi %mul3A_267, %add3A_268 : i32
            %get3A_270 = arith.index_cast %add3A_269 : i32 to index
            %get3A_271 = tpu.vector_load %arg6[%get3A_270] {strides = array<i32>} : memref<4128xi32, #tpu.memory_space<vmem>>, vector<16xi32>,
            %shift_right_logical3A_272 = arith.constant 15 : i32
            %shift_right_logical3A_273 = vector.broadcast %shift_right_logical3A_272 : i32 to vector<16xi32>
            %shift_right_logical3A_274 = arith.shrui %get3A_271, %shift_right_logical3A_273 : vector<16xi32>
            %swap3A_275 = arith.constant 96 : index
            %swap3A_276 = tpu.vector_load %arg9[%swap3A_275] {strides = array<i32>} : memref<128xi32, #tpu.memory_space<vmem>>, vector<16xi32>,
            tpu.vector_store %arg9[%swap3A_275], %shift_right_logical3A_274 {strides = array<i32>} : memref<128xi32, #tpu.memory_space<vmem>>, vector<16xi32>,
            %and3A_277 = arith.constant 32767 : i32
            %and3A_278 = vector.broadcast %and3A_277 : i32 to vector<16xi32>
            %and3A_279 = arith.andi %get3A_271, %and3A_278 : vector<16xi32>
            %swap3A_280 = arith.constant 96 : index
            %swap3A_281 = tpu.vector_load %arg10[%swap3A_280] {strides = array<i32>} : memref<128xi32, #tpu.memory_space<vmem>>, vector<16xi32>,
            tpu.vector_store %arg10[%swap3A_280], %and3A_279 {strides = array<i32>} : memref<128xi32, #tpu.memory_space<vmem>>, vector<16xi32>,
            %mul3A_282 = arith.constant 128 : i32
            %mul3A_283 = arith.muli %add3A_171, %mul3A_282 : i32
            %add3A_284 = arith.constant 112 : i32
            %add3A_285 = arith.addi %mul3A_283, %add3A_284 : i32
            %get3A_286 = arith.index_cast %add3A_285 : i32 to index
            %get3A_287 = tpu.vector_load %arg6[%get3A_286] {strides = array<i32>} : memref<4128xi32, #tpu.memory_space<vmem>>, vector<16xi32>,
            %shift_right_logical3A_288 = arith.constant 15 : i32
            %shift_right_logical3A_289 = vector.broadcast %shift_right_logical3A_288 : i32 to vector<16xi32>
            %shift_right_logical3A_290 = arith.shrui %get3A_287, %shift_right_logical3A_289 : vector<16xi32>
            %swap3A_291 = arith.constant 112 : index
            %swap3A_292 = tpu.vector_load %arg9[%swap3A_291] {strides = array<i32>} : memref<128xi32, #tpu.memory_space<vmem>>, vector<16xi32>,
            tpu.vector_store %arg9[%swap3A_291], %shift_right_logical3A_290 {strides = array<i32>} : memref<128xi32, #tpu.memory_space<vmem>>, vector<16xi32>,
            %and3A_293 = arith.constant 32767 : i32
            %and3A_294 = vector.broadcast %and3A_293 : i32 to vector<16xi32>
            %and3A_295 = arith.andi %get3A_287, %and3A_294 : vector<16xi32>
            %swap3A_296 = arith.constant 112 : index
            %swap3A_297 = tpu.vector_load %arg10[%swap3A_296] {strides = array<i32>} : memref<128xi32, #tpu.memory_space<vmem>>, vector<16xi32>,
            tpu.vector_store %arg10[%swap3A_296], %and3A_295 {strides = array<i32>} : memref<128xi32, #tpu.memory_space<vmem>>, vector<16xi32>,
            %dma_start3A = arith.constant 0 : i32
            %dma_start3A_298 = arith.constant 0 : i32
            %dma_start3A_299 = tpu.memref_slice %arg2[%dma_start3A, %dma_start3A_298] : memref<100352x64xf32, #tpu.memory_space<hbm>> -> memref<100352x64xf32, #tpu.memory_space<hbm>>
            tpu.enqueue_indirect_dma source(%dma_start3A_299 : memref<100352x64xf32, #tpu.memory_space<hbm>>) target(%arg12 : memref<128x64xf32, #tpu.memory_space<vmem>>) offsets(%arg9 : memref<128xi32, #tpu.memory_space<vmem>>) semaphore(%arg15 : memref<!tpu.dma_semaphore, #tpu.memory_space<semaphore_mem>>)
          } else {
          }
          %dma_wait3A = arith.constant 0 : i32
          %dma_wait3A_156 = arith.constant 0 : i32
          %dma_wait3A_157 = tpu.memref_slice %arg2[%dma_wait3A, %dma_wait3A_156] : memref<100352x64xf32, #tpu.memory_space<hbm>> -> memref<100352x64xf32, #tpu.memory_space<hbm>>
          tpu.wait_indirect_dma semaphore(%arg14 : memref<!tpu.dma_semaphore, #tpu.memory_space<semaphore_mem>>) src(%dma_wait3A_157 : memref<100352x64xf32, #tpu.memory_space<hbm>>) dst(%arg11 : memref<128x64xf32, #tpu.memory_space<vmem>>)
          "tpu.region"() ({
            %run_scoped3A = tpu.sem_alloc : memref<!tpu.dma_semaphore, #tpu.memory_space<semaphore_mem>>
            %dma_start3A = arith.constant 0 : i32
            %dma_start3A_170 = arith.constant 0 : i32
            %dma_start3A_171 = tpu.memref_slice %arg13[%dma_start3A, %dma_start3A_170] : memref<25088x64xf32, #tpu.memory_space<vmem_shared>> -> memref<25088x64xf32, #tpu.memory_space<vmem_shared>>
            tpu.enqueue_indirect_dma source(%arg11 : memref<128x64xf32, #tpu.memory_space<vmem>>) target(%dma_start3A_171 : memref<25088x64xf32, #tpu.memory_space<vmem_shared>>) offsets(%arg8 : memref<128xi32, #tpu.memory_space<vmem>>) semaphore(%run_scoped3A : memref<!tpu.dma_semaphore, #tpu.memory_space<semaphore_mem>>) {add = true}
            %dma_wait3A_172 = arith.constant 0 : i32
            %dma_wait3A_173 = arith.constant 0 : i32
            %dma_wait3A_174 = tpu.memref_slice %arg13[%dma_wait3A_172, %dma_wait3A_173] : memref<25088x64xf32, #tpu.memory_space<vmem_shared>> -> memref<25088x64xf32, #tpu.memory_space<vmem_shared>>
            tpu.wait_indirect_dma semaphore(%run_scoped3A : memref<!tpu.dma_semaphore, #tpu.memory_space<semaphore_mem>>) src(%arg11 : memref<128x64xf32, #tpu.memory_space<vmem>>) dst(%dma_wait3A_174 : memref<25088x64xf32, #tpu.memory_space<vmem_shared>>)
            tpu.yield
          }) : () -> ()
          %add3A_158 = arith.constant 2 : i32
          %add3A_159 = arith.addi %mul3A_150, %add3A_158 : i32
          %lt3A_160 = arith.cmpi slt, %add3A_159, %select_n3A : i32
          %convert_element_type3A_161 = arith.extui %lt3A_160 : i1 to i32
          %cond3A_162 = arith.constant 0 : i32
          %cond3A_163 = arith.cmpi ne, %convert_element_type3A_161, %cond3A_162 : i32
          scf.if %cond3A_163 {
            %add3A_170 = arith.constant 2 : i32
            %add3A_171 = arith.addi %mul3A_150, %add3A_170 : i32
            %mul3A_172 = arith.constant 128 : i32
            %mul3A_173 = arith.muli %add3A_171, %mul3A_172 : i32
            %add3A_174 = arith.constant 0 : i32
            %add3A_175 = arith.addi %mul3A_173, %add3A_174 : i32
            %get3A = arith.index_cast %add3A_175 : i32 to index
            %get3A_176 = tpu.vector_load %arg6[%get3A] {strides = array<i32>} : memref<4128xi32, #tpu.memory_space<vmem>>, vector<16xi32>,
            %shift_right_logical3A = arith.constant 15 : i32
            %shift_right_logical3A_177 = vector.broadcast %shift_right_logical3A : i32 to vector<16xi32>
            %shift_right_logical3A_178 = arith.shrui %get3A_176, %shift_right_logical3A_177 : vector<16xi32>
            %swap3A_179 = arith.constant 0 : index
            %swap3A_180 = tpu.vector_load %arg7[%swap3A_179] {strides = array<i32>} : memref<128xi32, #tpu.memory_space<vmem>>, vector<16xi32>,
            tpu.vector_store %arg7[%swap3A_179], %shift_right_logical3A_178 {strides = array<i32>} : memref<128xi32, #tpu.memory_space<vmem>>, vector<16xi32>,
            %and3A_181 = arith.constant 32767 : i32
            %and3A_182 = vector.broadcast %and3A_181 : i32 to vector<16xi32>
            %and3A_183 = arith.andi %get3A_176, %and3A_182 : vector<16xi32>
            %swap3A_184 = arith.constant 0 : index
            %swap3A_185 = tpu.vector_load %arg8[%swap3A_184] {strides = array<i32>} : memref<128xi32, #tpu.memory_space<vmem>>, vector<16xi32>,
            tpu.vector_store %arg8[%swap3A_184], %and3A_183 {strides = array<i32>} : memref<128xi32, #tpu.memory_space<vmem>>, vector<16xi32>,
            %mul3A_186 = arith.constant 128 : i32
            %mul3A_187 = arith.muli %add3A_171, %mul3A_186 : i32
            %add3A_188 = arith.constant 16 : i32
            %add3A_189 = arith.addi %mul3A_187, %add3A_188 : i32
            %get3A_190 = arith.index_cast %add3A_189 : i32 to index
            %get3A_191 = tpu.vector_load %arg6[%get3A_190] {strides = array<i32>} : memref<4128xi32, #tpu.memory_space<vmem>>, vector<16xi32>,
            %shift_right_logical3A_192 = arith.constant 15 : i32
            %shift_right_logical3A_193 = vector.broadcast %shift_right_logical3A_192 : i32 to vector<16xi32>
            %shift_right_logical3A_194 = arith.shrui %get3A_191, %shift_right_logical3A_193 : vector<16xi32>
            %swap3A_195 = arith.constant 16 : index
            %swap3A_196 = tpu.vector_load %arg7[%swap3A_195] {strides = array<i32>} : memref<128xi32, #tpu.memory_space<vmem>>, vector<16xi32>,
            tpu.vector_store %arg7[%swap3A_195], %shift_right_logical3A_194 {strides = array<i32>} : memref<128xi32, #tpu.memory_space<vmem>>, vector<16xi32>,
            %and3A_197 = arith.constant 32767 : i32
            %and3A_198 = vector.broadcast %and3A_197 : i32 to vector<16xi32>
            %and3A_199 = arith.andi %get3A_191, %and3A_198 : vector<16xi32>
            %swap3A_200 = arith.constant 16 : index
            %swap3A_201 = tpu.vector_load %arg8[%swap3A_200] {strides = array<i32>} : memref<128xi32, #tpu.memory_space<vmem>>, vector<16xi32>,
            tpu.vector_store %arg8[%swap3A_200], %and3A_199 {strides = array<i32>} : memref<128xi32, #tpu.memory_space<vmem>>, vector<16xi32>,
            %mul3A_202 = arith.constant 128 : i32
            %mul3A_203 = arith.muli %add3A_171, %mul3A_202 : i32
            %add3A_204 = arith.constant 32 : i32
            %add3A_205 = arith.addi %mul3A_203, %add3A_204 : i32
            %get3A_206 = arith.index_cast %add3A_205 : i32 to index
            %get3A_207 = tpu.vector_load %arg6[%get3A_206] {strides = array<i32>} : memref<4128xi32, #tpu.memory_space<vmem>>, vector<16xi32>,
            %shift_right_logical3A_208 = arith.constant 15 : i32
            %shift_right_logical3A_209 = vector.broadcast %shift_right_logical3A_208 : i32 to vector<16xi32>
            %shift_right_logical3A_210 = arith.shrui %get3A_207, %shift_right_logical3A_209 : vector<16xi32>
            %swap3A_211 = arith.constant 32 : index
            %swap3A_212 = tpu.vector_load %arg7[%swap3A_211] {strides = array<i32>} : memref<128xi32, #tpu.memory_space<vmem>>, vector<16xi32>,
            tpu.vector_store %arg7[%swap3A_211], %shift_right_logical3A_210 {strides = array<i32>} : memref<128xi32, #tpu.memory_space<vmem>>, vector<16xi32>,
            %and3A_213 = arith.constant 32767 : i32
            %and3A_214 = vector.broadcast %and3A_213 : i32 to vector<16xi32>
            %and3A_215 = arith.andi %get3A_207, %and3A_214 : vector<16xi32>
            %swap3A_216 = arith.constant 32 : index
            %swap3A_217 = tpu.vector_load %arg8[%swap3A_216] {strides = array<i32>} : memref<128xi32, #tpu.memory_space<vmem>>, vector<16xi32>,
            tpu.vector_store %arg8[%swap3A_216], %and3A_215 {strides = array<i32>} : memref<128xi32, #tpu.memory_space<vmem>>, vector<16xi32>,
            %mul3A_218 = arith.constant 128 : i32
            %mul3A_219 = arith.muli %add3A_171, %mul3A_218 : i32
            %add3A_220 = arith.constant 48 : i32
            %add3A_221 = arith.addi %mul3A_219, %add3A_220 : i32
            %get3A_222 = arith.index_cast %add3A_221 : i32 to index
            %get3A_223 = tpu.vector_load %arg6[%get3A_222] {strides = array<i32>} : memref<4128xi32, #tpu.memory_space<vmem>>, vector<16xi32>,
            %shift_right_logical3A_224 = arith.constant 15 : i32
            %shift_right_logical3A_225 = vector.broadcast %shift_right_logical3A_224 : i32 to vector<16xi32>
            %shift_right_logical3A_226 = arith.shrui %get3A_223, %shift_right_logical3A_225 : vector<16xi32>
            %swap3A_227 = arith.constant 48 : index
            %swap3A_228 = tpu.vector_load %arg7[%swap3A_227] {strides = array<i32>} : memref<128xi32, #tpu.memory_space<vmem>>, vector<16xi32>,
            tpu.vector_store %arg7[%swap3A_227], %shift_right_logical3A_226 {strides = array<i32>} : memref<128xi32, #tpu.memory_space<vmem>>, vector<16xi32>,
            %and3A_229 = arith.constant 32767 : i32
            %and3A_230 = vector.broadcast %and3A_229 : i32 to vector<16xi32>
            %and3A_231 = arith.andi %get3A_223, %and3A_230 : vector<16xi32>
            %swap3A_232 = arith.constant 48 : index
            %swap3A_233 = tpu.vector_load %arg8[%swap3A_232] {strides = array<i32>} : memref<128xi32, #tpu.memory_space<vmem>>, vector<16xi32>,
            tpu.vector_store %arg8[%swap3A_232], %and3A_231 {strides = array<i32>} : memref<128xi32, #tpu.memory_space<vmem>>, vector<16xi32>,
            %mul3A_234 = arith.constant 128 : i32
            %mul3A_235 = arith.muli %add3A_171, %mul3A_234 : i32
            %add3A_236 = arith.constant 64 : i32
            %add3A_237 = arith.addi %mul3A_235, %add3A_236 : i32
            %get3A_238 = arith.index_cast %add3A_237 : i32 to index
            %get3A_239 = tpu.vector_load %arg6[%get3A_238] {strides = array<i32>} : memref<4128xi32, #tpu.memory_space<vmem>>, vector<16xi32>,
            %shift_right_logical3A_240 = arith.constant 15 : i32
            %shift_right_logical3A_241 = vector.broadcast %shift_right_logical3A_240 : i32 to vector<16xi32>
            %shift_right_logical3A_242 = arith.shrui %get3A_239, %shift_right_logical3A_241 : vector<16xi32>
            %swap3A_243 = arith.constant 64 : index
            %swap3A_244 = tpu.vector_load %arg7[%swap3A_243] {strides = array<i32>} : memref<128xi32, #tpu.memory_space<vmem>>, vector<16xi32>,
            tpu.vector_store %arg7[%swap3A_243], %shift_right_logical3A_242 {strides = array<i32>} : memref<128xi32, #tpu.memory_space<vmem>>, vector<16xi32>,
            %and3A_245 = arith.constant 32767 : i32
            %and3A_246 = vector.broadcast %and3A_245 : i32 to vector<16xi32>
            %and3A_247 = arith.andi %get3A_239, %and3A_246 : vector<16xi32>
            %swap3A_248 = arith.constant 64 : index
            %swap3A_249 = tpu.vector_load %arg8[%swap3A_248] {strides = array<i32>} : memref<128xi32, #tpu.memory_space<vmem>>, vector<16xi32>,
            tpu.vector_store %arg8[%swap3A_248], %and3A_247 {strides = array<i32>} : memref<128xi32, #tpu.memory_space<vmem>>, vector<16xi32>,
            %mul3A_250 = arith.constant 128 : i32
            %mul3A_251 = arith.muli %add3A_171, %mul3A_250 : i32
            %add3A_252 = arith.constant 80 : i32
            %add3A_253 = arith.addi %mul3A_251, %add3A_252 : i32
            %get3A_254 = arith.index_cast %add3A_253 : i32 to index
            %get3A_255 = tpu.vector_load %arg6[%get3A_254] {strides = array<i32>} : memref<4128xi32, #tpu.memory_space<vmem>>, vector<16xi32>,
            %shift_right_logical3A_256 = arith.constant 15 : i32
            %shift_right_logical3A_257 = vector.broadcast %shift_right_logical3A_256 : i32 to vector<16xi32>
            %shift_right_logical3A_258 = arith.shrui %get3A_255, %shift_right_logical3A_257 : vector<16xi32>
            %swap3A_259 = arith.constant 80 : index
            %swap3A_260 = tpu.vector_load %arg7[%swap3A_259] {strides = array<i32>} : memref<128xi32, #tpu.memory_space<vmem>>, vector<16xi32>,
            tpu.vector_store %arg7[%swap3A_259], %shift_right_logical3A_258 {strides = array<i32>} : memref<128xi32, #tpu.memory_space<vmem>>, vector<16xi32>,
            %and3A_261 = arith.constant 32767 : i32
            %and3A_262 = vector.broadcast %and3A_261 : i32 to vector<16xi32>
            %and3A_263 = arith.andi %get3A_255, %and3A_262 : vector<16xi32>
            %swap3A_264 = arith.constant 80 : index
            %swap3A_265 = tpu.vector_load %arg8[%swap3A_264] {strides = array<i32>} : memref<128xi32, #tpu.memory_space<vmem>>, vector<16xi32>,
            tpu.vector_store %arg8[%swap3A_264], %and3A_263 {strides = array<i32>} : memref<128xi32, #tpu.memory_space<vmem>>, vector<16xi32>,
            %mul3A_266 = arith.constant 128 : i32
            %mul3A_267 = arith.muli %add3A_171, %mul3A_266 : i32
            %add3A_268 = arith.constant 96 : i32
            %add3A_269 = arith.addi %mul3A_267, %add3A_268 : i32
            %get3A_270 = arith.index_cast %add3A_269 : i32 to index
            %get3A_271 = tpu.vector_load %arg6[%get3A_270] {strides = array<i32>} : memref<4128xi32, #tpu.memory_space<vmem>>, vector<16xi32>,
            %shift_right_logical3A_272 = arith.constant 15 : i32
            %shift_right_logical3A_273 = vector.broadcast %shift_right_logical3A_272 : i32 to vector<16xi32>
            %shift_right_logical3A_274 = arith.shrui %get3A_271, %shift_right_logical3A_273 : vector<16xi32>
            %swap3A_275 = arith.constant 96 : index
            %swap3A_276 = tpu.vector_load %arg7[%swap3A_275] {strides = array<i32>} : memref<128xi32, #tpu.memory_space<vmem>>, vector<16xi32>,
            tpu.vector_store %arg7[%swap3A_275], %shift_right_logical3A_274 {strides = array<i32>} : memref<128xi32, #tpu.memory_space<vmem>>, vector<16xi32>,
            %and3A_277 = arith.constant 32767 : i32
            %and3A_278 = vector.broadcast %and3A_277 : i32 to vector<16xi32>
            %and3A_279 = arith.andi %get3A_271, %and3A_278 : vector<16xi32>
            %swap3A_280 = arith.constant 96 : index
            %swap3A_281 = tpu.vector_load %arg8[%swap3A_280] {strides = array<i32>} : memref<128xi32, #tpu.memory_space<vmem>>, vector<16xi32>,
            tpu.vector_store %arg8[%swap3A_280], %and3A_279 {strides = array<i32>} : memref<128xi32, #tpu.memory_space<vmem>>, vector<16xi32>,
            %mul3A_282 = arith.constant 128 : i32
            %mul3A_283 = arith.muli %add3A_171, %mul3A_282 : i32
            %add3A_284 = arith.constant 112 : i32
            %add3A_285 = arith.addi %mul3A_283, %add3A_284 : i32
            %get3A_286 = arith.index_cast %add3A_285 : i32 to index
            %get3A_287 = tpu.vector_load %arg6[%get3A_286] {strides = array<i32>} : memref<4128xi32, #tpu.memory_space<vmem>>, vector<16xi32>,
            %shift_right_logical3A_288 = arith.constant 15 : i32
            %shift_right_logical3A_289 = vector.broadcast %shift_right_logical3A_288 : i32 to vector<16xi32>
            %shift_right_logical3A_290 = arith.shrui %get3A_287, %shift_right_logical3A_289 : vector<16xi32>
            %swap3A_291 = arith.constant 112 : index
            %swap3A_292 = tpu.vector_load %arg7[%swap3A_291] {strides = array<i32>} : memref<128xi32, #tpu.memory_space<vmem>>, vector<16xi32>,
            tpu.vector_store %arg7[%swap3A_291], %shift_right_logical3A_290 {strides = array<i32>} : memref<128xi32, #tpu.memory_space<vmem>>, vector<16xi32>,
            %and3A_293 = arith.constant 32767 : i32
            %and3A_294 = vector.broadcast %and3A_293 : i32 to vector<16xi32>
            %and3A_295 = arith.andi %get3A_287, %and3A_294 : vector<16xi32>
            %swap3A_296 = arith.constant 112 : index
            %swap3A_297 = tpu.vector_load %arg8[%swap3A_296] {strides = array<i32>} : memref<128xi32, #tpu.memory_space<vmem>>, vector<16xi32>,
            tpu.vector_store %arg8[%swap3A_296], %and3A_295 {strides = array<i32>} : memref<128xi32, #tpu.memory_space<vmem>>, vector<16xi32>,
            %dma_start3A = arith.constant 0 : i32
            %dma_start3A_298 = arith.constant 0 : i32
            %dma_start3A_299 = tpu.memref_slice %arg2[%dma_start3A, %dma_start3A_298] : memref<100352x64xf32, #tpu.memory_space<hbm>> -> memref<100352x64xf32, #tpu.memory_space<hbm>>
            tpu.enqueue_indirect_dma source(%dma_start3A_299 : memref<100352x64xf32, #tpu.memory_space<hbm>>) target(%arg11 : memref<128x64xf32, #tpu.memory_space<vmem>>) offsets(%arg7 : memref<128xi32, #tpu.memory_space<vmem>>) semaphore(%arg14 : memref<!tpu.dma_semaphore, #tpu.memory_space<semaphore_mem>>)
          } else {
          }
          %add3A_164 = arith.constant 1 : i32
          %add3A_165 = arith.addi %mul3A_150, %add3A_164 : i32
          %lt3A_166 = arith.cmpi slt, %add3A_165, %select_n3A : i32
          %convert_element_type3A_167 = arith.extui %lt3A_166 : i1 to i32
          %cond3A_168 = arith.constant 0 : i32
          %cond3A_169 = arith.cmpi ne, %convert_element_type3A_167, %cond3A_168 : i32
          scf.if %cond3A_169 {
            %add3A_170 = arith.constant 1 : i32
            %add3A_171 = arith.addi %mul3A_150, %add3A_170 : i32
            %dma_wait3A_172 = arith.constant 0 : i32
            %dma_wait3A_173 = arith.constant 0 : i32
            %dma_wait3A_174 = tpu.memref_slice %arg2[%dma_wait3A_172, %dma_wait3A_173] : memref<100352x64xf32, #tpu.memory_space<hbm>> -> memref<100352x64xf32, #tpu.memory_space<hbm>>
            tpu.wait_indirect_dma semaphore(%arg15 : memref<!tpu.dma_semaphore, #tpu.memory_space<semaphore_mem>>) src(%dma_wait3A_174 : memref<100352x64xf32, #tpu.memory_space<hbm>>) dst(%arg12 : memref<128x64xf32, #tpu.memory_space<vmem>>)
            "tpu.region"() ({
              %run_scoped3A = tpu.sem_alloc : memref<!tpu.dma_semaphore, #tpu.memory_space<semaphore_mem>>
              %dma_start3A = arith.constant 0 : i32
              %dma_start3A_175 = arith.constant 0 : i32
              %dma_start3A_176 = tpu.memref_slice %arg13[%dma_start3A, %dma_start3A_175] : memref<25088x64xf32, #tpu.memory_space<vmem_shared>> -> memref<25088x64xf32, #tpu.memory_space<vmem_shared>>
              tpu.enqueue_indirect_dma source(%arg12 : memref<128x64xf32, #tpu.memory_space<vmem>>) target(%dma_start3A_176 : memref<25088x64xf32, #tpu.memory_space<vmem_shared>>) offsets(%arg10 : memref<128xi32, #tpu.memory_space<vmem>>) semaphore(%run_scoped3A : memref<!tpu.dma_semaphore, #tpu.memory_space<semaphore_mem>>) {add = true}
              %dma_wait3A_177 = arith.constant 0 : i32
              %dma_wait3A_178 = arith.constant 0 : i32
              %dma_wait3A_179 = tpu.memref_slice %arg13[%dma_wait3A_177, %dma_wait3A_178] : memref<25088x64xf32, #tpu.memory_space<vmem_shared>> -> memref<25088x64xf32, #tpu.memory_space<vmem_shared>>
              tpu.wait_indirect_dma semaphore(%run_scoped3A : memref<!tpu.dma_semaphore, #tpu.memory_space<semaphore_mem>>) src(%arg12 : memref<128x64xf32, #tpu.memory_space<vmem>>) dst(%dma_wait3A_179 : memref<25088x64xf32, #tpu.memory_space<vmem_shared>>)
              tpu.yield
            }) : () -> ()
          } else {
          }
        }
        %while3A_147 = arith.constant 1 : i32
        scf.for %while3A_148 = %while3A_145 to %while3A_141 step %while3A_147  : i32 {
          %mul3A_149 = arith.constant 2 : i32
          %mul3A_150 = arith.muli %mul3A_149, %while3A_148 : i32
          %add3A_151 = arith.constant 1 : i32
          %add3A_152 = arith.addi %mul3A_150, %add3A_151 : i32
          %lt3A = arith.cmpi slt, %add3A_152, %select_n3A : i32
          %convert_element_type3A_153 = arith.extui %lt3A : i1 to i32
          %cond3A_154 = arith.constant 0 : i32
          %cond3A_155 = arith.cmpi ne, %convert_element_type3A_153, %cond3A_154 : i32
          scf.if %cond3A_155 {
            %add3A_170 = arith.constant 1 : i32
            %add3A_171 = arith.addi %mul3A_150, %add3A_170 : i32
            %mul3A_172 = arith.constant 128 : i32
            %mul3A_173 = arith.muli %add3A_171, %mul3A_172 : i32
            %add3A_174 = arith.constant 0 : i32
            %add3A_175 = arith.addi %mul3A_173, %add3A_174 : i32
            %get3A = arith.index_cast %add3A_175 : i32 to index
            %get3A_176 = tpu.vector_load %arg6[%get3A] {strides = array<i32>} : memref<4128xi32, #tpu.memory_space<vmem>>, vector<16xi32>,
            %shift_right_logical3A = arith.constant 15 : i32
            %shift_right_logical3A_177 = vector.broadcast %shift_right_logical3A : i32 to vector<16xi32>
            %shift_right_logical3A_178 = arith.shrui %get3A_176, %shift_right_logical3A_177 : vector<16xi32>
            %swap3A_179 = arith.constant 0 : index
            %swap3A_180 = tpu.vector_load %arg9[%swap3A_179] {strides = array<i32>} : memref<128xi32, #tpu.memory_space<vmem>>, vector<16xi32>,
            tpu.vector_store %arg9[%swap3A_179], %shift_right_logical3A_178 {strides = array<i32>} : memref<128xi32, #tpu.memory_space<vmem>>, vector<16xi32>,
            %and3A_181 = arith.constant 32767 : i32
            %and3A_182 = vector.broadcast %and3A_181 : i32 to vector<16xi32>
            %and3A_183 = arith.andi %get3A_176, %and3A_182 : vector<16xi32>
            %swap3A_184 = arith.constant 0 : index
            %swap3A_185 = tpu.vector_load %arg10[%swap3A_184] {strides = array<i32>} : memref<128xi32, #tpu.memory_space<vmem>>, vector<16xi32>,
            tpu.vector_store %arg10[%swap3A_184], %and3A_183 {strides = array<i32>} : memref<128xi32, #tpu.memory_space<vmem>>, vector<16xi32>,
            %mul3A_186 = arith.constant 128 : i32
            %mul3A_187 = arith.muli %add3A_171, %mul3A_186 : i32
            %add3A_188 = arith.constant 16 : i32
            %add3A_189 = arith.addi %mul3A_187, %add3A_188 : i32
            %get3A_190 = arith.index_cast %add3A_189 : i32 to index
            %get3A_191 = tpu.vector_load %arg6[%get3A_190] {strides = array<i32>} : memref<4128xi32, #tpu.memory_space<vmem>>, vector<16xi32>,
            %shift_right_logical3A_192 = arith.constant 15 : i32
            %shift_right_logical3A_193 = vector.broadcast %shift_right_logical3A_192 : i32 to vector<16xi32>
            %shift_right_logical3A_194 = arith.shrui %get3A_191, %shift_right_logical3A_193 : vector<16xi32>
            %swap3A_195 = arith.constant 16 : index
            %swap3A_196 = tpu.vector_load %arg9[%swap3A_195] {strides = array<i32>} : memref<128xi32, #tpu.memory_space<vmem>>, vector<16xi32>,
            tpu.vector_store %arg9[%swap3A_195], %shift_right_logical3A_194 {strides = array<i32>} : memref<128xi32, #tpu.memory_space<vmem>>, vector<16xi32>,
            %and3A_197 = arith.constant 32767 : i32
            %and3A_198 = vector.broadcast %and3A_197 : i32 to vector<16xi32>
            %and3A_199 = arith.andi %get3A_191, %and3A_198 : vector<16xi32>
            %swap3A_200 = arith.constant 16 : index
            %swap3A_201 = tpu.vector_load %arg10[%swap3A_200] {strides = array<i32>} : memref<128xi32, #tpu.memory_space<vmem>>, vector<16xi32>,
            tpu.vector_store %arg10[%swap3A_200], %and3A_199 {strides = array<i32>} : memref<128xi32, #tpu.memory_space<vmem>>, vector<16xi32>,
            %mul3A_202 = arith.constant 128 : i32
            %mul3A_203 = arith.muli %add3A_171, %mul3A_202 : i32
            %add3A_204 = arith.constant 32 : i32
            %add3A_205 = arith.addi %mul3A_203, %add3A_204 : i32
            %get3A_206 = arith.index_cast %add3A_205 : i32 to index
            %get3A_207 = tpu.vector_load %arg6[%get3A_206] {strides = array<i32>} : memref<4128xi32, #tpu.memory_space<vmem>>, vector<16xi32>,
            %shift_right_logical3A_208 = arith.constant 15 : i32
            %shift_right_logical3A_209 = vector.broadcast %shift_right_logical3A_208 : i32 to vector<16xi32>
            %shift_right_logical3A_210 = arith.shrui %get3A_207, %shift_right_logical3A_209 : vector<16xi32>
            %swap3A_211 = arith.constant 32 : index
            %swap3A_212 = tpu.vector_load %arg9[%swap3A_211] {strides = array<i32>} : memref<128xi32, #tpu.memory_space<vmem>>, vector<16xi32>,
            tpu.vector_store %arg9[%swap3A_211], %shift_right_logical3A_210 {strides = array<i32>} : memref<128xi32, #tpu.memory_space<vmem>>, vector<16xi32>,
            %and3A_213 = arith.constant 32767 : i32
            %and3A_214 = vector.broadcast %and3A_213 : i32 to vector<16xi32>
            %and3A_215 = arith.andi %get3A_207, %and3A_214 : vector<16xi32>
            %swap3A_216 = arith.constant 32 : index
            %swap3A_217 = tpu.vector_load %arg10[%swap3A_216] {strides = array<i32>} : memref<128xi32, #tpu.memory_space<vmem>>, vector<16xi32>,
            tpu.vector_store %arg10[%swap3A_216], %and3A_215 {strides = array<i32>} : memref<128xi32, #tpu.memory_space<vmem>>, vector<16xi32>,
            %mul3A_218 = arith.constant 128 : i32
            %mul3A_219 = arith.muli %add3A_171, %mul3A_218 : i32
            %add3A_220 = arith.constant 48 : i32
            %add3A_221 = arith.addi %mul3A_219, %add3A_220 : i32
            %get3A_222 = arith.index_cast %add3A_221 : i32 to index
            %get3A_223 = tpu.vector_load %arg6[%get3A_222] {strides = array<i32>} : memref<4128xi32, #tpu.memory_space<vmem>>, vector<16xi32>,
            %shift_right_logical3A_224 = arith.constant 15 : i32
            %shift_right_logical3A_225 = vector.broadcast %shift_right_logical3A_224 : i32 to vector<16xi32>
            %shift_right_logical3A_226 = arith.shrui %get3A_223, %shift_right_logical3A_225 : vector<16xi32>
            %swap3A_227 = arith.constant 48 : index
            %swap3A_228 = tpu.vector_load %arg9[%swap3A_227] {strides = array<i32>} : memref<128xi32, #tpu.memory_space<vmem>>, vector<16xi32>,
            tpu.vector_store %arg9[%swap3A_227], %shift_right_logical3A_226 {strides = array<i32>} : memref<128xi32, #tpu.memory_space<vmem>>, vector<16xi32>,
            %and3A_229 = arith.constant 32767 : i32
            %and3A_230 = vector.broadcast %and3A_229 : i32 to vector<16xi32>
            %and3A_231 = arith.andi %get3A_223, %and3A_230 : vector<16xi32>
            %swap3A_232 = arith.constant 48 : index
            %swap3A_233 = tpu.vector_load %arg10[%swap3A_232] {strides = array<i32>} : memref<128xi32, #tpu.memory_space<vmem>>, vector<16xi32>,
            tpu.vector_store %arg10[%swap3A_232], %and3A_231 {strides = array<i32>} : memref<128xi32, #tpu.memory_space<vmem>>, vector<16xi32>,
            %mul3A_234 = arith.constant 128 : i32
            %mul3A_235 = arith.muli %add3A_171, %mul3A_234 : i32
            %add3A_236 = arith.constant 64 : i32
            %add3A_237 = arith.addi %mul3A_235, %add3A_236 : i32
            %get3A_238 = arith.index_cast %add3A_237 : i32 to index
            %get3A_239 = tpu.vector_load %arg6[%get3A_238] {strides = array<i32>} : memref<4128xi32, #tpu.memory_space<vmem>>, vector<16xi32>,
            %shift_right_logical3A_240 = arith.constant 15 : i32
            %shift_right_logical3A_241 = vector.broadcast %shift_right_logical3A_240 : i32 to vector<16xi32>
            %shift_right_logical3A_242 = arith.shrui %get3A_239, %shift_right_logical3A_241 : vector<16xi32>
            %swap3A_243 = arith.constant 64 : index
            %swap3A_244 = tpu.vector_load %arg9[%swap3A_243] {strides = array<i32>} : memref<128xi32, #tpu.memory_space<vmem>>, vector<16xi32>,
            tpu.vector_store %arg9[%swap3A_243], %shift_right_logical3A_242 {strides = array<i32>} : memref<128xi32, #tpu.memory_space<vmem>>, vector<16xi32>,
            %and3A_245 = arith.constant 32767 : i32
            %and3A_246 = vector.broadcast %and3A_245 : i32 to vector<16xi32>
            %and3A_247 = arith.andi %get3A_239, %and3A_246 : vector<16xi32>
            %swap3A_248 = arith.constant 64 : index
            %swap3A_249 = tpu.vector_load %arg10[%swap3A_248] {strides = array<i32>} : memref<128xi32, #tpu.memory_space<vmem>>, vector<16xi32>,
            tpu.vector_store %arg10[%swap3A_248], %and3A_247 {strides = array<i32>} : memref<128xi32, #tpu.memory_space<vmem>>, vector<16xi32>,
            %mul3A_250 = arith.constant 128 : i32
            %mul3A_251 = arith.muli %add3A_171, %mul3A_250 : i32
            %add3A_252 = arith.constant 80 : i32
            %add3A_253 = arith.addi %mul3A_251, %add3A_252 : i32
            %get3A_254 = arith.index_cast %add3A_253 : i32 to index
            %get3A_255 = tpu.vector_load %arg6[%get3A_254] {strides = array<i32>} : memref<4128xi32, #tpu.memory_space<vmem>>, vector<16xi32>,
            %shift_right_logical3A_256 = arith.constant 15 : i32
            %shift_right_logical3A_257 = vector.broadcast %shift_right_logical3A_256 : i32 to vector<16xi32>
            %shift_right_logical3A_258 = arith.shrui %get3A_255, %shift_right_logical3A_257 : vector<16xi32>
            %swap3A_259 = arith.constant 80 : index
            %swap3A_260 = tpu.vector_load %arg9[%swap3A_259] {strides = array<i32>} : memref<128xi32, #tpu.memory_space<vmem>>, vector<16xi32>,
            tpu.vector_store %arg9[%swap3A_259], %shift_right_logical3A_258 {strides = array<i32>} : memref<128xi32, #tpu.memory_space<vmem>>, vector<16xi32>,
            %and3A_261 = arith.constant 32767 : i32
            %and3A_262 = vector.broadcast %and3A_261 : i32 to vector<16xi32>
            %and3A_263 = arith.andi %get3A_255, %and3A_262 : vector<16xi32>
            %swap3A_264 = arith.constant 80 : index
            %swap3A_265 = tpu.vector_load %arg10[%swap3A_264] {strides = array<i32>} : memref<128xi32, #tpu.memory_space<vmem>>, vector<16xi32>,
            tpu.vector_store %arg10[%swap3A_264], %and3A_263 {strides = array<i32>} : memref<128xi32, #tpu.memory_space<vmem>>, vector<16xi32>,
            %mul3A_266 = arith.constant 128 : i32
            %mul3A_267 = arith.muli %add3A_171, %mul3A_266 : i32
            %add3A_268 = arith.constant 96 : i32
            %add3A_269 = arith.addi %mul3A_267, %add3A_268 : i32
            %get3A_270 = arith.index_cast %add3A_269 : i32 to index
            %get3A_271 = tpu.vector_load %arg6[%get3A_270] {strides = array<i32>} : memref<4128xi32, #tpu.memory_space<vmem>>, vector<16xi32>,
            %shift_right_logical3A_272 = arith.constant 15 : i32
            %shift_right_logical3A_273 = vector.broadcast %shift_right_logical3A_272 : i32 to vector<16xi32>
            %shift_right_logical3A_274 = arith.shrui %get3A_271, %shift_right_logical3A_273 : vector<16xi32>
            %swap3A_275 = arith.constant 96 : index
            %swap3A_276 = tpu.vector_load %arg9[%swap3A_275] {strides = array<i32>} : memref<128xi32, #tpu.memory_space<vmem>>, vector<16xi32>,
            tpu.vector_store %arg9[%swap3A_275], %shift_right_logical3A_274 {strides = array<i32>} : memref<128xi32, #tpu.memory_space<vmem>>, vector<16xi32>,
            %and3A_277 = arith.constant 32767 : i32
            %and3A_278 = vector.broadcast %and3A_277 : i32 to vector<16xi32>
            %and3A_279 = arith.andi %get3A_271, %and3A_278 : vector<16xi32>
            %swap3A_280 = arith.constant 96 : index
            %swap3A_281 = tpu.vector_load %arg10[%swap3A_280] {strides = array<i32>} : memref<128xi32, #tpu.memory_space<vmem>>, vector<16xi32>,
            tpu.vector_store %arg10[%swap3A_280], %and3A_279 {strides = array<i32>} : memref<128xi32, #tpu.memory_space<vmem>>, vector<16xi32>,
            %mul3A_282 = arith.constant 128 : i32
            %mul3A_283 = arith.muli %add3A_171, %mul3A_282 : i32
            %add3A_284 = arith.constant 112 : i32
            %add3A_285 = arith.addi %mul3A_283, %add3A_284 : i32
            %get3A_286 = arith.index_cast %add3A_285 : i32 to index
            %get3A_287 = tpu.vector_load %arg6[%get3A_286] {strides = array<i32>} : memref<4128xi32, #tpu.memory_space<vmem>>, vector<16xi32>,
            %shift_right_logical3A_288 = arith.constant 15 : i32
            %shift_right_logical3A_289 = vector.broadcast %shift_right_logical3A_288 : i32 to vector<16xi32>
            %shift_right_logical3A_290 = arith.shrui %get3A_287, %shift_right_logical3A_289 : vector<16xi32>
            %swap3A_291 = arith.constant 112 : index
            %swap3A_292 = tpu.vector_load %arg9[%swap3A_291] {strides = array<i32>} : memref<128xi32, #tpu.memory_space<vmem>>, vector<16xi32>,
            tpu.vector_store %arg9[%swap3A_291], %shift_right_logical3A_290 {strides = array<i32>} : memref<128xi32, #tpu.memory_space<vmem>>, vector<16xi32>,
            %and3A_293 = arith.constant 32767 : i32
            %and3A_294 = vector.broadcast %and3A_293 : i32 to vector<16xi32>
            %and3A_295 = arith.andi %get3A_287, %and3A_294 : vector<16xi32>
            %swap3A_296 = arith.constant 112 : index
            %swap3A_297 = tpu.vector_load %arg10[%swap3A_296] {strides = array<i32>} : memref<128xi32, #tpu.memory_space<vmem>>, vector<16xi32>,
            tpu.vector_store %arg10[%swap3A_296], %and3A_295 {strides = array<i32>} : memref<128xi32, #tpu.memory_space<vmem>>, vector<16xi32>,
            %dma_start3A = arith.constant 0 : i32
            %dma_start3A_298 = arith.constant 0 : i32
            %dma_start3A_299 = tpu.memref_slice %arg2[%dma_start3A, %dma_start3A_298] : memref<100352x64xf32, #tpu.memory_space<hbm>> -> memref<100352x64xf32, #tpu.memory_space<hbm>>
            tpu.enqueue_indirect_dma source(%dma_start3A_299 : memref<100352x64xf32, #tpu.memory_space<hbm>>) target(%arg12 : memref<128x64xf32, #tpu.memory_space<vmem>>) offsets(%arg9 : memref<128xi32, #tpu.memory_space<vmem>>) semaphore(%arg15 : memref<!tpu.dma_semaphore, #tpu.memory_space<semaphore_mem>>)
          } else {
          }
          %dma_wait3A = arith.constant 0 : i32
          %dma_wait3A_156 = arith.constant 0 : i32
          %dma_wait3A_157 = tpu.memref_slice %arg2[%dma_wait3A, %dma_wait3A_156] : memref<100352x64xf32, #tpu.memory_space<hbm>> -> memref<100352x64xf32, #tpu.memory_space<hbm>>
          tpu.wait_indirect_dma semaphore(%arg14 : memref<!tpu.dma_semaphore, #tpu.memory_space<semaphore_mem>>) src(%dma_wait3A_157 : memref<100352x64xf32, #tpu.memory_space<hbm>>) dst(%arg11 : memref<128x64xf32, #tpu.memory_space<vmem>>)
          "tpu.region"() ({
            %run_scoped3A = tpu.sem_alloc : memref<!tpu.dma_semaphore, #tpu.memory_space<semaphore_mem>>
            %dma_start3A = arith.constant 0 : i32
            %dma_start3A_170 = arith.constant 0 : i32
            %dma_start3A_171 = tpu.memref_slice %arg13[%dma_start3A, %dma_start3A_170] : memref<25088x64xf32, #tpu.memory_space<vmem_shared>> -> memref<25088x64xf32, #tpu.memory_space<vmem_shared>>
            tpu.enqueue_indirect_dma source(%arg11 : memref<128x64xf32, #tpu.memory_space<vmem>>) target(%dma_start3A_171 : memref<25088x64xf32, #tpu.memory_space<vmem_shared>>) offsets(%arg8 : memref<128xi32, #tpu.memory_space<vmem>>) semaphore(%run_scoped3A : memref<!tpu.dma_semaphore, #tpu.memory_space<semaphore_mem>>) {add = true}
            %dma_wait3A_172 = arith.constant 0 : i32
            %dma_wait3A_173 = arith.constant 0 : i32
            %dma_wait3A_174 = tpu.memref_slice %arg13[%dma_wait3A_172, %dma_wait3A_173] : memref<25088x64xf32, #tpu.memory_space<vmem_shared>> -> memref<25088x64xf32, #tpu.memory_space<vmem_shared>>
            tpu.wait_indirect_dma semaphore(%run_scoped3A : memref<!tpu.dma_semaphore, #tpu.memory_space<semaphore_mem>>) src(%arg11 : memref<128x64xf32, #tpu.memory_space<vmem>>) dst(%dma_wait3A_174 : memref<25088x64xf32, #tpu.memory_space<vmem_shared>>)
            tpu.yield
          }) : () -> ()
          %add3A_158 = arith.constant 2 : i32
          %add3A_159 = arith.addi %mul3A_150, %add3A_158 : i32
          %lt3A_160 = arith.cmpi slt, %add3A_159, %select_n3A : i32
          %convert_element_type3A_161 = arith.extui %lt3A_160 : i1 to i32
          %cond3A_162 = arith.constant 0 : i32
          %cond3A_163 = arith.cmpi ne, %convert_element_type3A_161, %cond3A_162 : i32
          scf.if %cond3A_163 {
            %add3A_170 = arith.constant 2 : i32
            %add3A_171 = arith.addi %mul3A_150, %add3A_170 : i32
            %mul3A_172 = arith.constant 128 : i32
            %mul3A_173 = arith.muli %add3A_171, %mul3A_172 : i32
            %add3A_174 = arith.constant 0 : i32
            %add3A_175 = arith.addi %mul3A_173, %add3A_174 : i32
            %get3A = arith.index_cast %add3A_175 : i32 to index
            %get3A_176 = tpu.vector_load %arg6[%get3A] {strides = array<i32>} : memref<4128xi32, #tpu.memory_space<vmem>>, vector<16xi32>,
            %shift_right_logical3A = arith.constant 15 : i32
            %shift_right_logical3A_177 = vector.broadcast %shift_right_logical3A : i32 to vector<16xi32>
            %shift_right_logical3A_178 = arith.shrui %get3A_176, %shift_right_logical3A_177 : vector<16xi32>
            %swap3A_179 = arith.constant 0 : index
            %swap3A_180 = tpu.vector_load %arg7[%swap3A_179] {strides = array<i32>} : memref<128xi32, #tpu.memory_space<vmem>>, vector<16xi32>,
            tpu.vector_store %arg7[%swap3A_179], %shift_right_logical3A_178 {strides = array<i32>} : memref<128xi32, #tpu.memory_space<vmem>>, vector<16xi32>,
            %and3A_181 = arith.constant 32767 : i32
            %and3A_182 = vector.broadcast %and3A_181 : i32 to vector<16xi32>
            %and3A_183 = arith.andi %get3A_176, %and3A_182 : vector<16xi32>
            %swap3A_184 = arith.constant 0 : index
            %swap3A_185 = tpu.vector_load %arg8[%swap3A_184] {strides = array<i32>} : memref<128xi32, #tpu.memory_space<vmem>>, vector<16xi32>,
            tpu.vector_store %arg8[%swap3A_184], %and3A_183 {strides = array<i32>} : memref<128xi32, #tpu.memory_space<vmem>>, vector<16xi32>,
            %mul3A_186 = arith.constant 128 : i32
            %mul3A_187 = arith.muli %add3A_171, %mul3A_186 : i32
            %add3A_188 = arith.constant 16 : i32
            %add3A_189 = arith.addi %mul3A_187, %add3A_188 : i32
            %get3A_190 = arith.index_cast %add3A_189 : i32 to index
            %get3A_191 = tpu.vector_load %arg6[%get3A_190] {strides = array<i32>} : memref<4128xi32, #tpu.memory_space<vmem>>, vector<16xi32>,
            %shift_right_logical3A_192 = arith.constant 15 : i32
            %shift_right_logical3A_193 = vector.broadcast %shift_right_logical3A_192 : i32 to vector<16xi32>
            %shift_right_logical3A_194 = arith.shrui %get3A_191, %shift_right_logical3A_193 : vector<16xi32>
            %swap3A_195 = arith.constant 16 : index
            %swap3A_196 = tpu.vector_load %arg7[%swap3A_195] {strides = array<i32>} : memref<128xi32, #tpu.memory_space<vmem>>, vector<16xi32>,
            tpu.vector_store %arg7[%swap3A_195], %shift_right_logical3A_194 {strides = array<i32>} : memref<128xi32, #tpu.memory_space<vmem>>, vector<16xi32>,
            %and3A_197 = arith.constant 32767 : i32
            %and3A_198 = vector.broadcast %and3A_197 : i32 to vector<16xi32>
            %and3A_199 = arith.andi %get3A_191, %and3A_198 : vector<16xi32>
            %swap3A_200 = arith.constant 16 : index
            %swap3A_201 = tpu.vector_load %arg8[%swap3A_200] {strides = array<i32>} : memref<128xi32, #tpu.memory_space<vmem>>, vector<16xi32>,
            tpu.vector_store %arg8[%swap3A_200], %and3A_199 {strides = array<i32>} : memref<128xi32, #tpu.memory_space<vmem>>, vector<16xi32>,
            %mul3A_202 = arith.constant 128 : i32
            %mul3A_203 = arith.muli %add3A_171, %mul3A_202 : i32
            %add3A_204 = arith.constant 32 : i32
            %add3A_205 = arith.addi %mul3A_203, %add3A_204 : i32
            %get3A_206 = arith.index_cast %add3A_205 : i32 to index
            %get3A_207 = tpu.vector_load %arg6[%get3A_206] {strides = array<i32>} : memref<4128xi32, #tpu.memory_space<vmem>>, vector<16xi32>,
            %shift_right_logical3A_208 = arith.constant 15 : i32
            %shift_right_logical3A_209 = vector.broadcast %shift_right_logical3A_208 : i32 to vector<16xi32>
            %shift_right_logical3A_210 = arith.shrui %get3A_207, %shift_right_logical3A_209 : vector<16xi32>
            %swap3A_211 = arith.constant 32 : index
            %swap3A_212 = tpu.vector_load %arg7[%swap3A_211] {strides = array<i32>} : memref<128xi32, #tpu.memory_space<vmem>>, vector<16xi32>,
            tpu.vector_store %arg7[%swap3A_211], %shift_right_logical3A_210 {strides = array<i32>} : memref<128xi32, #tpu.memory_space<vmem>>, vector<16xi32>,
            %and3A_213 = arith.constant 32767 : i32
            %and3A_214 = vector.broadcast %and3A_213 : i32 to vector<16xi32>
            %and3A_215 = arith.andi %get3A_207, %and3A_214 : vector<16xi32>
            %swap3A_216 = arith.constant 32 : index
            %swap3A_217 = tpu.vector_load %arg8[%swap3A_216] {strides = array<i32>} : memref<128xi32, #tpu.memory_space<vmem>>, vector<16xi32>,
            tpu.vector_store %arg8[%swap3A_216], %and3A_215 {strides = array<i32>} : memref<128xi32, #tpu.memory_space<vmem>>, vector<16xi32>,
            %mul3A_218 = arith.constant 128 : i32
            %mul3A_219 = arith.muli %add3A_171, %mul3A_218 : i32
            %add3A_220 = arith.constant 48 : i32
            %add3A_221 = arith.addi %mul3A_219, %add3A_220 : i32
            %get3A_222 = arith.index_cast %add3A_221 : i32 to index
            %get3A_223 = tpu.vector_load %arg6[%get3A_222] {strides = array<i32>} : memref<4128xi32, #tpu.memory_space<vmem>>, vector<16xi32>,
            %shift_right_logical3A_224 = arith.constant 15 : i32
            %shift_right_logical3A_225 = vector.broadcast %shift_right_logical3A_224 : i32 to vector<16xi32>
            %shift_right_logical3A_226 = arith.shrui %get3A_223, %shift_right_logical3A_225 : vector<16xi32>
            %swap3A_227 = arith.constant 48 : index
            %swap3A_228 = tpu.vector_load %arg7[%swap3A_227] {strides = array<i32>} : memref<128xi32, #tpu.memory_space<vmem>>, vector<16xi32>,
            tpu.vector_store %arg7[%swap3A_227], %shift_right_logical3A_226 {strides = array<i32>} : memref<128xi32, #tpu.memory_space<vmem>>, vector<16xi32>,
            %and3A_229 = arith.constant 32767 : i32
            %and3A_230 = vector.broadcast %and3A_229 : i32 to vector<16xi32>
            %and3A_231 = arith.andi %get3A_223, %and3A_230 : vector<16xi32>
            %swap3A_232 = arith.constant 48 : index
            %swap3A_233 = tpu.vector_load %arg8[%swap3A_232] {strides = array<i32>} : memref<128xi32, #tpu.memory_space<vmem>>, vector<16xi32>,
            tpu.vector_store %arg8[%swap3A_232], %and3A_231 {strides = array<i32>} : memref<128xi32, #tpu.memory_space<vmem>>, vector<16xi32>,
            %mul3A_234 = arith.constant 128 : i32
            %mul3A_235 = arith.muli %add3A_171, %mul3A_234 : i32
            %add3A_236 = arith.constant 64 : i32
            %add3A_237 = arith.addi %mul3A_235, %add3A_236 : i32
            %get3A_238 = arith.index_cast %add3A_237 : i32 to index
            %get3A_239 = tpu.vector_load %arg6[%get3A_238] {strides = array<i32>} : memref<4128xi32, #tpu.memory_space<vmem>>, vector<16xi32>,
            %shift_right_logical3A_240 = arith.constant 15 : i32
            %shift_right_logical3A_241 = vector.broadcast %shift_right_logical3A_240 : i32 to vector<16xi32>
            %shift_right_logical3A_242 = arith.shrui %get3A_239, %shift_right_logical3A_241 : vector<16xi32>
            %swap3A_243 = arith.constant 64 : index
            %swap3A_244 = tpu.vector_load %arg7[%swap3A_243] {strides = array<i32>} : memref<128xi32, #tpu.memory_space<vmem>>, vector<16xi32>,
            tpu.vector_store %arg7[%swap3A_243], %shift_right_logical3A_242 {strides = array<i32>} : memref<128xi32, #tpu.memory_space<vmem>>, vector<16xi32>,
            %and3A_245 = arith.constant 32767 : i32
            %and3A_246 = vector.broadcast %and3A_245 : i32 to vector<16xi32>
            %and3A_247 = arith.andi %get3A_239, %and3A_246 : vector<16xi32>
            %swap3A_248 = arith.constant 64 : index
            %swap3A_249 = tpu.vector_load %arg8[%swap3A_248] {strides = array<i32>} : memref<128xi32, #tpu.memory_space<vmem>>, vector<16xi32>,
            tpu.vector_store %arg8[%swap3A_248], %and3A_247 {strides = array<i32>} : memref<128xi32, #tpu.memory_space<vmem>>, vector<16xi32>,
            %mul3A_250 = arith.constant 128 : i32
            %mul3A_251 = arith.muli %add3A_171, %mul3A_250 : i32
            %add3A_252 = arith.constant 80 : i32
            %add3A_253 = arith.addi %mul3A_251, %add3A_252 : i32
            %get3A_254 = arith.index_cast %add3A_253 : i32 to index
            %get3A_255 = tpu.vector_load %arg6[%get3A_254] {strides = array<i32>} : memref<4128xi32, #tpu.memory_space<vmem>>, vector<16xi32>,
            %shift_right_logical3A_256 = arith.constant 15 : i32
            %shift_right_logical3A_257 = vector.broadcast %shift_right_logical3A_256 : i32 to vector<16xi32>
            %shift_right_logical3A_258 = arith.shrui %get3A_255, %shift_right_logical3A_257 : vector<16xi32>
            %swap3A_259 = arith.constant 80 : index
            %swap3A_260 = tpu.vector_load %arg7[%swap3A_259] {strides = array<i32>} : memref<128xi32, #tpu.memory_space<vmem>>, vector<16xi32>,
            tpu.vector_store %arg7[%swap3A_259], %shift_right_logical3A_258 {strides = array<i32>} : memref<128xi32, #tpu.memory_space<vmem>>, vector<16xi32>,
            %and3A_261 = arith.constant 32767 : i32
            %and3A_262 = vector.broadcast %and3A_261 : i32 to vector<16xi32>
            %and3A_263 = arith.andi %get3A_255, %and3A_262 : vector<16xi32>
            %swap3A_264 = arith.constant 80 : index
            %swap3A_265 = tpu.vector_load %arg8[%swap3A_264] {strides = array<i32>} : memref<128xi32, #tpu.memory_space<vmem>>, vector<16xi32>,
            tpu.vector_store %arg8[%swap3A_264], %and3A_263 {strides = array<i32>} : memref<128xi32, #tpu.memory_space<vmem>>, vector<16xi32>,
            %mul3A_266 = arith.constant 128 : i32
            %mul3A_267 = arith.muli %add3A_171, %mul3A_266 : i32
            %add3A_268 = arith.constant 96 : i32
            %add3A_269 = arith.addi %mul3A_267, %add3A_268 : i32
            %get3A_270 = arith.index_cast %add3A_269 : i32 to index
            %get3A_271 = tpu.vector_load %arg6[%get3A_270] {strides = array<i32>} : memref<4128xi32, #tpu.memory_space<vmem>>, vector<16xi32>,
            %shift_right_logical3A_272 = arith.constant 15 : i32
            %shift_right_logical3A_273 = vector.broadcast %shift_right_logical3A_272 : i32 to vector<16xi32>
            %shift_right_logical3A_274 = arith.shrui %get3A_271, %shift_right_logical3A_273 : vector<16xi32>
            %swap3A_275 = arith.constant 96 : index
            %swap3A_276 = tpu.vector_load %arg7[%swap3A_275] {strides = array<i32>} : memref<128xi32, #tpu.memory_space<vmem>>, vector<16xi32>,
            tpu.vector_store %arg7[%swap3A_275], %shift_right_logical3A_274 {strides = array<i32>} : memref<128xi32, #tpu.memory_space<vmem>>, vector<16xi32>,
            %and3A_277 = arith.constant 32767 : i32
            %and3A_278 = vector.broadcast %and3A_277 : i32 to vector<16xi32>
            %and3A_279 = arith.andi %get3A_271, %and3A_278 : vector<16xi32>
            %swap3A_280 = arith.constant 96 : index
            %swap3A_281 = tpu.vector_load %arg8[%swap3A_280] {strides = array<i32>} : memref<128xi32, #tpu.memory_space<vmem>>, vector<16xi32>,
            tpu.vector_store %arg8[%swap3A_280], %and3A_279 {strides = array<i32>} : memref<128xi32, #tpu.memory_space<vmem>>, vector<16xi32>,
            %mul3A_282 = arith.constant 128 : i32
            %mul3A_283 = arith.muli %add3A_171, %mul3A_282 : i32
            %add3A_284 = arith.constant 112 : i32
            %add3A_285 = arith.addi %mul3A_283, %add3A_284 : i32
            %get3A_286 = arith.index_cast %add3A_285 : i32 to index
            %get3A_287 = tpu.vector_load %arg6[%get3A_286] {strides = array<i32>} : memref<4128xi32, #tpu.memory_space<vmem>>, vector<16xi32>,
            %shift_right_logical3A_288 = arith.constant 15 : i32
            %shift_right_logical3A_289 = vector.broadcast %shift_right_logical3A_288 : i32 to vector<16xi32>
            %shift_right_logical3A_290 = arith.shrui %get3A_287, %shift_right_logical3A_289 : vector<16xi32>
            %swap3A_291 = arith.constant 112 : index
            %swap3A_292 = tpu.vector_load %arg7[%swap3A_291] {strides = array<i32>} : memref<128xi32, #tpu.memory_space<vmem>>, vector<16xi32>,
            tpu.vector_store %arg7[%swap3A_291], %shift_right_logical3A_290 {strides = array<i32>} : memref<128xi32, #tpu.memory_space<vmem>>, vector<16xi32>,
            %and3A_293 = arith.constant 32767 : i32
            %and3A_294 = vector.broadcast %and3A_293 : i32 to vector<16xi32>
            %and3A_295 = arith.andi %get3A_287, %and3A_294 : vector<16xi32>
            %swap3A_296 = arith.constant 112 : index
            %swap3A_297 = tpu.vector_load %arg8[%swap3A_296] {strides = array<i32>} : memref<128xi32, #tpu.memory_space<vmem>>, vector<16xi32>,
            tpu.vector_store %arg8[%swap3A_296], %and3A_295 {strides = array<i32>} : memref<128xi32, #tpu.memory_space<vmem>>, vector<16xi32>,
            %dma_start3A = arith.constant 0 : i32
            %dma_start3A_298 = arith.constant 0 : i32
            %dma_start3A_299 = tpu.memref_slice %arg2[%dma_start3A, %dma_start3A_298] : memref<100352x64xf32, #tpu.memory_space<hbm>> -> memref<100352x64xf32, #tpu.memory_space<hbm>>
            tpu.enqueue_indirect_dma source(%dma_start3A_299 : memref<100352x64xf32, #tpu.memory_space<hbm>>) target(%arg11 : memref<128x64xf32, #tpu.memory_space<vmem>>) offsets(%arg7 : memref<128xi32, #tpu.memory_space<vmem>>) semaphore(%arg14 : memref<!tpu.dma_semaphore, #tpu.memory_space<semaphore_mem>>)
          } else {
          }
          %add3A_164 = arith.constant 1 : i32
          %add3A_165 = arith.addi %mul3A_150, %add3A_164 : i32
          %lt3A_166 = arith.cmpi slt, %add3A_165, %select_n3A : i32
          %convert_element_type3A_167 = arith.extui %lt3A_166 : i1 to i32
          %cond3A_168 = arith.constant 0 : i32
          %cond3A_169 = arith.cmpi ne, %convert_element_type3A_167, %cond3A_168 : i32
          scf.if %cond3A_169 {
            %add3A_170 = arith.constant 1 : i32
            %add3A_171 = arith.addi %mul3A_150, %add3A_170 : i32
            %dma_wait3A_172 = arith.constant 0 : i32
            %dma_wait3A_173 = arith.constant 0 : i32
            %dma_wait3A_174 = tpu.memref_slice %arg2[%dma_wait3A_172, %dma_wait3A_173] : memref<100352x64xf32, #tpu.memory_space<hbm>> -> memref<100352x64xf32, #tpu.memory_space<hbm>>
            tpu.wait_indirect_dma semaphore(%arg15 : memref<!tpu.dma_semaphore, #tpu.memory_space<semaphore_mem>>) src(%dma_wait3A_174 : memref<100352x64xf32, #tpu.memory_space<hbm>>) dst(%arg12 : memref<128x64xf32, #tpu.memory_space<vmem>>)
            "tpu.region"() ({
              %run_scoped3A = tpu.sem_alloc : memref<!tpu.dma_semaphore, #tpu.memory_space<semaphore_mem>>
              %dma_start3A = arith.constant 0 : i32
              %dma_start3A_175 = arith.constant 0 : i32
              %dma_start3A_176 = tpu.memref_slice %arg13[%dma_start3A, %dma_start3A_175] : memref<25088x64xf32, #tpu.memory_space<vmem_shared>> -> memref<25088x64xf32, #tpu.memory_space<vmem_shared>>
              tpu.enqueue_indirect_dma source(%arg12 : memref<128x64xf32, #tpu.memory_space<vmem>>) target(%dma_start3A_176 : memref<25088x64xf32, #tpu.memory_space<vmem_shared>>) offsets(%arg10 : memref<128xi32, #tpu.memory_space<vmem>>) semaphore(%run_scoped3A : memref<!tpu.dma_semaphore, #tpu.memory_space<semaphore_mem>>) {add = true}
              %dma_wait3A_177 = arith.constant 0 : i32
              %dma_wait3A_178 = arith.constant 0 : i32
              %dma_wait3A_179 = tpu.memref_slice %arg13[%dma_wait3A_177, %dma_wait3A_178] : memref<25088x64xf32, #tpu.memory_space<vmem_shared>> -> memref<25088x64xf32, #tpu.memory_space<vmem_shared>>
              tpu.wait_indirect_dma semaphore(%run_scoped3A : memref<!tpu.dma_semaphore, #tpu.memory_space<semaphore_mem>>) src(%arg12 : memref<128x64xf32, #tpu.memory_space<vmem>>) dst(%dma_wait3A_179 : memref<25088x64xf32, #tpu.memory_space<vmem_shared>>)
              tpu.yield
            }) : () -> ()
          } else {
          }
        }
      }
      %scan3A_33 = arith.constant 25 : i32
      %barrier3A_34 = arith.constant 0 : index
      tpu.barrier barrier_id(%barrier3A_34)
      %scan3A_35 = arith.constant 0 : i32
      %scan3A_36 = arith.constant 0 : i32
      %scan3A_37 = arith.constant 12 : i32
      %scan3A_38 = arith.addi %scan3A_36, %scan3A_37 : i32
      %scan3A_39 = arith.constant 1 : i32
      scf.for %scan3A_47 = %scan3A_36 to %scan3A_38 step %scan3A_39  : i32 {
        %mul3A_48 = arith.constant 128 : i32
        %mul3A_49 = arith.muli %scan3A_47, %mul3A_48 : i32
        %add3A_50 = arith.addi %mul3A_3, %mul3A_49 : i32
        "tpu.region"() ({
          %run_scoped3A = tpu.sem_alloc : memref<!tpu.dma_semaphore, #tpu.memory_space<semaphore_mem>>
          %dma_start3A = arith.constant 0 : i32
          %dma_start3A_55 = tpu.memref_slice %arg13[%add3A_50, %dma_start3A] : memref<25088x64xf32, #tpu.memory_space<vmem_shared>> -> memref<128x64xf32, #tpu.memory_space<vmem_shared>>
          %dma_start3A_56 = arith.constant 0 : i32
          %dma_start3A_57 = tpu.memref_slice %arg13[%add3A_50, %dma_start3A_56] : memref<25088x64xf32, #tpu.memory_space<vmem_shared>> -> memref<128x64xf32, #tpu.memory_space<vmem_shared>>
          tpu.enqueue_dma source(%dma_start3A_57 : memref<128x64xf32, #tpu.memory_space<vmem_shared>>) target(%arg11 : memref<128x64xf32, #tpu.memory_space<vmem>>) target_semaphore(%run_scoped3A : memref<!tpu.dma_semaphore, #tpu.memory_space<semaphore_mem>>)
          %dma_wait3A = arith.constant 0 : i32
          %dma_wait3A_58 = tpu.memref_slice %arg13[%add3A_50, %dma_wait3A] : memref<25088x64xf32, #tpu.memory_space<vmem_shared>> -> memref<128x64xf32, #tpu.memory_space<vmem_shared>>
          %dma_wait3A_59 = arith.constant 0 : i32
          %dma_wait3A_60 = tpu.memref_slice %arg13[%add3A_50, %dma_wait3A_59] : memref<25088x64xf32, #tpu.memory_space<vmem_shared>> -> memref<128x64xf32, #tpu.memory_space<vmem_shared>>
          tpu.wait_dma2 semaphore(%run_scoped3A : memref<!tpu.dma_semaphore, #tpu.memory_space<semaphore_mem>>) src(%dma_wait3A_60 : memref<128x64xf32, #tpu.memory_space<vmem_shared>>) dst(%arg11 : memref<128x64xf32, #tpu.memory_space<vmem>>)
          tpu.yield
        }) : () -> ()
        %add3A_51 = arith.addi %mul3A_13, %mul3A_3 : i32
        %mul3A_52 = arith.constant 128 : i32
        %mul3A_53 = arith.muli %scan3A_47, %mul3A_52 : i32
        %add3A_54 = arith.addi %add3A_51, %mul3A_53 : i32
        "tpu.region"() ({
          %run_scoped3A = tpu.sem_alloc : memref<!tpu.dma_semaphore, #tpu.memory_space<semaphore_mem>>
          %dma_start3A = arith.constant 0 : i32
          %dma_start3A_55 = tpu.memref_slice %arg4[%add3A_54, %dma_start3A] : memref<100352x64xf32, #tpu.memory_space<hbm>> -> memref<128x64xf32, #tpu.memory_space<hbm>>
          %dma_start3A_56 = arith.constant 0 : i32
          %dma_start3A_57 = tpu.memref_slice %arg4[%add3A_54, %dma_start3A_56] : memref<100352x64xf32, #tpu.memory_space<hbm>> -> memref<128x64xf32, #tpu.memory_space<hbm>>
          tpu.enqueue_dma source(%arg11 : memref<128x64xf32, #tpu.memory_space<vmem>>) target(%dma_start3A_57 : memref<128x64xf32, #tpu.memory_space<hbm>>) target_semaphore(%run_scoped3A : memref<!tpu.dma_semaphore, #tpu.memory_space<semaphore_mem>>)
          %dma_wait3A = arith.constant 0 : i32
          %dma_wait3A_58 = tpu.memref_slice %arg4[%add3A_54, %dma_wait3A] : memref<100352x64xf32, #tpu.memory_space<hbm>> -> memref<128x64xf32, #tpu.memory_space<hbm>>
          %dma_wait3A_59 = arith.constant 0 : i32
          %dma_wait3A_60 = tpu.memref_slice %arg4[%add3A_54, %dma_wait3A_59] : memref<100352x64xf32, #tpu.memory_space<hbm>> -> memref<128x64xf32, #tpu.memory_space<hbm>>
          tpu.wait_dma2 semaphore(%run_scoped3A : memref<!tpu.dma_semaphore, #tpu.memory_space<semaphore_mem>>) src(%arg11 : memref<128x64xf32, #tpu.memory_space<vmem>>) dst(%dma_wait3A_60 : memref<128x64xf32, #tpu.memory_space<hbm>>)
          tpu.yield
        }) : () -> ()
      }
      %scan3A_40 = arith.constant 12 : i32
      %add3A_41 = arith.constant 1536 : i32
      %add3A_42 = arith.addi %mul3A_3, %add3A_41 : i32
      "tpu.region"() ({
        %run_scoped3A = tpu.sem_alloc : memref<!tpu.dma_semaphore, #tpu.memory_space<semaphore_mem>>
        %dma_start3A = arith.constant 0 : i32
        %dma_start3A_47 = arith.constant 0 : i32
        %dma_start3A_48 = tpu.memref_slice %arg11[%dma_start3A, %dma_start3A_47] : memref<128x64xf32, #tpu.memory_space<vmem>> -> memref<32x64xf32, #tpu.memory_space<vmem>>
        %dma_start3A_49 = arith.constant 0 : i32
        %dma_start3A_50 = tpu.memref_slice %arg13[%add3A_42, %dma_start3A_49] : memref<25088x64xf32, #tpu.memory_space<vmem_shared>> -> memref<32x64xf32, #tpu.memory_space<vmem_shared>>
        %dma_start3A_51 = arith.constant 0 : i32
        %dma_start3A_52 = arith.constant 0 : i32
        %dma_start3A_53 = tpu.memref_slice %arg11[%dma_start3A_51, %dma_start3A_52] : memref<128x64xf32, #tpu.memory_space<vmem>> -> memref<32x64xf32, #tpu.memory_space<vmem>>
        %dma_start3A_54 = arith.constant 0 : i32
        %dma_start3A_55 = tpu.memref_slice %arg13[%add3A_42, %dma_start3A_54] : memref<25088x64xf32, #tpu.memory_space<vmem_shared>> -> memref<32x64xf32, #tpu.memory_space<vmem_shared>>
        tpu.enqueue_dma source(%dma_start3A_55 : memref<32x64xf32, #tpu.memory_space<vmem_shared>>) target(%dma_start3A_53 : memref<32x64xf32, #tpu.memory_space<vmem>>) target_semaphore(%run_scoped3A : memref<!tpu.dma_semaphore, #tpu.memory_space<semaphore_mem>>)
        %dma_wait3A = arith.constant 0 : i32
        %dma_wait3A_56 = arith.constant 0 : i32
        %dma_wait3A_57 = tpu.memref_slice %arg11[%dma_wait3A, %dma_wait3A_56] : memref<128x64xf32, #tpu.memory_space<vmem>> -> memref<32x64xf32, #tpu.memory_space<vmem>>
        %dma_wait3A_58 = arith.constant 0 : i32
        %dma_wait3A_59 = tpu.memref_slice %arg13[%add3A_42, %dma_wait3A_58] : memref<25088x64xf32, #tpu.memory_space<vmem_shared>> -> memref<32x64xf32, #tpu.memory_space<vmem_shared>>
        %dma_wait3A_60 = arith.constant 0 : i32
        %dma_wait3A_61 = arith.constant 0 : i32
        %dma_wait3A_62 = tpu.memref_slice %arg11[%dma_wait3A_60, %dma_wait3A_61] : memref<128x64xf32, #tpu.memory_space<vmem>> -> memref<32x64xf32, #tpu.memory_space<vmem>>
        %dma_wait3A_63 = arith.constant 0 : i32
        %dma_wait3A_64 = tpu.memref_slice %arg13[%add3A_42, %dma_wait3A_63] : memref<25088x64xf32, #tpu.memory_space<vmem_shared>> -> memref<32x64xf32, #tpu.memory_space<vmem_shared>>
        tpu.wait_dma2 semaphore(%run_scoped3A : memref<!tpu.dma_semaphore, #tpu.memory_space<semaphore_mem>>) src(%dma_wait3A_64 : memref<32x64xf32, #tpu.memory_space<vmem_shared>>) dst(%dma_wait3A_62 : memref<32x64xf32, #tpu.memory_space<vmem>>)
        tpu.yield
      }) : () -> ()
      %add3A_43 = arith.addi %mul3A_13, %mul3A_3 : i32
      %add3A_44 = arith.constant 1536 : i32
      %add3A_45 = arith.addi %add3A_43, %add3A_44 : i32
      "tpu.region"() ({
        %run_scoped3A = tpu.sem_alloc : memref<!tpu.dma_semaphore, #tpu.memory_space<semaphore_mem>>
        %dma_start3A = arith.constant 0 : i32
        %dma_start3A_47 = arith.constant 0 : i32
        %dma_start3A_48 = tpu.memref_slice %arg11[%dma_start3A, %dma_start3A_47] : memref<128x64xf32, #tpu.memory_space<vmem>> -> memref<32x64xf32, #tpu.memory_space<vmem>>
        %dma_start3A_49 = arith.constant 0 : i32
        %dma_start3A_50 = tpu.memref_slice %arg4[%add3A_45, %dma_start3A_49] : memref<100352x64xf32, #tpu.memory_space<hbm>> -> memref<32x64xf32, #tpu.memory_space<hbm>>
        %dma_start3A_51 = arith.constant 0 : i32
        %dma_start3A_52 = tpu.memref_slice %arg4[%add3A_45, %dma_start3A_51] : memref<100352x64xf32, #tpu.memory_space<hbm>> -> memref<32x64xf32, #tpu.memory_space<hbm>>
        %dma_start3A_53 = arith.constant 0 : i32
        %dma_start3A_54 = arith.constant 0 : i32
        %dma_start3A_55 = tpu.memref_slice %arg11[%dma_start3A_53, %dma_start3A_54] : memref<128x64xf32, #tpu.memory_space<vmem>> -> memref<32x64xf32, #tpu.memory_space<vmem>>
        tpu.enqueue_dma source(%dma_start3A_55 : memref<32x64xf32, #tpu.memory_space<vmem>>) target(%dma_start3A_52 : memref<32x64xf32, #tpu.memory_space<hbm>>) target_semaphore(%run_scoped3A : memref<!tpu.dma_semaphore, #tpu.memory_space<semaphore_mem>>)
        %dma_wait3A = arith.constant 0 : i32
        %dma_wait3A_56 = arith.constant 0 : i32
        %dma_wait3A_57 = tpu.memref_slice %arg11[%dma_wait3A, %dma_wait3A_56] : memref<128x64xf32, #tpu.memory_space<vmem>> -> memref<32x64xf32, #tpu.memory_space<vmem>>
        %dma_wait3A_58 = arith.constant 0 : i32
        %dma_wait3A_59 = tpu.memref_slice %arg4[%add3A_45, %dma_wait3A_58] : memref<100352x64xf32, #tpu.memory_space<hbm>> -> memref<32x64xf32, #tpu.memory_space<hbm>>
        %dma_wait3A_60 = arith.constant 0 : i32
        %dma_wait3A_61 = tpu.memref_slice %arg4[%add3A_45, %dma_wait3A_60] : memref<100352x64xf32, #tpu.memory_space<hbm>> -> memref<32x64xf32, #tpu.memory_space<hbm>>
        %dma_wait3A_62 = arith.constant 0 : i32
        %dma_wait3A_63 = arith.constant 0 : i32
        %dma_wait3A_64 = tpu.memref_slice %arg11[%dma_wait3A_62, %dma_wait3A_63] : memref<128x64xf32, #tpu.memory_space<vmem>> -> memref<32x64xf32, #tpu.memory_space<vmem>>
        tpu.wait_dma2 semaphore(%run_scoped3A : memref<!tpu.dma_semaphore, #tpu.memory_space<semaphore_mem>>) src(%dma_wait3A_64 : memref<32x64xf32, #tpu.memory_space<vmem>>) dst(%dma_wait3A_61 : memref<32x64xf32, #tpu.memory_space<hbm>>)
        tpu.yield
      }) : () -> ()
      %barrier3A_46 = arith.constant 0 : index
      tpu.barrier barrier_id(%barrier3A_46)
    }
    %scan3A_8 = arith.constant 2 : i32
    return
  }
}

module attributes {stable_mosaic.version = 14 : i64} {
  func.func @_h0_body(%arg0: i32, %arg1: memref<2048x11xf32, #tpu.memory_space<vmem>>, %arg2: memref<11x64xf32, #tpu.memory_space<vmem>>, %arg3: memref<1x64xf32, #tpu.memory_space<vmem>>, %arg4: memref<4x64xf32, #tpu.memory_space<vmem>>, %arg5: memref<1x64xf32, #tpu.memory_space<vmem>>, %arg6: memref<2048x64xf32, #tpu.memory_space<vmem>>) attributes {dimension_semantics = [#tpu.dimension_semantics<arbitrary>], iteration_bounds = array<i64: 49>, scalar_prefetch = 0 : i64, scratch_operands = 0 : i64, tpu.core_type = #tpu.core_type<tc>, window_params = [{transform_indices = @transform_0, window_bounds = array<i64: 2048, 11>}, {pipeline_mode = #tpu.pipeline_mode<synchronous>, transform_indices = @transform_1, window_bounds = array<i64: 11, 64>}, {pipeline_mode = #tpu.pipeline_mode<synchronous>, transform_indices = @transform_2, window_bounds = array<i64: 1, 64>}, {pipeline_mode = #tpu.pipeline_mode<synchronous>, transform_indices = @transform_3, window_bounds = array<i64: 4, 64>}, {pipeline_mode = #tpu.pipeline_mode<synchronous>, transform_indices = @transform_4, window_bounds = array<i64: 1, 64>}, {transform_indices = @transform_5, window_bounds = array<i64: 2048, 64>}]} {
    %mul3A = arith.constant 2048 : i32
    %mul3A_0 = arith.muli %arg0, %mul3A : i32
    %iota3A = tpu.iota {dimensions = array<i32: 0>} : vector<2048x1xi32>
    %add3A = vector.broadcast %mul3A_0 : i32 to vector<2048x1xi32>
    %add3A_1 = arith.addi %add3A, %iota3A : vector<2048x1xi32>
    %get3A = arith.constant 0 : index
    %get3A_2 = arith.constant 0 : index
    %get3A_3 = vector.load %arg1[%get3A, %get3A_2] : memref<2048x11xf32, #tpu.memory_space<vmem>>, vector<2048x11xf32>
    %get3A_4 = arith.constant 0 : index
    %get3A_5 = arith.constant 0 : index
    %get3A_6 = vector.load %arg2[%get3A_4, %get3A_5] : memref<11x64xf32, #tpu.memory_space<vmem>>, vector<11x64xf32>
    %dot_general3A = arith.constant dense<0.000000e+00> : vector<2048x64xf32>
    %dot_general3A_7 = tpu.matmul %get3A_3, %get3A_6, %dot_general3A {dimension_numbers = #tpu.dot_dimension_numbers<[1], [0], [0], [1], [0, 0, 1, 1], [], []>, transpose_lhs_hint = false} : vector<2048x11xf32>, vector<11x64xf32>, vector<2048x64xf32> -> vector<2048x64xf32>
    %get3A_8 = arith.constant 0 : index
    %get3A_9 = arith.constant 0 : index
    %get3A_10 = vector.load %arg3[%get3A_8, %get3A_9] : memref<1x64xf32, #tpu.memory_space<vmem>>, vector<1x64xf32>
    %add3A_11 = vector.broadcast %get3A_10 : vector<1x64xf32> to vector<2048x64xf32>
    %add3A_12 = arith.addf %dot_general3A_7, %add3A_11 : vector<2048x64xf32>
    %slice3A = vector.extract_strided_slice %get3A_3 {offsets = [0, 0], sizes = [2048, 4], strides = [1, 1]} : vector<2048x11xf32> to vector<2048x4xf32>
    %get3A_13 = arith.constant 0 : index
    %get3A_14 = arith.constant 0 : index
    %get3A_15 = vector.load %arg4[%get3A_13, %get3A_14] : memref<4x64xf32, #tpu.memory_space<vmem>>, vector<4x64xf32>
    %dot_general3A_16 = arith.constant dense<0.000000e+00> : vector<2048x64xf32>
    %dot_general3A_17 = tpu.matmul %slice3A, %get3A_15, %dot_general3A_16 {dimension_numbers = #tpu.dot_dimension_numbers<[1], [0], [0], [1], [0, 0, 1, 1], [], []>, transpose_lhs_hint = false} : vector<2048x4xf32>, vector<4x64xf32>, vector<2048x64xf32> -> vector<2048x64xf32>
    %get3A_18 = arith.constant 0 : index
    %get3A_19 = arith.constant 0 : index
    %get3A_20 = vector.load %arg5[%get3A_18, %get3A_19] : memref<1x64xf32, #tpu.memory_space<vmem>>, vector<1x64xf32>
    %add3A_21 = vector.broadcast %get3A_20 : vector<1x64xf32> to vector<2048x64xf32>
    %add3A_22 = arith.addf %dot_general3A_17, %add3A_21 : vector<2048x64xf32>
    %jit3A = arith.constant 5 : i32
    %eq3A = arith.constant 0 : i32
    %eq3A_23 = arith.cmpi eq, %jit3A, %eq3A : i32
    %jit3A_24 = arith.constant 1 : i32
    %select_n3A = arith.select %eq3A_23, %jit3A_24, %jit3A : i32
    %rem3A = vector.broadcast %select_n3A : i32 to vector<2048x1xi32>
    %rem3A_25 = arith.remsi %add3A_1, %rem3A : vector<2048x1xi32>
    %ne3A = arith.constant 0 : i32
    %ne3A_26 = vector.broadcast %ne3A : i32 to vector<2048x1xi32>
    %ne3A_27 = arith.cmpi ne, %rem3A_25, %ne3A_26 : vector<2048x1xi32>
    %lt3A = arith.constant 0 : i32
    %lt3A_28 = vector.broadcast %lt3A : i32 to vector<2048x1xi32>
    %lt3A_29 = arith.cmpi slt, %rem3A_25, %lt3A_28 : vector<2048x1xi32>
    %lt3A_30 = arith.constant 0 : i32
    %lt3A_31 = arith.cmpi slt, %select_n3A, %lt3A_30 : i32
    %ne3A_32 = vector.broadcast %lt3A_31 : i1 to vector<2048x1xi1>
    %ne3A_33 = vector.broadcast %ne3A_32 : vector<2048x1xi1> to vector<2048x1xi1>
    %ne3A_34 = arith.xori %lt3A_29, %ne3A_33 : vector<2048x1xi1>
    %and3A = arith.andi %ne3A_34, %ne3A_27 : vector<2048x1xi1>
    %add3A_35 = vector.broadcast %select_n3A : i32 to vector<2048x1xi32>
    %add3A_36 = arith.addi %rem3A_25, %add3A_35 : vector<2048x1xi32>
    %select_n3A_37 = arith.select %and3A, %add3A_36, %rem3A_25 : vector<2048x1xi1>, vector<2048x1xi32>
    %eq3A_38 = arith.constant 0 : i32
    %eq3A_39 = vector.broadcast %eq3A_38 : i32 to vector<2048x1xi32>
    %eq3A_40 = arith.cmpi eq, %select_n3A_37, %eq3A_39 : vector<2048x1xi32>
    %broadcast_in_dim3A = vector.shape_cast %eq3A_40 : vector<2048x1xi1> to vector<2048x1xi1>
    %broadcast_in_dim3A_41 = vector.broadcast %broadcast_in_dim3A : vector<2048x1xi1> to vector<2048x64xi1>
    %select_n3A_42 = arith.select %broadcast_in_dim3A_41, %add3A_12, %add3A_22 : vector<2048x64xi1>, vector<2048x64xf32>
    %lt3A_43 = arith.constant 100000 : i32
    %lt3A_44 = vector.broadcast %lt3A_43 : i32 to vector<2048x1xi32>
    %lt3A_45 = arith.cmpi slt, %add3A_1, %lt3A_44 : vector<2048x1xi32>
    %jit3A_46 = arith.constant 0.000000e+00 : f32
    %broadcast_in_dim3A_47 = vector.shape_cast %lt3A_45 : vector<2048x1xi1> to vector<2048x1xi1>
    %broadcast_in_dim3A_48 = vector.broadcast %broadcast_in_dim3A_47 : vector<2048x1xi1> to vector<2048x64xi1>
    %broadcast_in_dim3A_49 = vector.broadcast %jit3A_46 : f32 to vector<2048x64xf32>
    %select_n3A_50 = arith.select %broadcast_in_dim3A_48, %select_n3A_42, %broadcast_in_dim3A_49 : vector<2048x64xi1>, vector<2048x64xf32>
    %swap3A = arith.constant 0 : index
    %swap3A_51 = arith.constant 0 : index
    %swap3A_52 = vector.load %arg6[%swap3A, %swap3A_51] : memref<2048x64xf32, #tpu.memory_space<vmem>>, vector<2048x64xf32>
    tpu.vector_store %arg6[%swap3A, %swap3A_51], %select_n3A_50 {strides = array<i32>} : memref<2048x64xf32, #tpu.memory_space<vmem>>, vector<2048x64xf32>,
    return
  }
  func.func @transform_0(%arg0: i32) -> (i32, i32) {
    %c0_i32 = arith.constant 0 : i32
    %c0_i32_0 = arith.constant 0 : i32
    return %arg0, %c0_i32 : i32, i32
  }
  func.func @transform_1(%arg0: i32) -> (i32, i32) {
    %c0_i32 = arith.constant 0 : i32
    %c0_i32_0 = arith.constant 0 : i32
    %c0_i32_1 = arith.constant 0 : i32
    return %c0_i32, %c0_i32_0 : i32, i32
  }
  func.func @transform_2(%arg0: i32) -> (i32, i32) {
    %c0_i32 = arith.constant 0 : i32
    %c0_i32_0 = arith.constant 0 : i32
    %c0_i32_1 = arith.constant 0 : i32
    return %c0_i32, %c0_i32_0 : i32, i32
  }
  func.func @transform_3(%arg0: i32) -> (i32, i32) {
    %c0_i32 = arith.constant 0 : i32
    %c0_i32_0 = arith.constant 0 : i32
    %c0_i32_1 = arith.constant 0 : i32
    return %c0_i32, %c0_i32_0 : i32, i32
  }
  func.func @transform_4(%arg0: i32) -> (i32, i32) {
    %c0_i32 = arith.constant 0 : i32
    %c0_i32_0 = arith.constant 0 : i32
    %c0_i32_1 = arith.constant 0 : i32
    return %c0_i32, %c0_i32_0 : i32, i32
  }
  func.func @transform_5(%arg0: i32) -> (i32, i32) {
    %c0_i32 = arith.constant 0 : i32
    %c0_i32_0 = arith.constant 0 : i32
    return %arg0, %c0_i32 : i32, i32
  }
}

module attributes {stable_mosaic.version = 14 : i64} {
  func.func @_update_body(%arg0: i32, %arg1: memref<2048x64xf32, #tpu.memory_space<vmem>>, %arg2: memref<2048x64xf32, #tpu.memory_space<vmem>>, %arg3: memref<64x64xf32, #tpu.memory_space<vmem>>, %arg4: memref<1x64xf32, #tpu.memory_space<vmem>>, %arg5: memref<64x64xf32, #tpu.memory_space<vmem>>, %arg6: memref<2048x64xf32, #tpu.memory_space<vmem>>) attributes {dimension_semantics = [#tpu.dimension_semantics<arbitrary>], iteration_bounds = array<i64: 49>, scalar_prefetch = 0 : i64, scratch_operands = 0 : i64, tpu.core_type = #tpu.core_type<tc>, window_params = [{transform_indices = @transform_0, window_bounds = array<i64: 2048, 64>}, {transform_indices = @transform_1, window_bounds = array<i64: 2048, 64>}, {pipeline_mode = #tpu.pipeline_mode<synchronous>, transform_indices = @transform_2, window_bounds = array<i64: 64, 64>}, {pipeline_mode = #tpu.pipeline_mode<synchronous>, transform_indices = @transform_3, window_bounds = array<i64: 1, 64>}, {pipeline_mode = #tpu.pipeline_mode<synchronous>, transform_indices = @transform_4, window_bounds = array<i64: 64, 64>}, {transform_indices = @transform_5, window_bounds = array<i64: 2048, 64>}]} {
    %mul3A = arith.constant 2048 : i32
    %mul3A_0 = arith.muli %arg0, %mul3A : i32
    %iota3A = tpu.iota {dimensions = array<i32: 0>} : vector<2048x1xi32>
    %add3A = vector.broadcast %mul3A_0 : i32 to vector<2048x1xi32>
    %add3A_1 = arith.addi %add3A, %iota3A : vector<2048x1xi32>
    %get3A = arith.constant 0 : index
    %get3A_2 = arith.constant 0 : index
    %get3A_3 = vector.load %arg1[%get3A, %get3A_2] : memref<2048x64xf32, #tpu.memory_space<vmem>>, vector<2048x64xf32>
    %get3A_4 = arith.constant 0 : index
    %get3A_5 = arith.constant 0 : index
    %get3A_6 = vector.load %arg3[%get3A_4, %get3A_5] : memref<64x64xf32, #tpu.memory_space<vmem>>, vector<64x64xf32>
    %dot_general3A = arith.constant dense<0.000000e+00> : vector<2048x64xf32>
    %dot_general3A_7 = tpu.matmul %get3A_3, %get3A_6, %dot_general3A {dimension_numbers = #tpu.dot_dimension_numbers<[1], [0], [0], [1], [0, 0, 1, 1], [], []>, transpose_lhs_hint = false} : vector<2048x64xf32>, vector<64x64xf32>, vector<2048x64xf32> -> vector<2048x64xf32>
    %get3A_8 = arith.constant 0 : index
    %get3A_9 = arith.constant 0 : index
    %get3A_10 = vector.load %arg2[%get3A_8, %get3A_9] : memref<2048x64xf32, #tpu.memory_space<vmem>>, vector<2048x64xf32>
    %get3A_11 = arith.constant 0 : index
    %get3A_12 = arith.constant 0 : index
    %get3A_13 = vector.load %arg5[%get3A_11, %get3A_12] : memref<64x64xf32, #tpu.memory_space<vmem>>, vector<64x64xf32>
    %dot_general3A_14 = arith.constant dense<0.000000e+00> : vector<2048x64xf32>
    %dot_general3A_15 = tpu.matmul %get3A_10, %get3A_13, %dot_general3A_14 {dimension_numbers = #tpu.dot_dimension_numbers<[1], [0], [0], [1], [0, 0, 1, 1], [], []>, transpose_lhs_hint = false} : vector<2048x64xf32>, vector<64x64xf32>, vector<2048x64xf32> -> vector<2048x64xf32>
    %add3A_16 = arith.addf %dot_general3A_7, %dot_general3A_15 : vector<2048x64xf32>
    %get3A_17 = arith.constant 0 : index
    %get3A_18 = arith.constant 0 : index
    %get3A_19 = vector.load %arg4[%get3A_17, %get3A_18] : memref<1x64xf32, #tpu.memory_space<vmem>>, vector<1x64xf32>
    %add3A_20 = vector.broadcast %get3A_19 : vector<1x64xf32> to vector<2048x64xf32>
    %add3A_21 = arith.addf %add3A_16, %add3A_20 : vector<2048x64xf32>
    %lt3A = arith.constant 100000 : i32
    %lt3A_22 = vector.broadcast %lt3A : i32 to vector<2048x1xi32>
    %lt3A_23 = arith.cmpi slt, %add3A_1, %lt3A_22 : vector<2048x1xi32>
    %tanh3A = math.tanh %add3A_21 : vector<2048x64xf32>
    %jit3A = arith.constant 0.000000e+00 : f32
    %broadcast_in_dim3A = vector.shape_cast %lt3A_23 : vector<2048x1xi1> to vector<2048x1xi1>
    %broadcast_in_dim3A_24 = vector.broadcast %broadcast_in_dim3A : vector<2048x1xi1> to vector<2048x64xi1>
    %broadcast_in_dim3A_25 = vector.broadcast %jit3A : f32 to vector<2048x64xf32>
    %select_n3A = arith.select %broadcast_in_dim3A_24, %tanh3A, %broadcast_in_dim3A_25 : vector<2048x64xi1>, vector<2048x64xf32>
    %swap3A = arith.constant 0 : index
    %swap3A_26 = arith.constant 0 : index
    %swap3A_27 = vector.load %arg6[%swap3A, %swap3A_26] : memref<2048x64xf32, #tpu.memory_space<vmem>>, vector<2048x64xf32>
    tpu.vector_store %arg6[%swap3A, %swap3A_26], %select_n3A {strides = array<i32>} : memref<2048x64xf32, #tpu.memory_space<vmem>>, vector<2048x64xf32>,
    return
  }
  func.func @transform_0(%arg0: i32) -> (i32, i32) {
    %c0_i32 = arith.constant 0 : i32
    %c0_i32_0 = arith.constant 0 : i32
    return %arg0, %c0_i32 : i32, i32
  }
  func.func @transform_1(%arg0: i32) -> (i32, i32) {
    %c0_i32 = arith.constant 0 : i32
    %c0_i32_0 = arith.constant 0 : i32
    return %arg0, %c0_i32 : i32, i32
  }
  func.func @transform_2(%arg0: i32) -> (i32, i32) {
    %c0_i32 = arith.constant 0 : i32
    %c0_i32_0 = arith.constant 0 : i32
    %c0_i32_1 = arith.constant 0 : i32
    return %c0_i32, %c0_i32_0 : i32, i32
  }
  func.func @transform_3(%arg0: i32) -> (i32, i32) {
    %c0_i32 = arith.constant 0 : i32
    %c0_i32_0 = arith.constant 0 : i32
    %c0_i32_1 = arith.constant 0 : i32
    return %c0_i32, %c0_i32_0 : i32, i32
  }
  func.func @transform_4(%arg0: i32) -> (i32, i32) {
    %c0_i32 = arith.constant 0 : i32
    %c0_i32_0 = arith.constant 0 : i32
    %c0_i32_1 = arith.constant 0 : i32
    return %c0_i32, %c0_i32_0 : i32, i32
  }
  func.func @transform_5(%arg0: i32) -> (i32, i32) {
    %c0_i32 = arith.constant 0 : i32
    %c0_i32_0 = arith.constant 0 : i32
    return %arg0, %c0_i32 : i32, i32
  }
}

module attributes {stable_mosaic.version = 14 : i64} {
  func.func @_heads_body(%arg0: i32, %arg1: memref<2000x256xf32, #tpu.memory_space<vmem>>, %arg2: memref<256x16xf32, #tpu.memory_space<vmem>>, %arg3: memref<1x16xf32, #tpu.memory_space<vmem>>, %arg4: memref<2000x16xf32, #tpu.memory_space<vmem>>, %arg5: memref<2000x16xf32, #tpu.memory_space<vmem>>) attributes {dimension_semantics = [#tpu.dimension_semantics<arbitrary>], iteration_bounds = array<i64: 10>, scalar_prefetch = 0 : i64, scratch_operands = 0 : i64, tpu.core_type = #tpu.core_type<tc>, window_params = [{transform_indices = @transform_0, window_bounds = array<i64: 2000, 256>}, {pipeline_mode = #tpu.pipeline_mode<synchronous>, transform_indices = @transform_1, window_bounds = array<i64: 256, 16>}, {pipeline_mode = #tpu.pipeline_mode<synchronous>, transform_indices = @transform_2, window_bounds = array<i64: 1, 16>}, {transform_indices = @transform_3, window_bounds = array<i64: 2000, 16>}, {transform_indices = @transform_4, window_bounds = array<i64: 2000, 16>}]} {
    %get3A = arith.constant 0 : index
    %get3A_0 = arith.constant 0 : index
    %get3A_1 = vector.load %arg1[%get3A, %get3A_0] : memref<2000x256xf32, #tpu.memory_space<vmem>>, vector<2000x256xf32>
    %get3A_2 = arith.constant 0 : index
    %get3A_3 = arith.constant 0 : index
    %get3A_4 = vector.load %arg2[%get3A_2, %get3A_3] : memref<256x16xf32, #tpu.memory_space<vmem>>, vector<256x16xf32>
    %dot_general3A = arith.constant dense<0.000000e+00> : vector<2000x16xf32>
    %dot_general3A_5 = tpu.matmul %get3A_1, %get3A_4, %dot_general3A {dimension_numbers = #tpu.dot_dimension_numbers<[1], [0], [0], [1], [0, 0, 1, 1], [], []>, transpose_lhs_hint = false} : vector<2000x256xf32>, vector<256x16xf32>, vector<2000x16xf32> -> vector<2000x16xf32>
    %get3A_6 = arith.constant 0 : index
    %get3A_7 = arith.constant 0 : index
    %get3A_8 = vector.load %arg3[%get3A_6, %get3A_7] : memref<1x16xf32, #tpu.memory_space<vmem>>, vector<1x16xf32>
    %add3A = vector.broadcast %get3A_8 : vector<1x16xf32> to vector<2000x16xf32>
    %add3A_9 = arith.addf %dot_general3A_5, %add3A : vector<2000x16xf32>
    %swap3A = arith.constant 0 : index
    %swap3A_10 = arith.constant 0 : index
    %swap3A_11 = vector.load %arg4[%swap3A, %swap3A_10] : memref<2000x16xf32, #tpu.memory_space<vmem>>, vector<2000x16xf32>
    tpu.vector_store %arg4[%swap3A, %swap3A_10], %add3A_9 {strides = array<i32>} : memref<2000x16xf32, #tpu.memory_space<vmem>>, vector<2000x16xf32>,
    %add3A_12 = arith.constant 0.541324854 : f32
    %add3A_13 = vector.broadcast %add3A_12 : f32 to vector<2000x16xf32>
    %add3A_14 = arith.addf %add3A_9, %add3A_13 : vector<2000x16xf32>
    %custom_jvp_call3A = arith.constant 0.000000e+00 : f32
    %max3A = vector.broadcast %custom_jvp_call3A : f32 to vector<2000x16xf32>
    %max3A_15 = arith.maximumf %add3A_14, %max3A : vector<2000x16xf32>
    %sub3A = vector.broadcast %custom_jvp_call3A : f32 to vector<2000x16xf32>
    %sub3A_16 = arith.subf %add3A_14, %sub3A : vector<2000x16xf32>
    %ne3A = arith.cmpf one, %sub3A_16, %sub3A_16 : vector<2000x16xf32>
    %add3A_17 = vector.broadcast %custom_jvp_call3A : f32 to vector<2000x16xf32>
    %add3A_18 = arith.addf %add3A_14, %add3A_17 : vector<2000x16xf32>
    %abs3A = math.absf %sub3A_16 : vector<2000x16xf32>
    %neg3A = arith.constant 0.000000e+00 : f32
    %neg3A_19 = vector.broadcast %neg3A : f32 to vector<2000x16xf32>
    %neg3A_20 = arith.subf %neg3A_19, %abs3A : vector<2000x16xf32>
    %exp3A = math.exp %neg3A_20 : vector<2000x16xf32>
    %log1p3A = math.log1p %exp3A : vector<2000x16xf32>
    %add3A_21 = arith.addf %max3A_15, %log1p3A : vector<2000x16xf32>
    %select_n3A = arith.select %ne3A, %add3A_18, %add3A_21 : vector<2000x16xi1>, vector<2000x16xf32>
    %max3A_22 = arith.constant 9.99999974E-5 : f32
    %max3A_23 = vector.broadcast %max3A_22 : f32 to vector<2000x16xf32>
    %max3A_24 = arith.maximumf %select_n3A, %max3A_23 : vector<2000x16xf32>
    %swap3A_25 = arith.constant 0 : index
    %swap3A_26 = arith.constant 0 : index
    %swap3A_27 = vector.load %arg5[%swap3A_25, %swap3A_26] : memref<2000x16xf32, #tpu.memory_space<vmem>>, vector<2000x16xf32>
    tpu.vector_store %arg5[%swap3A_25, %swap3A_26], %max3A_24 {strides = array<i32>} : memref<2000x16xf32, #tpu.memory_space<vmem>>, vector<2000x16xf32>,
    return
  }
  func.func @transform_0(%arg0: i32) -> (i32, i32) {
    %c0_i32 = arith.constant 0 : i32
    %c0_i32_0 = arith.constant 0 : i32
    return %arg0, %c0_i32 : i32, i32
  }
  func.func @transform_1(%arg0: i32) -> (i32, i32) {
    %c0_i32 = arith.constant 0 : i32
    %c0_i32_0 = arith.constant 0 : i32
    %c0_i32_1 = arith.constant 0 : i32
    return %c0_i32, %c0_i32_0 : i32, i32
  }
  func.func @transform_2(%arg0: i32) -> (i32, i32) {
    %c0_i32 = arith.constant 0 : i32
    %c0_i32_0 = arith.constant 0 : i32
    %c0_i32_1 = arith.constant 0 : i32
    return %c0_i32, %c0_i32_0 : i32, i32
  }
  func.func @transform_3(%arg0: i32) -> (i32, i32) {
    %c0_i32 = arith.constant 0 : i32
    %c0_i32_0 = arith.constant 0 : i32
    return %arg0, %c0_i32 : i32, i32
  }
  func.func @transform_4(%arg0: i32) -> (i32, i32) {
    %c0_i32 = arith.constant 0 : i32
    %c0_i32_0 = arith.constant 0 : i32
    return %arg0, %c0_i32 : i32, i32
  }
}

</mosaic_0001>

<sc_bundles>
// kernel: kernel.11.cloned.1.call-start
scs
__scs_entry_jumppad:
0x0: {  	(pc) =	sbr.rel $0x88, $3  }
0x1: {  	(tag) =	ssettag $0x0;
	lr =	simm.s32 $0x1  }
0x2: {  	[smem:$0x3F8D] =	sst lr;
	_ =	strace $0xD0000000  }
0x3: {  	_ = 	snop  }
0x4: {  	_ = 	snop  }
0x5: {  	_ = 	snop  }
0x6: {  	_ = 	snop  }
0x7: {  	_ = 	snop  }
__scs_overlays_trampoline_lowered:
0x8: {  	[smem:$0x3F9C] =	sst s0  }
0x9: {  	[smem:$0x3F9D] =	sst s1  }
0xa: {  	[smem:$0x3F9E] =	sst s2  }
0xb: {  	[smem:$0x3F9F] =	sst s3  }
0xc: {  	[smem:$0x3FA0] =	sst s4  }
0xd: {  	[smem:$0x3FA1] =	sst s5  }
0xe: {  	[smem:$0x3FA2] =	sst s6  }
0xf: {  	[smem:$0x3FA3] =	sst s7  }
0x10: {  	[smem:$0x3FA4] =	sst s8  }
0x11: {  	[smem:$0x3FA5] =	sst s9;
	s0 =	simm.s32 @!p0 $0x0  }
0x12: {  	s1 =	sld [smem:$0x3F8B];
	s0 =	simm.s32 @p0 $0x1  }
0x13: {  	[smem:$0x3FA6] =	sst s0;
	s0 =	simm.s32 @!p1 $0x0  }
0x14: {  	s2 =	sld [smem:$0x3F8A];
	s0 =	simm.s32 @p1 $0x1  }
0x15: {  	[smem:$0x3FA7] =	sst s0;
	s0 =	simm.s32 @!p2 $0x0  }
0x16: {  	s3 =	sld [smem:$0x3FDB];
	s0 =	simm.s32 @p2 $0x1  }
0x17: {  	s4 =	simm.s32 $0x1BF5;
	[smem:$0x3FA9] =	sst s0  }
0x18: {  	s0 =	sld [smem:$0x3F8C];
	_ =	swait.ge [sflag:s4], $0x0  }
0x19: {  	s7 =	sld [smem:$0x3F8D]  }
0x1a: {  	s8 =	sadd.s32 $0xFFFFE003, lr  }
0x1b: {  	s9 =	sadd.s32 $0xFFFFFEF7, lr;
	s5 =	simm.s32 $0xFFFFFFFF;
	p2 =	slt.u32 s8, $0xFFFFF086  }
0x1c: {  	p1 =	slt.u32 s9, $0xF7A;
	s5 =	simm.s32 @!p2 $0x0  }
0x1d: {  	s5 =	simm.s32 @p1 $0x1;
	p0 =	seq.s32 s7, s2  }
0x1e: {  	s7 =	smul.u32 @!p0 $0xF7A, s2;
	p2 =	seq.s32 @!p0 s5, $0x0  }
0x1f: {  	s9 =	smul.u32 $0xF7A, s1;
	s8 =	simm.s32 @!p0 $0x1BF5;
	p2 =	por !p2, p0  }
0x20: {  	[sflag:s8] =	ssyncset.s32 @!p0 $0xFFFFF086;
	s6 =	sadd.s32 @!p0 s3, s7;
	s7 =	simm.s32 @!p0 $0x108  }
0x21: {  	s3 =	sadd.s32 s3, s9;
	s6 =	sadd.s32 @!p0 $0x88, s6;
	s7 =	simm.s32 @p2 $0x1082  }
0x22: {  	[simem:s7], [sflag:s8] =	dma.local @!p0 [hbm:s6], $0xF7A  }
0x23: {  	s9 =	sor.u32 $0xD0000000, s2;
	s6 =	simm.s32 $0x108;
	_ =	swait.ge @!p0 [sflag:s8], $0x0  }
0x24: {  	s3 =	sadd.s32 $0x88, s3;
	s6 =	simm.s32 @!p1 $0x1082;
	[sflag:s4] =	ssyncset.s32 $0xFFFFF086  }
0x25: {  	[simem:s6], [sflag:s4] =	dma.local [hbm:s3], $0xF7A  }
0x26: {  	[smem:$0x3F8D] =	sst s1;
	(tag) =	ssettag s2;
	_ =	strace s9  }
0x27: {  	s1 =	sld [smem:$0x3F9D]  }
0x28: {  	s2 =	sld [smem:$0x3F9E]  }
0x29: {  	s4 =	sld [smem:$0x3FA0]  }
0x2a: {  	p0 =	seq.s32 s5, $0x0;
	s5 =	sld [smem:$0x3FA1]  }
0x2b: {  	s6 =	sld [smem:$0x3FA2]  }
0x2c: {  	s7 =	sld [smem:$0x3FA3]  }
0x2d: {  	s3 =	simm.s32 $0x108;
	s8 =	sld [smem:$0x3FA4]  }
0x2e: {  	s3 =	simm.s32 @!p0 $0x1082;
	s9 =	sld [smem:$0x3FA5]  }
0x2f: {  	lr =	sadd.s32 s0, s3;
	s0 =	sld [smem:$0x3F9C]  }
0x30: {  	s3 =	sld [smem:$0x3F9F]  }
0x31: {  	[smem:$0x3FA8] =	sst s10  }
0x32: {  	s10 =	sld [smem:$0x3FA6];
	_ =	sdelay $0x3  }
0x33: {  	p0 =	seq.s32 s10, $0x1;
	s10 =	sld [smem:$0x3FA8];
	_ =	sdelay $0x3  }
0x34: {  	[smem:$0x3FA8] =	sst s10  }
0x35: {  	s10 =	sld [smem:$0x3FA7];
	_ =	sdelay $0x3  }
0x36: {  	p1 =	seq.s32 s10, $0x1;
	s10 =	sld [smem:$0x3FA8];
	_ =	sdelay $0x3  }
0x37: {  	[smem:$0x3FA8] =	sst s10  }
0x38: {  	s10 =	sld [smem:$0x3FA9]  }
0x39: {  	_ = 	snop;
	(pc) =	sbr.ind lr, $3  }
0x3a: {  	_ = 	snop  }
0x3b: {  	_ = 	snop  }
0x3c: {  	p2 =	seq.s32 s10, $0x1;
	s10 =	sld [smem:$0x3FA8]  }
0x3d: {  	_ =	shalt  }
0x3e: {  	_ =	shalt  }
0x3f: {  	_ =	shalt  }
0x40: {  	_ =	shalt  }
0x41: {  	_ =	shalt  }
0x42: {  	_ =	shalt  }
0x43: {  	_ =	shalt  }
0x44: {  	_ =	shalt  }
0x45: {  	_ =	shalt  }
0x46: {  	_ =	shalt  }
0x47: {  	_ =	shalt  }
0x48: {  	_ =	shalt  }
0x49: {  	_ =	shalt  }
0x4a: {  	_ =	shalt  }
0x4b: {  	_ =	shalt  }
0x4c: {  	_ =	shalt  }
0x4d: {  	_ =	shalt  }
0x4e: {  	_ =	shalt  }
0x4f: {  	_ =	shalt  }
0x50: {  	_ =	shalt  }
0x51: {  	_ =	shalt  }
0x52: {  	_ =	shalt  }
0x53: {  	_ =	shalt  }
0x54: {  	_ =	shalt  }
0x55: {  	_ =	shalt  }
0x56: {  	_ =	shalt  }
0x57: {  	_ =	shalt  }
0x58: {  	_ =	shalt  }
0x59: {  	_ =	shalt  }
0x5a: {  	_ =	shalt  }
0x5b: {  	_ =	shalt  }
0x5c: {  	_ =	shalt  }
0x5d: {  	_ =	shalt  }
0x5e: {  	_ =	shalt  }
0x5f: {  	_ =	shalt  }
0x60: {  	_ =	shalt  }
0x61: {  	_ =	shalt  }
0x62: {  	_ =	shalt  }
0x63: {  	_ =	shalt  }
0x64: {  	_ =	shalt  }
0x65: {  	_ =	shalt  }
0x66: {  	_ =	shalt  }
0x67: {  	_ =	shalt  }
0x68: {  	_ =	shalt  }
0x69: {  	_ =	shalt  }
0x6a: {  	_ =	shalt  }
0x6b: {  	_ =	shalt  }
0x6c: {  	_ =	shalt  }
0x6d: {  	_ =	shalt  }
0x6e: {  	_ =	shalt  }
0x6f: {  	_ =	shalt  }
0x70: {  	_ =	shalt  }
0x71: {  	_ =	shalt  }
0x72: {  	_ =	shalt  }
0x73: {  	_ =	shalt  }
0x74: {  	_ =	shalt  }
0x75: {  	_ =	shalt  }
0x76: {  	_ =	shalt  }
0x77: {  	_ =	shalt  }
0x78: {  	_ =	shalt  }
0x79: {  	_ =	shalt  }
0x7a: {  	_ =	shalt  }
0x7b: {  	_ =	shalt  }
0x7c: {  	_ =	shalt  }
0x7d: {  	_ =	shalt  }
0x7e: {  	_ =	shalt  }
0x7f: {  	_ =	shalt  }
0x80: {  	_ =	shalt  }
0x81: {  	_ =	shalt  }
0x82: {  	_ =	shalt  }
0x83: {  	_ =	shalt  }
0x84: {  	_ =	shalt  }
0x85: {  	_ =	shalt  }
0x86: {  	_ =	shalt  }
0x87: {  	_ =	shalt  }
.Lfunc_end0:
.L_simem_size_0:
called_computation.1_lowered:
.L_overlay_start_0:
0x88: {  	s2 =	sld [smem:$0x3FD9]  }
0x89: {  	s3 =	sld [smem:$0x3FFE];
	_ =	sdelay $0x1  }
0x8a: {  	s1 =	srdreg.scid  }
0x8b: {  	s0 =	sand.u32 $0x1, s1  }
0x8c: {  	s16 =	sshll.u32 s0, $0xA;
	s2 =	sadd.s32 s3, s2  }
0x8d: {  	s2 =	sadd.s32 s2, s16  }
0x8e: {  	[smem:$0x3FB4] =	sst s2  }
0x8f: {  	_ = 	snop  }
0x90: {  	(tm) =	ssettm $0x1  }
0x91: {  	s17 =	sld [smem:$0x3FFB];
	_ =	sdelay $0x3  }
0x92: {  	_ =	strace s17  }
0x93: {  	s2 =	sld [smem:$0x3FFC];
	_ =	sdelay $0x3  }
0x94: {  	_ =	strace s2  }
0x95: {  	s2 =	sld [smem:$0x3FFD];
	_ =	sdelay $0x3  }
0x96: {  	_ =	strace s2  }
0x97: {  	_ =	strace $0x8FFFFFFF  }
0x98: {  	s18 =	sld [smem:$0x3FDB];
	_ =	sdelay $0x1  }
0x99: {  	s19 =	simm.s32 $_scs_section_size  }
0x9a: {  	s4 =	simm.s32 $_size__tile_overlayer_lowered;
	s5 =	simm.s32 $_tile_overlayer_lowered  }
0x9b: {  	s22 =	simm.s32 $0x1BFF;
	s21 =	sshll.u32 s5, $0x1;
	s2 =	sadd.s32 s19, s18  }
0x9c: {  	s6 =	simm.s32 $0x0;
	s20 =	sshll.u32 s4, $0x1;
	s4 =	sadd.s32 s21, s2  }
0x9d: {  	[timem:s6], [sflag:s22] =	dma.local [hbm:s4], s20  }
0x9e: {  	_ =	swait.ge [sflag:s22], s20  }
0x9f: {  	s3 =	ssub.s32 $0x0, s20;
	[sflag:s22] =	ssyncset.done $0x0  }
0xa0: {  	[sflag:s22] =	ssyncadd.s32 s3;
	_ =	sdelay $0x1  }
0xa1: {  	s23 =	simm.s32 $0x1B8B  }
0xa2: {  	_ =	swait.ge [sflag:s23], $0x1  }
0xa3: {  	[sflag:s23] =	ssyncset.done $0x0  }
0xa4: {  	s25 =	simm.s32 $0x1B8E;
	s24 =	sld [smem:$0x3FFE];
	[sflag:s23] =	ssyncadd.s32 $0xFFFFFFFF  }
0xa5: {  	s26 =	simm.s32 $execute0_lowered;
	[smem:$0x3FD2] =	sst s25  }
0xa6: {  	s4 =	sshll.u32 s26, $0x1;
	_ =	strace $0x80000049;
	[dreg:$0x1] =	wrdreg $0xFFFFFFFF  }
0xa7: {  	s28 =	simm.s32 $_size_execute0_lowered;
	s2 =	sadd.s32 s2, s4;
	[dreg:$0x0] =	wrdreg $0x0  }
0xa8: {  	s4 =	sshll.u32 s28, $0x1;
	[dreg:$0x2] =	wrdreg s2  }
0xa9: {  	[dreg:$0x3] =	wrdreg s4  }
0xaa: {  	[dreg:$0x4] =	wrdreg $0xC0  }
0xab: {  	_ =	task [dreg:s6], $0x5FFFF  }
0xac: {  	[dreg:$0x1] =	wrdreg $0xFFFFFFFF  }
0xad: {  	[dreg:$0x0] =	wrdreg $0x60  }
0xae: {  	[dreg:$0x2] =	wrdreg s24  }
0xaf: {  	[dreg:$0x3] =	wrdreg $0x71600  }
0xb0: {  	[dreg:$0x4] =	wrdreg $0x9  }
0xb1: {  	_ =	task.clear_ibuf [dreg:s6], $0x5FFFF;
	_ =	strace $0x90000049  }
0xb2: {  	s29 =	simm.s32 $0x9;
	_ =	strace $0x8000004B  }
0xb3: {  	_ =	swait.ge [sflag:s29], $0x1  }
0xb4: {  	[sflag:s29] =	ssyncadd.s32 $0xFFFFFFFF  }
0xb5: {  	_ =	strace $0x9000004B  }
0xb6: {  	_ =	sfence  }
0xb7: {  	s30 =	sld [smem:$0x0];
	_ =	sdelay $0x2  }
0xb8: {  	s31 =	sshll.u32 s1, $0xD;
	s1 =	sshrl.u32 s1, $0x2  }
0xb9: {  	s3 =	sand.u32 $0x4000, s31;
	s1 =	sadd.s32 s1, s30  }
0xba: {  	s0 =	sor.u32 s3, s0;
	s1 =	sshll.u32 s1, $0x11  }
0xbb: {  	s0 =	sor.u32 s1, s0  }
0xbc: {  	s0 =	sadd.s32 $0x8F2B, s0  }
0xbd: {  	[sflag:s0] =	ssyncadd.remote.s32 $0x1  }
0xbe: {  	_ =	sfence.sel $0xFFFF  }
0xbf: {  	[dreg:$0x0] =	wrdreg $0xFFFFFFFF;
	(pc) =	sbr.abs _section_cstart, $3  }
0xc0: {  	[dreg:$0x1] =	wrdreg $0xFFFFFFFF  }
0xc1: {  	_ =	task.clear_ibuf [dreg:s6], $0x2FFFF;
	_ =	strace $0x9FFFFFFF  }
0xc2: {  	(tm) =	ssettm $0x7FFFFFFF  }
0xc3: {  	_ =	shalt  }
tec
execute0_lowered:
.L_overlay_start_1:
0x0: {  	(tag) =	ssettag $0x1  }
0x1: {  	s0 =	rddreg [dreg:$0x0]  }
0x2: {  	s1 =	rddreg [dreg:$0x1];
	s2 =	simm.s32 $0x0;
	s3 =	srdreg.scid  }
0x3: {  	s10 =	stileid.u32;
	[smem:$0x7FF] =	sst s2  }
0x4: {  	s3 =	sand.u32 $0x1, s3;
	s4 =	sadd.s32 $0x4400, s0;
	s8 =	smul.u32 $0x62000, s10  }
0x5: {  	s5 =	sadd.s32 $0xC8400, s0;
	s11 =	smul.u32 $0x620, s10;
	_ =	strace $0x8000004A  }
0x6: {  	s6 =	smul.u32 $0x62000, s3;
	s7 =	ssub.s32 $0x2, s3;
	s3 =	sshll.u32 s3, $0x1  }
0x7: {  	s13 =	sshrl.u32 s7, $0x1;
	s8 =	sshrl.u32 s8, $0x2;
	[dreg:$0x3] =	wrdreg s11  }
0x8: {  	[dreg:$0x4] =	wrdreg s3;
	s9 =	sadd.s32 s6, s0;
	s0 =	sadd.s32 $0x2B5000, s0  }
0x9: {  	s7 =	ssub.s32 s7, s13;
	s13 =	sadd.s32 s8, s1;
	[dreg:$0x7] =	wrdreg s0  }
0xa: {  	s14 =	smax.u32 s7, $0x1;
	[dreg:$0x5] =	wrdreg s13  }
0xb: {  	s15 =	sadd.s32 $0x2000, s13;
	[dreg:$0x8] =	wrdreg s14  }
0xc: {  	s16 =	sadd.s32 $0x4000, s13;
	[dreg:$0x9] =	wrdreg s15  }
0xd: {  	s28 =	simm.s32 $0xFA0;
	s17 =	sadd.s32 $0x6000, s13;
	[dreg:$0xa] =	wrdreg s16  }
0xe: {  	s29 =	simm.s32 $0x186A00;
	s18 =	sadd.s32 $0x8000, s13;
	[dreg:$0xb] =	wrdreg s17  }
0xf: {  	s30 =	simm.s32 $0x1F40;
	s19 =	sadd.s32 $0xA000, s13;
	[dreg:$0xc] =	wrdreg s18  }
0x10: {  	s31 =	simm.s32 $0x1;
	s21 =	sadd.s32 $0xC000, s13;
	[dreg:$0xd] =	wrdreg s19  }
0x11: {  	s12 =	simm.s32 $0x4;
	s22 =	sadd.s32 $0xE000, s13;
	[dreg:$0xe] =	wrdreg s21  }
0x12: {  	s20 =	smul.u32 $0x3100, s10;
	s23 =	sadd.s32 $0x10000, s13;
	[dreg:$0xf] =	wrdreg s22  }
0x13: {  	s3 =	simm.s32 $0x2FE0;
	s24 =	sadd.s32 $0x12000, s13;
	[dreg:$0x10] =	wrdreg s23  }
0x14: {  	s6 =	smul.u32 $0x186A0, s10;
	s25 =	sadd.s32 $0x14000, s13;
	[dreg:$0x11] =	wrdreg s24  }
0x15: {  	s8 =	simm.s32 $0x0;
	s26 =	sadd.s32 $0x16000, s13;
	[dreg:$0x12] =	wrdreg s25  }
0x16: {  	s11 =	sadd.s32 $0x18000, s13;
	s0 =	sadd.s32 s20, s9;
	[dreg:$0x13] =	wrdreg s26  }
0x17: {  	s0 =	sadd.s32 $0x2B2000, s0;
	s25 =	simm.s32 $0x3160;
	[dreg:$0x6] =	wrdreg s11  }
0x18: {  	v0 =	vimm.f32 $0.0e+00;
	v1 =	vimm.s32 $0x0;
	v2 =	vimm.s32 $0xC3500000;
	s26 =	simm.s32 $0x3;
	[dreg:$0x14] =	wrdreg s0;
	s0 =	simm.s32 $0x80  }
.LBB2_1:
0x19: {  	[dreg:$0x15] =	wrdreg s8;
	p1 =	por $0x1, $0x1;
	s7 =	simm.s32 $0x0  }
.LBB2_2:
0x1a: {  	p0 =	por p1, p1;
	s9 =	simm.s32 $0x100;
	s8 =	simm.s32 $0x0  }
.LBB2_3:
0x1b: {  	p1 =	sne.s32 s9, $0x7F00;
	[tilespmem:s8+$0x3190] =	vst v0;
	s10 =	smov.u32 s9;
	s9 =	sadd.s32 $0x100, s9  }
.Ltmp0:
0x1c: {  	[tilespmem:s8+$0x3180] =	vst v0;
	(pc) =	sbr.rel @p1 .LBB2_3-.Ltmp0, $3  }
0x1d: {  	[tilespmem:s8+$0x3160] =	vst v0  }
0x1e: {  	[tilespmem:s8+$0x3170] =	vst v0;
	_ =	sdelay $0x1  }
0x1f: {  	s8 =	sshra.s32 s10, $0x2  }
0x20: {  	[tilespmem:s8+$0x3190] =	vst v0  }
0x21: {  	[tilespmem:s8+$0x3180] =	vst v0  }
0x22: {  	[tilespmem:s8+$0x3160] =	vst v0  }
0x23: {  	[tilespmem:s8+$0x3170] =	vst v0  }
0x24: {  	[spmem:s13] =	stream.linear.scatter [tilespmem:s25], [sflag:$0x3], $0x2000, $0x38;
	[tilespmem:$0x1F960] =	vst v63  }
0x25: {  	_ =	swait.ge [sflag:s26], $0x2000  }
0x26: {  	[sflag:s26] =	ssyncset.done $0x0  }
0x27: {  	s13 =	rddreg [dreg:$0x9];
	[sflag:s26] =	ssyncadd.s32 $0xFFFFE000  }
0x28: {  	[spmem:s13] =	stream.linear.scatter [tilespmem:s25], [sflag:$0x3], $0x2000, $0x38;
	[tilespmem:$0x1F960] =	vst v63  }
0x29: {  	_ =	swait.ge [sflag:s26], $0x2000  }
0x2a: {  	[sflag:s26] =	ssyncset.done $0x0  }
0x2b: {  	s14 =	rddreg [dreg:$0xa];
	[sflag:s26] =	ssyncadd.s32 $0xFFFFE000  }
0x2c: {  	[spmem:s14] =	stream.linear.scatter [tilespmem:s25], [sflag:$0x3], $0x2000, $0x38;
	[tilespmem:$0x1F960] =	vst v63  }
0x2d: {  	_ =	swait.ge [sflag:s26], $0x2000  }
0x2e: {  	[sflag:s26] =	ssyncset.done $0x0  }
0x2f: {  	s15 =	rddreg [dreg:$0xb];
	[sflag:s26] =	ssyncadd.s32 $0xFFFFE000  }
0x30: {  	[spmem:s15] =	stream.linear.scatter [tilespmem:s25], [sflag:$0x3], $0x2000, $0x38;
	[tilespmem:$0x1F960] =	vst v63  }
0x31: {  	_ =	swait.ge [sflag:s26], $0x2000  }
0x32: {  	[sflag:s26] =	ssyncset.done $0x0  }
0x33: {  	s16 =	rddreg [dreg:$0xc];
	[sflag:s26] =	ssyncadd.s32 $0xFFFFE000  }
0x34: {  	[spmem:s16] =	stream.linear.scatter [tilespmem:s25], [sflag:$0x3], $0x2000, $0x38;
	[tilespmem:$0x1F960] =	vst v63  }
0x35: {  	_ =	swait.ge [sflag:s26], $0x2000  }
0x36: {  	[sflag:s26] =	ssyncset.done $0x0  }
0x37: {  	s17 =	rddreg [dreg:$0xd];
	[sflag:s26] =	ssyncadd.s32 $0xFFFFE000  }
0x38: {  	[spmem:s17] =	stream.linear.scatter [tilespmem:s25], [sflag:$0x3], $0x2000, $0x38;
	[tilespmem:$0x1F960] =	vst v63  }
0x39: {  	_ =	swait.ge [sflag:s26], $0x2000  }
0x3a: {  	[sflag:s26] =	ssyncset.done $0x0  }
0x3b: {  	s18 =	rddreg [dreg:$0xe];
	[sflag:s26] =	ssyncadd.s32 $0xFFFFE000  }
0x3c: {  	[spmem:s18] =	stream.linear.scatter [tilespmem:s25], [sflag:$0x3], $0x2000, $0x38;
	[tilespmem:$0x1F960] =	vst v63  }
0x3d: {  	_ =	swait.ge [sflag:s26], $0x2000  }
0x3e: {  	[sflag:s26] =	ssyncset.done $0x0  }
0x3f: {  	s19 =	rddreg [dreg:$0xf];
	[sflag:s26] =	ssyncadd.s32 $0xFFFFE000  }
0x40: {  	[spmem:s19] =	stream.linear.scatter [tilespmem:s25], [sflag:$0x3], $0x2000, $0x38;
	[tilespmem:$0x1F960] =	vst v63  }
0x41: {  	_ =	swait.ge [sflag:s26], $0x2000  }
0x42: {  	[sflag:s26] =	ssyncset.done $0x0  }
0x43: {  	s20 =	rddreg [dreg:$0x10];
	[sflag:s26] =	ssyncadd.s32 $0xFFFFE000  }
0x44: {  	[spmem:s20] =	stream.linear.scatter [tilespmem:s25], [sflag:$0x3], $0x2000, $0x38;
	[tilespmem:$0x1F960] =	vst v63  }
0x45: {  	_ =	swait.ge [sflag:s26], $0x2000  }
0x46: {  	[sflag:s26] =	ssyncset.done $0x0  }
0x47: {  	s21 =	rddreg [dreg:$0x11];
	[sflag:s26] =	ssyncadd.s32 $0xFFFFE000  }
0x48: {  	[spmem:s21] =	stream.linear.scatter [tilespmem:s25], [sflag:$0x3], $0x2000, $0x38;
	[tilespmem:$0x1F960] =	vst v63  }
0x49: {  	_ =	swait.ge [sflag:s26], $0x2000  }
0x4a: {  	[sflag:s26] =	ssyncset.done $0x0  }
0x4b: {  	s22 =	rddreg [dreg:$0x12];
	[sflag:s26] =	ssyncadd.s32 $0xFFFFE000  }
0x4c: {  	[spmem:s22] =	stream.linear.scatter [tilespmem:s25], [sflag:$0x3], $0x2000, $0x38;
	[tilespmem:$0x1F960] =	vst v63  }
0x4d: {  	_ =	swait.ge [sflag:s26], $0x2000  }
0x4e: {  	[sflag:s26] =	ssyncset.done $0x0  }
0x4f: {  	s23 =	rddreg [dreg:$0x13];
	[sflag:s26] =	ssyncadd.s32 $0xFFFFE000  }
0x50: {  	[spmem:s23] =	stream.linear.scatter [tilespmem:s25], [sflag:$0x3], $0x2000, $0x38;
	[tilespmem:$0x1F960] =	vst v63  }
0x51: {  	_ =	swait.ge [sflag:s26], $0x2000  }
0x52: {  	[sflag:s26] =	ssyncset.done $0x0  }
0x53: {  	s24 =	rddreg [dreg:$0x4];
	[sflag:s26] =	ssyncadd.s32 $0xFFFFE000  }
0x54: {  	[spmem:s11] =	stream.linear.scatter [tilespmem:s25], [sflag:$0x3], $0x800, $0x38;
	[tilespmem:$0x1F960] =	vst v63  }
.Ltmp1:
0x55: {  	s8 =	sor.u32 s24, s7;
	_ =	swait.ge [sflag:s26], $0x800;
	(pc) =	sbr.rel .LBB2_5-.Ltmp1, $4  }
0x56: {  	s8 =	smul.u32 $0x6200, s8;
	[sflag:s26] =	ssyncset.done $0x0  }
0x57: {  	[sflag:s26] =	ssyncadd.s32 $0xFFFFF800  }
0x58: {  	s9 =	sadd.s32 $0x6200, s8;
	[bflag:$0x0] =	sbarrier.arrive $0xFFFF  }
0x59: {  	s13 =	simm.s32 $0x0;
	s11 =	simm.s32 $0x0;
	v3 =	vmov s8;
	v4 =	vmov s9  }
.LBB2_10:
0x5a: {  	[tilespmem:$0x3040] =	vst @!p3 v5  }
0x5b: {  	v5 =	vld @!p3 [tilespmem:s15+$0xB0];
	_ =	sdelay $0x4  }
0x5c: {  	v6 =	vshrl.u32 @!p3 v5, $0xF  }
0x5d: {  	v5 =	vand.u32 @!p3 $0x7FFF, v5;
	[tilespmem:$0x2FD0] =	vst @!p3 v6  }
0x5e: {  	[tilespmem:$0x3050] =	vst @!p3 v5  }
0x5f: {  	[tilespmem:s9], [sflag:$0x1] =	stream.indirect.gather @!p3 [hbm4b:s4+s23], $0x40, s24, s23, $0xb8;
	[tilespmem:$0x1F960] =	vst v63  }
0x60: {  	_ =	swait.ge @!p1 [sflag:s22], $0x2000  }
0x61: {  	[sflag:s22] =	ssyncset.done @!p1 $0x0  }
0x62: {  	[sflag:s22] =	ssyncadd.s32 @!p1 $0xFFFFE000  }
0x63: {  	[spmem:s1] =	stream.indirect.scatter.add.f32 @!p1 [tilespmem:s20], [sflag:$0x3], $0x40, s10, s19, $0xb8;
	[tilespmem:$0x1F960] =	vst v63  }
0x64: {  	_ =	swait.ge @!p1 [sflag:s21], $0x2000  }
0x65: {  	[sflag:s21] =	ssyncset.done @!p1 $0x0  }
0x66: {  	[sflag:s21] =	ssyncadd.s32 @!p1 $0xFFFFE000  }
.LBB2_11:
0x67: {  	s13 =	sadd.s32 $0x1, s13  }
0x68: {  	p1 =	sne.s32 s13, $0x19  }
.Ltmp2:
0x69: {  	_ = 	snop;
	(pc) =	sbr.rel @!p1 .LBB2_12-.Ltmp2, $1  }
0x6a: {  	_ =	sdelay $0x3  }
.LBB2_5:
0x6b: {  	s9 =	smul.u32 $0xFA0, s13;
	_ =	sdelay $0x1  }
0x6c: {  	s9 =	sadd.s32 s6, s9  }
0x6d: {  	s9 =	sshrl.u32 s9, $0x3  }
0x6e: {  	s9 =	sadd.s32 s5, s9  }
0x6f: {  	[tilespmem:s11], [sflag:$0x3] =	stream.strided.gather [hbm4b:s9+s28], $0x1F40, s29, s28, $0x38;
	[tilespmem:$0x1F960] =	vst v63  }
0x70: {  	_ =	swait.ge [sflag:s26], $0x1F40  }
0x71: {  	[sflag:s26] =	ssyncset.done $0x0  }
0x72: {  	s24 =	simm.s32 $0x0;
	[sflag:s26] =	ssyncadd.s32 $0xFFFFE0C0  }
0x73: {  	v5 =	vld [tilespmem:s24+$0xFA0];
	_ =	sdelay $0x4  }
0x74: {  	vm0 =	vge.s32 v5, v3;
	vm1 =	vlt.s32 v5, v4  }
0x75: {  	vm0 =	vmand vm0, vm1  }
0x76: {  	v6 =	vmpcnt.ones.xlane vm0;
	_ =	sdelay $0x1  }
0x77: {  	(v2sf) =	vpush v6, $0x0;
	v6 =	vsel vm0, $0x1, v1  }
0x78: {  	(xrf0) =	vadd.scan.msk.s32 $0xffff, v6;
	_ =	sdelay $0x2  }
0x79: {  	v6 =	vmov s11  }
0x7a: {  	v6 =	vadd.s32 $0xFFFFFFFF, v6  }
0x7b: {  	v7 =	vld [tilespmem:s24+$0x0];
	v6 =	vbroadcast v6, $0x0  }
0x7c: {  	v8, _, _ =	vpop (xrf0)  }
0x7d: {  	v6 =	vadd.s32 v8, v6;
	_ =	sdelay $0x1  }
0x7e: {  	v5 =	vsub.s32 v5, v3  }
0x7f: {  	v7 =	vshll.u32 v7, $0xF;
	v5 =	vand.u32 $0x7FFF, v5  }
0x80: {  	v5 =	vor.u32 v7, v5  }
0x81: {  	s9 =	simm.s32 $0x10;
	[tilespmem:v6+s30+$0x0] =	vst.idx.msk vm0, v5  }
0x82: {  	v5 =	vld [tilespmem:s9+$0xFA0];
	_ =	sdelay $0x1  }
0x83: {  	s10 =	simm.s32 $0x80;
	s14 =	simm.s32 $0x0;
	s15 =	spop (v2sf)  }
.LBB2_6:
0x84: {  	p1 =	sne.s32 s10, $0x3E40  }
0x85: {  	s14 =	sadd.s32 s14, s15;
	s15 =	smov.u32 s10;
	s10 =	sadd.s32 $0x40, s10  }
0x86: {  	vm0 =	vge.s32 v5, v3;
	vm1 =	vlt.s32 v5, v4;
	v6 =	vmov s14  }
0x87: {  	v5 =	vsub.s32 v5, v3;
	vm0 =	vmand vm0, vm1;
	v6 =	vadd.s32 $0xFFFFFFFF, v6  }
0x88: {  	v5 =	vand.u32 $0x7FFF, v5;
	v7 =	vsel vm0, $0x1, v1;
	v8 =	vmpcnt.ones.xlane vm0  }
0x89: {  	(xrf0) =	vadd.scan.msk.s32 $0xffff, v7  }
0x8a: {  	(v2sf) =	vpush v8, $0x0;
	_ =	sdelay $0x3  }
0x8b: {  	v6 =	vbroadcast v6, $0x0;
	v7 =	vld [tilespmem:s9+$0x0]  }
0x8c: {  	v8, _, _ =	vpop (xrf0)  }
0x8d: {  	v6 =	vadd.s32 v8, v6;
	_ =	sdelay $0x2  }
0x8e: {  	v7 =	vshll.u32 v7, $0xF  }
0x8f: {  	v5 =	vor.u32 v7, v5  }
.Ltmp3:
0x90: {  	s9 =	sshra.s32 s15, $0x2;
	[tilespmem:v6+s30+$0x0] =	vst.idx.msk vm0, v5;
	(pc) =	sbr.rel @p1 .LBB2_6-.Ltmp3, $2  }
0x91: {  	v5 =	vld [tilespmem:s9+$0xFA0];
	_ =	sdelay $0x2  }
0x92: {  	s15 =	spop (v2sf)  }
0x93: {  	_ = 	snop  }
0x94: {  	vm0 =	vge.s32 v5, v3;
	vm1 =	vlt.s32 v5, v4  }
0x95: {  	vm0 =	vmand vm0, vm1  }
0x96: {  	v6 =	vmpcnt.ones.xlane vm0;
	_ =	sdelay $0x1  }
0x97: {  	(v2sf) =	vpush v6, $0x0;
	_ =	sdelay $0x2  }
0x98: {  	v6 =	vsel vm0, $0x1, v1  }
0x99: {  	(xrf0) =	vadd.scan.msk.s32 $0xffff, v6;
	_ =	sdelay $0x1  }
0x9a: {  	s10 =	sadd.s32 s14, s15  }
0x9b: {  	v6 =	vmov s10  }
0x9c: {  	v6 =	vadd.s32 $0xFFFFFFFF, v6  }
0x9d: {  	v7 =	vld [tilespmem:s9+$0x0];
	v6 =	vbroadcast v6, $0x0  }
0x9e: {  	v8, _, _ =	vpop (xrf0)  }
0x9f: {  	v6 =	vadd.s32 v8, v6;
	_ =	sdelay $0x1  }
0xa0: {  	v5 =	vsub.s32 v5, v3  }
0xa1: {  	v5 =	vand.u32 $0x7FFF, v5;
	v7 =	vshll.u32 v7, $0xF  }
0xa2: {  	v5 =	vor.u32 v7, v5;
	s18 =	spop (v2sf)  }
0xa3: {  	[tilespmem:v6+s30+$0x0] =	vst.idx.msk vm0, v5;
	s9 =	sadd.s32 s10, s18  }
0xa4: {  	[tilespmem:s9+$0x1F40] =	vst v2;
	s10 =	sadd.s32 $0x7F, s9  }
0xa5: {  	[tilespmem:s9+$0x1F50] =	vst v2;
	s19 =	sand.u32 $0x7F, s10  }
0xa6: {  	[tilespmem:s9+$0x1F60] =	vst v2;
	s20 =	sshra.s32 s10, $0x1F;
	p1 =	slt.s32 s10, $0x1;
	p2 =	sne.s32 s19, $0x0  }
0xa7: {  	[tilespmem:s9+$0x1F70] =	vst v2;
	s21 =	sshrl.u32 s20, $0x19;
	p1 =	por !p1, !p2  }
0xa8: {  	s14 =	simm.s32 $0x1;
	[tilespmem:s9+$0x1F80] =	vst v2;
	s10 =	sadd.s32 s21, s10;
	p1 =	por !p1, !p1  }
0xa9: {  	[tilespmem:s9+$0x1F90] =	vst v2;
	s10 =	sshra.s32 s10, $0x7;
	s14 =	simm.s32 @!p1 $0x0  }
0xaa: {  	[tilespmem:s9+$0x1FA0] =	vst v2;
	s14 =	ssub.s32 s10, s14  }
0xab: {  	[tilespmem:s9+$0x1FB0] =	vst v2;
	p1 =	slt.s32 s14, $0x1  }
0xac: {  	v5 =	vld @!p1 [tilespmem:$0x1F40];
	_ =	sdelay $0x1  }
0xad: {  	v6 =	vld @!p1 [tilespmem:$0x1F50];
	_ =	sdelay $0x1  }
0xae: {  	v7 =	vld @!p1 [tilespmem:$0x1F60]  }
0xaf: {  	v8 =	vshrl.u32 @!p1 v5, $0xF  }
0xb0: {  	v5 =	vand.u32 @!p1 $0x7FFF, v5;
	[tilespmem:$0x2F60] =	vst @!p1 v8;
	v8 =	vld @!p1 [tilespmem:$0x1F70]  }
0xb1: {  	[tilespmem:$0x2FE0] =	vst @!p1 v5;
	v5 =	vshrl.u32 @!p1 v6, $0xF  }
0xb2: {  	[tilespmem:$0x2F70] =	vst @!p1 v5;
	v5 =	vand.u32 @!p1 $0x7FFF, v6;
	v6 =	vld @!p1 [tilespmem:$0x1F80]  }
0xb3: {  	[tilespmem:$0x2FF0] =	vst @!p1 v5;
	v5 =	vshrl.u32 @!p1 v7, $0xF  }
0xb4: {  	[tilespmem:$0x2F80] =	vst @!p1 v5;
	v5 =	vand.u32 @!p1 $0x7FFF, v7;
	v7 =	vld @!p1 [tilespmem:$0x1F90]  }
0xb5: {  	[tilespmem:$0x3000] =	vst @!p1 v5;
	v5 =	vshrl.u32 @!p1 v8, $0xF  }
0xb6: {  	[tilespmem:$0x2F90] =	vst @!p1 v5;
	v5 =	vand.u32 @!p1 $0x7FFF, v8;
	v8 =	vld @!p1 [tilespmem:$0x1FA0]  }
0xb7: {  	[tilespmem:$0x3010] =	vst @!p1 v5;
	v5 =	vshrl.u32 @!p1 v6, $0xF  }
0xb8: {  	[tilespmem:$0x2FA0] =	vst @!p1 v5;
	v5 =	vand.u32 @!p1 $0x7FFF, v6;
	v6 =	vld @!p1 [tilespmem:$0x1FB0]  }
0xb9: {  	[tilespmem:$0x3020] =	vst @!p1 v5;
	v5 =	vshrl.u32 @!p1 v7, $0xF  }
0xba: {  	[tilespmem:$0x2FB0] =	vst @!p1 v5;
	v5 =	vand.u32 @!p1 $0x7FFF, v7  }
0xbb: {  	[tilespmem:$0x3030] =	vst @!p1 v5;
	v5 =	vshrl.u32 @!p1 v8, $0xF  }
0xbc: {  	[tilespmem:$0x2FC0] =	vst @!p1 v5;
	v5 =	vand.u32 @!p1 $0x7FFF, v8  }
0xbd: {  	s22 =	sadd.s32 $0x1, s14;
	[tilespmem:$0x3040] =	vst @!p1 v5;
	v5 =	vshrl.u32 @!p1 v6, $0xF  }
0xbe: {  	p5 =	slt.s32 s14, $0x0;
	s9 =	simm.s32 @!p1 $0x80;
	s23 =	sand.u32 $0x1, s22;
	[tilespmem:$0x2FD0] =	vst @!p1 v5;
	v5 =	vand.u32 @!p1 $0x7FFF, v6  }
0xbf: {  	s10 =	simm.s32 @!p1 $0x2F60;
	s15 =	simm.s32 @!p1 $0x3160;
	p6 =	seq.s32 s23, $0x1;
	[tilespmem:$0x3050] =	vst @!p1 v5  }
0xc0: {  	[tilespmem:s15], [sflag:$0x1] =	stream.indirect.gather @!p1 [hbm4b:s4+s9], $0x40, s10, s9, $0xb8;
	[tilespmem:$0x1F960] =	vst v63  }
0xc1: {  	s24 =	sshrl.u32 s22, $0x1F;
	p1 =	por !p5, !p6  }
0xc2: {  	s9 =	sadd.s32 s24, s22;
	s10 =	simm.s32 $0x1;
	p1 =	por !p1, !p1  }
0xc3: {  	s9 =	sshra.s32 s9, $0x1;
	s10 =	simm.s32 @!p1 $0x0  }
0xc4: {  	s16 =	ssub.s32 s9, s10  }
0xc5: {  	p1 =	slt.s32 s16, $0x1  }
.Ltmp4:
0xc6: {  	_ = 	snop;
	(pc) =	sbr.rel @p1 .LBB2_11-.Ltmp4, $1  }
0xc7: {  	_ =	sdelay $0x3  }
0xc8: {  	s15 =	simm.s32 $0x2000;
	p1 =	sle.s32 s14, $0x1  }
0xc9: {  	v5 =	vld @!p1 [tilespmem:s15+$0xFFFFFFC0];
	_ =	sdelay $0x4  }
0xca: {  	v6 =	vshrl.u32 @!p1 v5, $0xF  }
0xcb: {  	v5 =	vand.u32 @!p1 $0x7FFF, v5;
	[tilespmem:$0x3060] =	vst @!p1 v6  }
0xcc: {  	[tilespmem:$0x30E0] =	vst @!p1 v5  }
0xcd: {  	v5 =	vld @!p1 [tilespmem:s15+$0xFFFFFFD0];
	_ =	sdelay $0x4  }
0xce: {  	v6 =	vshrl.u32 @!p1 v5, $0xF  }
0xcf: {  	v5 =	vand.u32 @!p1 $0x7FFF, v5;
	[tilespmem:$0x3070] =	vst @!p1 v6  }
0xd0: {  	[tilespmem:$0x30F0] =	vst @!p1 v5  }
0xd1: {  	v5 =	vld @!p1 [tilespmem:s15+$0xFFFFFFE0];
	_ =	sdelay $0x4  }
0xd2: {  	v6 =	vshrl.u32 @!p1 v5, $0xF  }
0xd3: {  	v5 =	vand.u32 @!p1 $0x7FFF, v5;
	[tilespmem:$0x3080] =	vst @!p1 v6  }
0xd4: {  	[tilespmem:$0x3100] =	vst @!p1 v5  }
0xd5: {  	v5 =	vld @!p1 [tilespmem:s15+$0xFFFFFFF0];
	_ =	sdelay $0x4  }
0xd6: {  	v6 =	vshrl.u32 @!p1 v5, $0xF  }
0xd7: {  	v5 =	vand.u32 @!p1 $0x7FFF, v5;
	[tilespmem:$0x3090] =	vst @!p1 v6  }
0xd8: {  	[tilespmem:$0x3110] =	vst @!p1 v5  }
0xd9: {  	v5 =	vld @!p1 [tilespmem:s15+$0x0];
	_ =	sdelay $0x4  }
0xda: {  	v6 =	vshrl.u32 @!p1 v5, $0xF  }
0xdb: {  	v5 =	vand.u32 @!p1 $0x7FFF, v5;
	[tilespmem:$0x30A0] =	vst @!p1 v6  }
0xdc: {  	[tilespmem:$0x3120] =	vst @!p1 v5  }
0xdd: {  	v5 =	vld @!p1 [tilespmem:s15+$0x10];
	_ =	sdelay $0x4  }
0xde: {  	v6 =	vshrl.u32 @!p1 v5, $0xF  }
0xdf: {  	v5 =	vand.u32 @!p1 $0x7FFF, v5;
	[tilespmem:$0x30B0] =	vst @!p1 v6  }
0xe0: {  	[tilespmem:$0x3130] =	vst @!p1 v5  }
0xe1: {  	v5 =	vld @!p1 [tilespmem:s15+$0x20];
	_ =	sdelay $0x4  }
0xe2: {  	v6 =	vshrl.u32 @!p1 v5, $0xF  }
0xe3: {  	v5 =	vand.u32 @!p1 $0x7FFF, v5;
	[tilespmem:$0x30C0] =	vst @!p1 v6  }
0xe4: {  	[tilespmem:$0x3140] =	vst @!p1 v5  }
0xe5: {  	v5 =	vld @!p1 [tilespmem:s15+$0x30];
	_ =	sdelay $0x4  }
0xe6: {  	v6 =	vshrl.u32 @!p1 v5, $0xF  }
0xe7: {  	v5 =	vand.u32 @!p1 $0x7FFF, v5;
	[tilespmem:$0x30D0] =	vst @!p1 v6  }
0xe8: {  	s19 =	simm.s32 @!p1 $0x80;
	s9 =	simm.s32 @!p1 $0x3060;
	s20 =	simm.s32 @!p1 $0x5160;
	[tilespmem:$0x3150] =	vst @!p1 v5  }
0xe9: {  	[tilespmem:s20], [sflag:$0x2] =	stream.indirect.gather @!p1 [hbm4b:s4+s19], $0x40, s9, s19, $0xb8;
	[tilespmem:$0x1F960] =	vst v63  }
0xea: {  	_ =	swait.ge [sflag:s31], $0x2000  }
0xeb: {  	[sflag:s31] =	ssyncset.done $0x0  }
0xec: {  	[sflag:s31] =	ssyncadd.s32 $0xFFFFE000  }
0xed: {  	[spmem:s1] =	stream.indirect.scatter.add.f32 [tilespmem:s25], [sflag:$0x4], $0x40, s3, s0, $0xb8;
	[tilespmem:$0x1F960] =	vst v63  }
0xee: {  	_ =	swait.ge [sflag:s12], $0x2000  }
0xef: {  	[sflag:s12] =	ssyncset.done $0x0  }
0xf0: {  	p3 =	sle.s32 s14, $0x2;
	[sflag:s12] =	ssyncadd.s32 $0xFFFFE000  }
0xf1: {  	v5 =	vld @!p3 [tilespmem:s15+$0x40];
	_ =	sdelay $0x4  }
0xf2: {  	v6 =	vshrl.u32 @!p3 v5, $0xF  }
0xf3: {  	v5 =	vand.u32 @!p3 $0x7FFF, v5;
	[tilespmem:$0x2F60] =	vst @!p3 v6  }
0xf4: {  	[tilespmem:$0x2FE0] =	vst @!p3 v5  }
0xf5: {  	v5 =	vld @!p3 [tilespmem:s15+$0x50];
	_ =	sdelay $0x4  }
0xf6: {  	v6 =	vshrl.u32 @!p3 v5, $0xF  }
0xf7: {  	v5 =	vand.u32 @!p3 $0x7FFF, v5;
	[tilespmem:$0x2F70] =	vst @!p3 v6  }
0xf8: {  	[tilespmem:$0x2FF0] =	vst @!p3 v5  }
0xf9: {  	v5 =	vld @!p3 [tilespmem:s15+$0x60];
	_ =	sdelay $0x4  }
0xfa: {  	v6 =	vshrl.u32 @!p3 v5, $0xF  }
0xfb: {  	v5 =	vand.u32 @!p3 $0x7FFF, v5;
	[tilespmem:$0x2F80] =	vst @!p3 v6  }
0xfc: {  	[tilespmem:$0x3000] =	vst @!p3 v5  }
0xfd: {  	v5 =	vld @!p3 [tilespmem:s15+$0x70];
	_ =	sdelay $0x4  }
0xfe: {  	v6 =	vshrl.u32 @!p3 v5, $0xF  }
0xff: {  	v5 =	vand.u32 @!p3 $0x7FFF, v5;
	[tilespmem:$0x2F90] =	vst @!p3 v6  }
0x100: {  	[tilespmem:$0x3010] =	vst @!p3 v5  }
0x101: {  	v5 =	vld @!p3 [tilespmem:s15+$0x80];
	_ =	sdelay $0x4  }
0x102: {  	v6 =	vshrl.u32 @!p3 v5, $0xF  }
0x103: {  	v5 =	vand.u32 @!p3 $0x7FFF, v5;
	[tilespmem:$0x2FA0] =	vst @!p3 v6  }
0x104: {  	[tilespmem:$0x3020] =	vst @!p3 v5  }
0x105: {  	v5 =	vld @!p3 [tilespmem:s15+$0x90];
	_ =	sdelay $0x4  }
0x106: {  	v6 =	vshrl.u32 @!p3 v5, $0xF  }
0x107: {  	v5 =	vand.u32 @!p3 $0x7FFF, v5;
	[tilespmem:$0x2FB0] =	vst @!p3 v6  }
0x108: {  	[tilespmem:$0x3030] =	vst @!p3 v5  }
0x109: {  	s16 =	sadd.s32 $0xFFFFFFFF, s16;
	v5 =	vld @!p3 [tilespmem:s15+$0xA0]  }
0x10a: {  	p2 =	sne.s32 s16, $0x0  }
.Ltmp5:
0x10b: {  	_ = 	snop;
	(pc) =	sbr.rel @!p2 .LBB2_10-.Ltmp5, $4  }
0x10c: {  	_ = 	snop  }
0x10d: {  	s17 =	simm.s32 $0x2;
	s18 =	simm.s32 $0x2000  }
0x10e: {  	s23 =	simm.s32 @!p3 $0x80;
	s24 =	simm.s32 @!p3 $0x2F60;
	s22 =	simm.s32 @!p1 $0x2;
	v6 =	vshrl.u32 @!p3 v5, $0xF  }
0x10f: {  	s10 =	simm.s32 @!p1 $0x30E0;
	s21 =	simm.s32 @!p1 $0x3;
	s9 =	simm.s32 @!p3 $0x3160;
	v5 =	vand.u32 @!p3 $0x7FFF, v5;
	[tilespmem:$0x2FC0] =	vst @!p3 v6  }
.LBB2_9:
0x110: {  	s16 =	sadd.s32 $0xFFFFFFFF, s16;
	[tilespmem:$0x3040] =	vst @!p3 v5;
	s17 =	sadd.s32 $0x2, s17;
	s18 =	sadd.s32 $0x100, s18  }
0x111: {  	p2 =	sne.s32 s16, $0x0;
	v5 =	vld @!p3 [tilespmem:s15+$0xB0];
	s15 =	smov.u32 s18;
	_ =	sdelay $0x4  }
0x112: {  	v6 =	vshrl.u32 @!p3 v5, $0xF;
	v5 =	vand.u32 @!p3 $0x7FFF, v5  }
0x113: {  	[tilespmem:$0x2FD0] =	vst @!p3 v6  }
0x114: {  	[tilespmem:$0x3050] =	vst @!p3 v5  }
0x115: {  	[tilespmem:s9], [sflag:$0x1] =	stream.indirect.gather @!p3 [hbm4b:s4+s23], $0x40, s24, s23, $0xb8;
	[tilespmem:$0x1F960] =	vst v63  }
0x116: {  	_ =	swait.ge @!p1 [sflag:s22], $0x2000  }
0x117: {  	[sflag:s22] =	ssyncset.done @!p1 $0x0  }
0x118: {  	[sflag:s22] =	ssyncadd.s32 @!p1 $0xFFFFE000  }
0x119: {  	[spmem:s1] =	stream.indirect.scatter.add.f32 @!p1 [tilespmem:s20], [sflag:$0x3], $0x40, s10, s19, $0xb8;
	[tilespmem:$0x1F960] =	vst v63  }
0x11a: {  	_ =	swait.ge @!p1 [sflag:s21], $0x2000  }
0x11b: {  	s9 =	sadd.s32 $0xFFFFFFFF, s17;
	[sflag:s21] =	ssyncset.done @!p1 $0x0  }
0x11c: {  	[sflag:s21] =	ssyncadd.s32 @!p1 $0xFFFFE000;
	p1 =	sge.s32 s9, s14  }
0x11d: {  	v5 =	vld @!p1 [tilespmem:s18+$0xFFFFFFC0];
	_ =	sdelay $0x4  }
0x11e: {  	v6 =	vshrl.u32 @!p1 v5, $0xF;
	v5 =	vand.u32 @!p1 $0x7FFF, v5  }
0x11f: {  	[tilespmem:$0x3060] =	vst @!p1 v6  }
0x120: {  	[tilespmem:$0x30E0] =	vst @!p1 v5  }
0x121: {  	v5 =	vld @!p1 [tilespmem:s18+$0xFFFFFFD0];
	_ =	sdelay $0x4  }
0x122: {  	v6 =	vshrl.u32 @!p1 v5, $0xF;
	v5 =	vand.u32 @!p1 $0x7FFF, v5  }
0x123: {  	[tilespmem:$0x3070] =	vst @!p1 v6  }
0x124: {  	[tilespmem:$0x30F0] =	vst @!p1 v5  }
0x125: {  	v5 =	vld @!p1 [tilespmem:s18+$0xFFFFFFE0];
	_ =	sdelay $0x4  }
0x126: {  	v6 =	vshrl.u32 @!p1 v5, $0xF;
	v5 =	vand.u32 @!p1 $0x7FFF, v5  }
0x127: {  	[tilespmem:$0x3080] =	vst @!p1 v6  }
0x128: {  	[tilespmem:$0x3100] =	vst @!p1 v5  }
0x129: {  	v5 =	vld @!p1 [tilespmem:s18+$0xFFFFFFF0];
	_ =	sdelay $0x4  }
0x12a: {  	v6 =	vshrl.u32 @!p1 v5, $0xF;
	v5 =	vand.u32 @!p1 $0x7FFF, v5  }
0x12b: {  	[tilespmem:$0x3090] =	vst @!p1 v6  }
0x12c: {  	[tilespmem:$0x3110] =	vst @!p1 v5  }
0x12d: {  	v5 =	vld @!p1 [tilespmem:s18+$0x0];
	_ =	sdelay $0x4  }
0x12e: {  	v6 =	vshrl.u32 @!p1 v5, $0xF;
	v5 =	vand.u32 @!p1 $0x7FFF, v5  }
0x12f: {  	[tilespmem:$0x30A0] =	vst @!p1 v6  }
0x130: {  	[tilespmem:$0x3120] =	vst @!p1 v5  }
0x131: {  	v5 =	vld @!p1 [tilespmem:s18+$0x10];
	_ =	sdelay $0x4  }
0x132: {  	v6 =	vshrl.u32 @!p1 v5, $0xF;
	v5 =	vand.u32 @!p1 $0x7FFF, v5  }
0x133: {  	[tilespmem:$0x30B0] =	vst @!p1 v6  }
0x134: {  	[tilespmem:$0x3130] =	vst @!p1 v5  }
0x135: {  	v5 =	vld @!p1 [tilespmem:s18+$0x20];
	_ =	sdelay $0x4  }
0x136: {  	v6 =	vshrl.u32 @!p1 v5, $0xF;
	v5 =	vand.u32 @!p1 $0x7FFF, v5  }
0x137: {  	[tilespmem:$0x30C0] =	vst @!p1 v6  }
0x138: {  	s19 =	simm.s32 @!p1 $0x80;
	s9 =	simm.s32 @!p1 $0x3060;
	s20 =	simm.s32 @!p1 $0x5160;
	[tilespmem:$0x3140] =	vst @!p1 v5  }
0x139: {  	v5 =	vld @!p1 [tilespmem:s18+$0x30];
	_ =	sdelay $0x4  }
0x13a: {  	v6 =	vshrl.u32 @!p1 v5, $0xF;
	v5 =	vand.u32 @!p1 $0x7FFF, v5  }
0x13b: {  	[tilespmem:$0x30D0] =	vst @!p1 v6  }
0x13c: {  	[tilespmem:$0x3150] =	vst @!p1 v5  }
0x13d: {  	[tilespmem:s20], [sflag:$0x2] =	stream.indirect.gather @!p1 [hbm4b:s4+s19], $0x40, s9, s19, $0xb8;
	[tilespmem:$0x1F960] =	vst v63  }
0x13e: {  	_ =	swait.ge [sflag:s31], $0x2000  }
0x13f: {  	[sflag:s31] =	ssyncset.done $0x0  }
0x140: {  	[sflag:s31] =	ssyncadd.s32 $0xFFFFE000  }
0x141: {  	[spmem:s1] =	stream.indirect.scatter.add.f32 [tilespmem:s25], [sflag:$0x4], $0x40, s3, s0, $0xb8;
	[tilespmem:$0x1F960] =	vst v63  }
0x142: {  	_ =	swait.ge [sflag:s12], $0x2000  }
0x143: {  	[sflag:s12] =	ssyncset.done $0x0  }
0x144: {  	p3 =	sge.s32 s17, s14;
	[sflag:s12] =	ssyncadd.s32 $0xFFFFE000  }
0x145: {  	v5 =	vld @!p3 [tilespmem:s18+$0x40];
	_ =	sdelay $0x4  }
0x146: {  	v6 =	vshrl.u32 @!p3 v5, $0xF;
	v5 =	vand.u32 @!p3 $0x7FFF, v5  }
0x147: {  	[tilespmem:$0x2F60] =	vst @!p3 v6  }
0x148: {  	[tilespmem:$0x2FE0] =	vst @!p3 v5  }
0x149: {  	v5 =	vld @!p3 [tilespmem:s18+$0x50];
	_ =	sdelay $0x4  }
0x14a: {  	v6 =	vshrl.u32 @!p3 v5, $0xF;
	v5 =	vand.u32 @!p3 $0x7FFF, v5  }
0x14b: {  	[tilespmem:$0x2F70] =	vst @!p3 v6  }
0x14c: {  	[tilespmem:$0x2FF0] =	vst @!p3 v5  }
0x14d: {  	v5 =	vld @!p3 [tilespmem:s18+$0x60];
	_ =	sdelay $0x4  }
0x14e: {  	v6 =	vshrl.u32 @!p3 v5, $0xF;
	v5 =	vand.u32 @!p3 $0x7FFF, v5  }
0x14f: {  	[tilespmem:$0x2F80] =	vst @!p3 v6  }
0x150: {  	[tilespmem:$0x3000] =	vst @!p3 v5  }
0x151: {  	v5 =	vld @!p3 [tilespmem:s18+$0x70];
	_ =	sdelay $0x4  }
0x152: {  	v6 =	vshrl.u32 @!p3 v5, $0xF;
	v5 =	vand.u32 @!p3 $0x7FFF, v5  }
0x153: {  	[tilespmem:$0x2F90] =	vst @!p3 v6  }
0x154: {  	[tilespmem:$0x3010] =	vst @!p3 v5  }
0x155: {  	v5 =	vld @!p3 [tilespmem:s18+$0x80];
	_ =	sdelay $0x4  }
0x156: {  	v6 =	vshrl.u32 @!p3 v5, $0xF;
	v5 =	vand.u32 @!p3 $0x7FFF, v5  }
0x157: {  	[tilespmem:$0x2FA0] =	vst @!p3 v6  }
0x158: {  	[tilespmem:$0x3020] =	vst @!p3 v5  }
0x159: {  	v5 =	vld @!p3 [tilespmem:s18+$0x90];
	_ =	sdelay $0x4  }
0x15a: {  	v6 =	vshrl.u32 @!p3 v5, $0xF;
	v5 =	vand.u32 @!p3 $0x7FFF, v5  }
0x15b: {  	[tilespmem:$0x2FB0] =	vst @!p3 v6  }
0x15c: {  	s23 =	simm.s32 @!p3 $0x80;
	s24 =	simm.s32 @!p3 $0x2F60;
	s9 =	simm.s32 @!p3 $0x3160;
	[tilespmem:$0x3030] =	vst @!p3 v5  }
0x15d: {  	s22 =	simm.s32 @!p1 $0x2;
	v5 =	vld @!p3 [tilespmem:s18+$0xA0];
	_ =	sdelay $0x1  }
.Ltmp6:
0x15e: {  	(pc) =	sbr.rel @p2 .LBB2_9-.Ltmp6, $4  }
0x15f: {  	s10 =	simm.s32 @!p1 $0x30E0  }
0x160: {  	s21 =	simm.s32 @!p1 $0x3  }
0x161: {  	v6 =	vshrl.u32 @!p3 v5, $0xF;
	v5 =	vand.u32 @!p3 $0x7FFF, v5  }
0x162: {  	[tilespmem:$0x2FC0] =	vst @!p3 v6  }
.Ltmp7:
0x163: {  	_ = 	snop;
	(pc) =	sbr.rel .LBB2_10-.Ltmp7, $1  }
0x164: {  	_ =	sdelay $0x3  }
.LBB2_12:
0x165: {  	[bflag:$0x0] =	sbarrier.arrive $0xFFFF  }
0x166: {  	s13 =	rddreg [dreg:$0x5]  }
0x167: {  	[tilespmem:s25], [sflag:$0x3] =	stream.linear.gather [spmem:s13], $0x2000, $0x38;
	[tilespmem:$0x1F960] =	vst v63  }
0x168: {  	s7 =	smul.u32 $0x31000, s7;
	_ =	swait.ge [sflag:s26], $0x2000  }
0x169: {  	s9 =	rddreg [dreg:$0x14]  }
0x16a: {  	[sflag:s26] =	ssyncset.done $0x0;
	s7 =	sadd.s32 s7, s9  }
0x16b: {  	[sflag:s26] =	ssyncadd.s32 $0xFFFFE000;
	s9 =	sadd.s32 $0x0, s7  }
0x16c: {  	[hbm4b:s9+s2] =	stream.linear.scatter [tilespmem:s25], [sflag:$0x3], $0x2000, $0x38;
	[tilespmem:$0x1F960] =	vst v63  }
0x16d: {  	_ =	swait.ge [sflag:s26], $0x2000  }
0x16e: {  	s10 =	smov.u32 s13;
	s24 =	rddreg [dreg:$0x3]  }
0x16f: {  	s9 =	simm.s32 $0x400;
	[sflag:s26] =	ssyncset.done $0x0;
	s8 =	sadd.s32 s24, s8  }
.LBB2_13:
0x170: {  	p1 =	sne.s32 s9, $0x2C00;
	[sflag:s26] =	ssyncadd.s32 $0xFFFFE000;
	s10 =	sadd.s32 $0x2000, s10  }
0x171: {  	[tilespmem:s25], [sflag:$0x3] =	stream.linear.gather [spmem:s10], $0x2000, $0x38;
	[tilespmem:$0x1F960] =	vst v63  }
0x172: {  	s11 =	smov.u32 s9;
	s9 =	sadd.s32 $0x400, s9;
	_ =	swait.ge [sflag:s26], $0x2000  }
.Ltmp8:
0x173: {  	[sflag:s26] =	ssyncset.done $0x0;
	(pc) =	sbr.rel @p1 .LBB2_13-.Ltmp8, $4  }
0x174: {  	s11 =	sadd.s32 s11, s7;
	[sflag:s26] =	ssyncadd.s32 $0xFFFFE000  }
0x175: {  	[hbm4b:s11+s2] =	stream.linear.scatter [tilespmem:s25], [sflag:$0x3], $0x2000, $0x38;
	[tilespmem:$0x1F960] =	vst v63  }
0x176: {  	_ =	swait.ge [sflag:s26], $0x2000  }
0x177: {  	[sflag:s26] =	ssyncset.done $0x0  }
0x178: {  	[sflag:s26] =	ssyncadd.s32 $0xFFFFE000;
	s11 =	rddreg [dreg:$0x6]  }
0x179: {  	[tilespmem:s25], [sflag:$0x3] =	stream.linear.gather [spmem:s11], $0x800, $0x38;
	[tilespmem:$0x1F960] =	vst v63  }
0x17a: {  	_ =	swait.ge [sflag:s26], $0x800  }
0x17b: {  	s7 =	sshll.u32 s8, $0x3;
	[sflag:s26] =	ssyncset.done $0x0;
	s24 =	rddreg [dreg:$0x7]  }
0x17c: {  	[sflag:s26] =	ssyncadd.s32 $0xFFFFF800;
	s7 =	sadd.s32 s7, s24  }
0x17d: {  	[hbm4b:s7+s2] =	stream.linear.scatter [tilespmem:s25], [sflag:$0x3], $0x800, $0x38;
	[tilespmem:$0x1F960] =	vst v63  }
.Ltmp9:
0x17e: {  	_ =	swait.ge [sflag:s26], $0x800;
	(pc) =	sbr.rel @p0 .LBB2_2-.Ltmp9, $4  }
0x17f: {  	[sflag:s26] =	ssyncset.done $0x0  }
0x180: {  	[sflag:s26] =	ssyncadd.s32 $0xFFFFF800  }
0x181: {  	[bflag:$0x0] =	sbarrier.arrive $0xFFFF  }
0x182: {  	p1 =	por $0x0, $0x0;
	s7 =	simm.s32 $0x1  }
0x183: {  	s8 =	rddreg [dreg:$0x15]  }
0x184: {  	s7 =	rddreg [dreg:$0x8];
	s8 =	sadd.s32 $0x1, s8  }
0x185: {  	p0 =	sne.s32 s8, s7  }
.Ltmp10:
0x186: {  	_ = 	snop;
	(pc) =	sbr.rel @p0 .LBB2_1-.Ltmp10, $1  }
0x187: {  	_ =	sdelay $0x3  }
0x188: {  	_ =	sfence.sel $0x180000  }
0x189: {  	[bflag:$0x0] =	sbarrier.arrive $0xFFFF  }
0x18a: {  	_ =	strace $0x9000004A  }
0x18b: {  	s0 =	stileid.u32;
	[bflag:$0x2] =	sbarrier.arrive $0xFFFF  }
0x18c: {  	p0 =	sne.s32 s0, $0x0;
	s0 =	rddreg [dreg:$0x2]  }
0x18d: {  	s0 =	sadd.s32 @!p0 $0x100000, s0  }
0x18e: {  	[sflag:s0] =	ssyncadd.tile.s32 @!p0 $0x1;
	_ =	shalt  }
.Lfunc_end2:
_tile_overlayer_lowered:
.L_overlay_start_2:
0x18f: {  	(tag) =	ssettag $0x2  }
0x190: {  	s0 =	rddreg [dreg:$0x0];
	s2 =	stileid.u32  }
0x191: {  	s1 =	rddreg [dreg:$0x1];
	p0 =	sne.s32 s2, $0x0  }
0x192: {  	s3 =	rddreg [dreg:$0x2];
	[bflag:$0x3] =	sbarrier.arrive $0xFFFF;
	s2 =	simm.s32 @!p0 $0x1C03  }
0x193: {  	[timem:s3], [sflag:s2] =	dma.local @!p0 [hbm:s0], s1  }
0x194: {  	s0 =	simm.s32 @!p0 $0x3  }
0x195: {  	_ =	swait.ge @!p0 [sflag:s0], s1  }
0x196: {  	s1 =	ssub.s32 @!p0 $0x0, s1;
	[sflag:s0] =	ssyncset.done @!p0 $0x0  }
0x197: {  	[sflag:s0] =	ssyncadd.s32 @!p0 s1  }
0x198: {  	[bflag:$0x3] =	sbarrier.arrive $0xFFFF  }
0x199: {  	_ =	shalt  }

// kernel: kernel.8.cloned.1.call-start
scs
__scs_entry_jumppad:
0x0: {  	(pc) =	sbr.rel $0x88, $3  }
0x1: {  	(tag) =	ssettag $0x0;
	lr =	simm.s32 $0x1  }
0x2: {  	[smem:$0x3F8D] =	sst lr;
	_ =	strace $0xD0000000  }
0x3: {  	_ = 	snop  }
0x4: {  	_ = 	snop  }
0x5: {  	_ = 	snop  }
0x6: {  	_ = 	snop  }
0x7: {  	_ = 	snop  }
__scs_overlays_trampoline_lowered:
0x8: {  	[smem:$0x3F9C] =	sst s0  }
0x9: {  	[smem:$0x3F9D] =	sst s1  }
0xa: {  	[smem:$0x3F9E] =	sst s2  }
0xb: {  	[smem:$0x3F9F] =	sst s3  }
0xc: {  	[smem:$0x3FA0] =	sst s4  }
0xd: {  	[smem:$0x3FA1] =	sst s5  }
0xe: {  	[smem:$0x3FA2] =	sst s6  }
0xf: {  	[smem:$0x3FA3] =	sst s7  }
0x10: {  	[smem:$0x3FA4] =	sst s8  }
0x11: {  	[smem:$0x3FA5] =	sst s9;
	s0 =	simm.s32 @!p0 $0x0  }
0x12: {  	s1 =	sld [smem:$0x3F8B];
	s0 =	simm.s32 @p0 $0x1  }
0x13: {  	[smem:$0x3FA6] =	sst s0;
	s0 =	simm.s32 @!p1 $0x0  }
0x14: {  	s2 =	sld [smem:$0x3F8A];
	s0 =	simm.s32 @p1 $0x1  }
0x15: {  	[smem:$0x3FA7] =	sst s0;
	s0 =	simm.s32 @!p2 $0x0  }
0x16: {  	s3 =	sld [smem:$0x3FDB];
	s0 =	simm.s32 @p2 $0x1  }
0x17: {  	s4 =	simm.s32 $0x1BF5;
	[smem:$0x3FA9] =	sst s0  }
0x18: {  	s0 =	sld [smem:$0x3F8C];
	_ =	swait.ge [sflag:s4], $0x0  }
0x19: {  	s7 =	sld [smem:$0x3F8D]  }
0x1a: {  	s8 =	sadd.s32 $0xFFFFE003, lr  }
0x1b: {  	s9 =	sadd.s32 $0xFFFFFEF7, lr;
	s5 =	simm.s32 $0xFFFFFFFF;
	p2 =	slt.u32 s8, $0xFFFFF086  }
0x1c: {  	p1 =	slt.u32 s9, $0xF7A;
	s5 =	simm.s32 @!p2 $0x0  }
0x1d: {  	s5 =	simm.s32 @p1 $0x1;
	p0 =	seq.s32 s7, s2  }
0x1e: {  	s7 =	smul.u32 @!p0 $0xF7A, s2;
	p2 =	seq.s32 @!p0 s5, $0x0  }
0x1f: {  	s9 =	smul.u32 $0xF7A, s1;
	s8 =	simm.s32 @!p0 $0x1BF5;
	p2 =	por !p2, p0  }
0x20: {  	[sflag:s8] =	ssyncset.s32 @!p0 $0xFFFFF086;
	s6 =	sadd.s32 @!p0 s3, s7;
	s7 =	simm.s32 @!p0 $0x108  }
0x21: {  	s3 =	sadd.s32 s3, s9;
	s6 =	sadd.s32 @!p0 $0x88, s6;
	s7 =	simm.s32 @p2 $0x1082  }
0x22: {  	[simem:s7], [sflag:s8] =	dma.local @!p0 [hbm:s6], $0xF7A  }
0x23: {  	s9 =	sor.u32 $0xD0000000, s2;
	s6 =	simm.s32 $0x108;
	_ =	swait.ge @!p0 [sflag:s8], $0x0  }
0x24: {  	s3 =	sadd.s32 $0x88, s3;
	s6 =	simm.s32 @!p1 $0x1082;
	[sflag:s4] =	ssyncset.s32 $0xFFFFF086  }
0x25: {  	[simem:s6], [sflag:s4] =	dma.local [hbm:s3], $0xF7A  }
0x26: {  	[smem:$0x3F8D] =	sst s1;
	(tag) =	ssettag s2;
	_ =	strace s9  }
0x27: {  	s1 =	sld [smem:$0x3F9D]  }
0x28: {  	s2 =	sld [smem:$0x3F9E]  }
0x29: {  	s4 =	sld [smem:$0x3FA0]  }
0x2a: {  	p0 =	seq.s32 s5, $0x0;
	s5 =	sld [smem:$0x3FA1]  }
0x2b: {  	s6 =	sld [smem:$0x3FA2]  }
0x2c: {  	s7 =	sld [smem:$0x3FA3]  }
0x2d: {  	s3 =	simm.s32 $0x108;
	s8 =	sld [smem:$0x3FA4]  }
0x2e: {  	s3 =	simm.s32 @!p0 $0x1082;
	s9 =	sld [smem:$0x3FA5]  }
0x2f: {  	lr =	sadd.s32 s0, s3;
	s0 =	sld [smem:$0x3F9C]  }
0x30: {  	s3 =	sld [smem:$0x3F9F]  }
0x31: {  	[smem:$0x3FA8] =	sst s10  }
0x32: {  	s10 =	sld [smem:$0x3FA6];
	_ =	sdelay $0x3  }
0x33: {  	p0 =	seq.s32 s10, $0x1;
	s10 =	sld [smem:$0x3FA8];
	_ =	sdelay $0x3  }
0x34: {  	[smem:$0x3FA8] =	sst s10  }
0x35: {  	s10 =	sld [smem:$0x3FA7];
	_ =	sdelay $0x3  }
0x36: {  	p1 =	seq.s32 s10, $0x1;
	s10 =	sld [smem:$0x3FA8];
	_ =	sdelay $0x3  }
0x37: {  	[smem:$0x3FA8] =	sst s10  }
0x38: {  	s10 =	sld [smem:$0x3FA9]  }
0x39: {  	_ = 	snop;
	(pc) =	sbr.ind lr, $3  }
0x3a: {  	_ = 	snop  }
0x3b: {  	_ = 	snop  }
0x3c: {  	p2 =	seq.s32 s10, $0x1;
	s10 =	sld [smem:$0x3FA8]  }
0x3d: {  	_ =	shalt  }
0x3e: {  	_ =	shalt  }
0x3f: {  	_ =	shalt  }
0x40: {  	_ =	shalt  }
0x41: {  	_ =	shalt  }
0x42: {  	_ =	shalt  }
0x43: {  	_ =	shalt  }
0x44: {  	_ =	shalt  }
0x45: {  	_ =	shalt  }
0x46: {  	_ =	shalt  }
0x47: {  	_ =	shalt  }
0x48: {  	_ =	shalt  }
0x49: {  	_ =	shalt  }
0x4a: {  	_ =	shalt  }
0x4b: {  	_ =	shalt  }
0x4c: {  	_ =	shalt  }
0x4d: {  	_ =	shalt  }
0x4e: {  	_ =	shalt  }
0x4f: {  	_ =	shalt  }
0x50: {  	_ =	shalt  }
0x51: {  	_ =	shalt  }
0x52: {  	_ =	shalt  }
0x53: {  	_ =	shalt  }
0x54: {  	_ =	shalt  }
0x55: {  	_ =	shalt  }
0x56: {  	_ =	shalt  }
0x57: {  	_ =	shalt  }
0x58: {  	_ =	shalt  }
0x59: {  	_ =	shalt  }
0x5a: {  	_ =	shalt  }
0x5b: {  	_ =	shalt  }
0x5c: {  	_ =	shalt  }
0x5d: {  	_ =	shalt  }
0x5e: {  	_ =	shalt  }
0x5f: {  	_ =	shalt  }
0x60: {  	_ =	shalt  }
0x61: {  	_ =	shalt  }
0x62: {  	_ =	shalt  }
0x63: {  	_ =	shalt  }
0x64: {  	_ =	shalt  }
0x65: {  	_ =	shalt  }
0x66: {  	_ =	shalt  }
0x67: {  	_ =	shalt  }
0x68: {  	_ =	shalt  }
0x69: {  	_ =	shalt  }
0x6a: {  	_ =	shalt  }
0x6b: {  	_ =	shalt  }
0x6c: {  	_ =	shalt  }
0x6d: {  	_ =	shalt  }
0x6e: {  	_ =	shalt  }
0x6f: {  	_ =	shalt  }
0x70: {  	_ =	shalt  }
0x71: {  	_ =	shalt  }
0x72: {  	_ =	shalt  }
0x73: {  	_ =	shalt  }
0x74: {  	_ =	shalt  }
0x75: {  	_ =	shalt  }
0x76: {  	_ =	shalt  }
0x77: {  	_ =	shalt  }
0x78: {  	_ =	shalt  }
0x79: {  	_ =	shalt  }
0x7a: {  	_ =	shalt  }
0x7b: {  	_ =	shalt  }
0x7c: {  	_ =	shalt  }
0x7d: {  	_ =	shalt  }
0x7e: {  	_ =	shalt  }
0x7f: {  	_ =	shalt  }
0x80: {  	_ =	shalt  }
0x81: {  	_ =	shalt  }
0x82: {  	_ =	shalt  }
0x83: {  	_ =	shalt  }
0x84: {  	_ =	shalt  }
0x85: {  	_ =	shalt  }
0x86: {  	_ =	shalt  }
0x87: {  	_ =	shalt  }
.Lfunc_end0:
.L_simem_size_0:
called_computation_lowered:
.L_overlay_start_0:
0x88: {  	s2 =	sld [smem:$0x3FD9]  }
0x89: {  	s3 =	sld [smem:$0x3FFE];
	_ =	sdelay $0x1  }
0x8a: {  	s1 =	srdreg.scid  }
0x8b: {  	s0 =	sand.u32 $0x1, s1  }
0x8c: {  	s16 =	sshll.u32 s0, $0xA;
	s2 =	sadd.s32 s3, s2  }
0x8d: {  	s2 =	sadd.s32 s2, s16  }
0x8e: {  	[smem:$0x3FB4] =	sst s2  }
0x8f: {  	_ = 	snop  }
0x90: {  	(tm) =	ssettm $0x1  }
0x91: {  	s17 =	sld [smem:$0x3FFB];
	_ =	sdelay $0x3  }
0x92: {  	_ =	strace s17  }
0x93: {  	s2 =	sld [smem:$0x3FFC];
	_ =	sdelay $0x3  }
0x94: {  	_ =	strace s2  }
0x95: {  	s2 =	sld [smem:$0x3FFD];
	_ =	sdelay $0x3  }
0x96: {  	_ =	strace s2  }
0x97: {  	_ =	strace $0x8FFFFFFF  }
0x98: {  	s18 =	sld [smem:$0x3FDB];
	_ =	sdelay $0x1  }
0x99: {  	s19 =	simm.s32 $_scs_section_size  }
0x9a: {  	s4 =	simm.s32 $_size__tile_overlayer_lowered;
	s5 =	simm.s32 $_tile_overlayer_lowered  }
0x9b: {  	s22 =	simm.s32 $0x1BFF;
	s21 =	sshll.u32 s5, $0x1;
	s2 =	sadd.s32 s19, s18  }
0x9c: {  	s6 =	simm.s32 $0x0;
	s20 =	sshll.u32 s4, $0x1;
	s4 =	sadd.s32 s21, s2  }
0x9d: {  	[timem:s6], [sflag:s22] =	dma.local [hbm:s4], s20  }
0x9e: {  	_ =	swait.ge [sflag:s22], s20  }
0x9f: {  	s3 =	ssub.s32 $0x0, s20;
	[sflag:s22] =	ssyncset.done $0x0  }
0xa0: {  	[sflag:s22] =	ssyncadd.s32 s3;
	_ =	sdelay $0x1  }
0xa1: {  	s23 =	simm.s32 $0x1B8B  }
0xa2: {  	_ =	swait.ge [sflag:s23], $0x1  }
0xa3: {  	[sflag:s23] =	ssyncset.done $0x0  }
0xa4: {  	s25 =	simm.s32 $0x1B8E;
	s24 =	sld [smem:$0x3FFE];
	[sflag:s23] =	ssyncadd.s32 $0xFFFFFFFF  }
0xa5: {  	s26 =	simm.s32 $execute0_lowered;
	[smem:$0x3FD2] =	sst s25  }
0xa6: {  	s4 =	sshll.u32 s26, $0x1;
	_ =	strace $0x80000046;
	[dreg:$0x1] =	wrdreg $0xFFFFFFFF  }
0xa7: {  	s28 =	simm.s32 $_size_execute0_lowered;
	s2 =	sadd.s32 s2, s4;
	[dreg:$0x0] =	wrdreg $0x0  }
0xa8: {  	s4 =	sshll.u32 s28, $0x1;
	[dreg:$0x2] =	wrdreg s2  }
0xa9: {  	[dreg:$0x3] =	wrdreg s4  }
0xaa: {  	[dreg:$0x4] =	wrdreg $0xC0  }
0xab: {  	_ =	task [dreg:s6], $0x5FFFF  }
0xac: {  	[dreg:$0x1] =	wrdreg $0xFFFFFFFF  }
0xad: {  	[dreg:$0x0] =	wrdreg $0x60  }
0xae: {  	[dreg:$0x2] =	wrdreg s24  }
0xaf: {  	[dreg:$0x3] =	wrdreg $0x71600  }
0xb0: {  	[dreg:$0x4] =	wrdreg $0x9  }
0xb1: {  	_ =	task.clear_ibuf [dreg:s6], $0x5FFFF;
	_ =	strace $0x90000046  }
0xb2: {  	s29 =	simm.s32 $0x9;
	_ =	strace $0x80000048  }
0xb3: {  	_ =	swait.ge [sflag:s29], $0x1  }
0xb4: {  	[sflag:s29] =	ssyncadd.s32 $0xFFFFFFFF  }
0xb5: {  	_ =	strace $0x90000048  }
0xb6: {  	_ =	sfence  }
0xb7: {  	s30 =	sld [smem:$0x0];
	_ =	sdelay $0x2  }
0xb8: {  	s31 =	sshll.u32 s1, $0xD;
	s1 =	sshrl.u32 s1, $0x2  }
0xb9: {  	s3 =	sand.u32 $0x4000, s31;
	s1 =	sadd.s32 s1, s30  }
0xba: {  	s0 =	sor.u32 s3, s0;
	s1 =	sshll.u32 s1, $0x11  }
0xbb: {  	s0 =	sor.u32 s1, s0  }
0xbc: {  	s0 =	sadd.s32 $0x8F2B, s0  }
0xbd: {  	[sflag:s0] =	ssyncadd.remote.s32 $0x1  }
0xbe: {  	_ =	sfence.sel $0xFFFF  }
0xbf: {  	[dreg:$0x0] =	wrdreg $0xFFFFFFFF;
	(pc) =	sbr.abs _section_cstart, $3  }
0xc0: {  	[dreg:$0x1] =	wrdreg $0xFFFFFFFF  }
0xc1: {  	_ =	task.clear_ibuf [dreg:s6], $0x2FFFF;
	_ =	strace $0x9FFFFFFF  }
0xc2: {  	(tm) =	ssettm $0x7FFFFFFF  }
0xc3: {  	_ =	shalt  }
tec
execute0_lowered:
.L_overlay_start_1:
0x0: {  	(tag) =	ssettag $0x1  }
0x1: {  	s0 =	rddreg [dreg:$0x0]  }
0x2: {  	s1 =	rddreg [dreg:$0x1];
	s2 =	simm.s32 $0x0;
	s3 =	srdreg.scid  }
0x3: {  	s10 =	stileid.u32;
	[smem:$0x7FF] =	sst s2  }
0x4: {  	s3 =	sand.u32 $0x1, s3;
	s4 =	sadd.s32 $0x4400, s0;
	s8 =	smul.u32 $0x62000, s10  }
0x5: {  	s5 =	sadd.s32 $0xC8400, s0;
	s11 =	smul.u32 $0x620, s10;
	_ =	strace $0x80000047  }
0x6: {  	s6 =	smul.u32 $0x62000, s3;
	s7 =	ssub.s32 $0x2, s3;
	s3 =	sshll.u32 s3, $0x1  }
0x7: {  	s13 =	sshrl.u32 s7, $0x1;
	s8 =	sshrl.u32 s8, $0x2;
	[dreg:$0x3] =	wrdreg s11  }
0x8: {  	[dreg:$0x4] =	wrdreg s3;
	s9 =	sadd.s32 s6, s0;
	s0 =	sadd.s32 $0x12D000, s0  }
0x9: {  	s7 =	ssub.s32 s7, s13;
	s13 =	sadd.s32 s8, s1;
	[dreg:$0x7] =	wrdreg s0  }
0xa: {  	s14 =	smax.u32 s7, $0x1;
	[dreg:$0x5] =	wrdreg s13  }
0xb: {  	s15 =	sadd.s32 $0x2000, s13;
	[dreg:$0x8] =	wrdreg s14  }
0xc: {  	s16 =	sadd.s32 $0x4000, s13;
	[dreg:$0x9] =	wrdreg s15  }
0xd: {  	s28 =	simm.s32 $0xFA0;
	s17 =	sadd.s32 $0x6000, s13;
	[dreg:$0xa] =	wrdreg s16  }
0xe: {  	s29 =	simm.s32 $0x186A00;
	s18 =	sadd.s32 $0x8000, s13;
	[dreg:$0xb] =	wrdreg s17  }
0xf: {  	s30 =	simm.s32 $0x1F40;
	s19 =	sadd.s32 $0xA000, s13;
	[dreg:$0xc] =	wrdreg s18  }
0x10: {  	s31 =	simm.s32 $0x1;
	s21 =	sadd.s32 $0xC000, s13;
	[dreg:$0xd] =	wrdreg s19  }
0x11: {  	s12 =	simm.s32 $0x4;
	s22 =	sadd.s32 $0xE000, s13;
	[dreg:$0xe] =	wrdreg s21  }
0x12: {  	s20 =	smul.u32 $0x3100, s10;
	s23 =	sadd.s32 $0x10000, s13;
	[dreg:$0xf] =	wrdreg s22  }
0x13: {  	s3 =	simm.s32 $0x2FE0;
	s24 =	sadd.s32 $0x12000, s13;
	[dreg:$0x10] =	wrdreg s23  }
0x14: {  	s6 =	smul.u32 $0x186A0, s10;
	s25 =	sadd.s32 $0x14000, s13;
	[dreg:$0x11] =	wrdreg s24  }
0x15: {  	s8 =	simm.s32 $0x0;
	s26 =	sadd.s32 $0x16000, s13;
	[dreg:$0x12] =	wrdreg s25  }
0x16: {  	s11 =	sadd.s32 $0x18000, s13;
	s0 =	sadd.s32 s20, s9;
	[dreg:$0x13] =	wrdreg s26  }
0x17: {  	s0 =	sadd.s32 $0x12A000, s0;
	s25 =	simm.s32 $0x3160;
	[dreg:$0x6] =	wrdreg s11  }
0x18: {  	v0 =	vimm.f32 $0.0e+00;
	v1 =	vimm.s32 $0x0;
	v2 =	vimm.s32 $0xC3500000;
	s26 =	simm.s32 $0x3;
	[dreg:$0x14] =	wrdreg s0;
	s0 =	simm.s32 $0x80  }
.LBB2_1:
0x19: {  	[dreg:$0x15] =	wrdreg s8;
	p1 =	por $0x1, $0x1;
	s7 =	simm.s32 $0x0  }
.LBB2_2:
0x1a: {  	p0 =	por p1, p1;
	s9 =	simm.s32 $0x100;
	s8 =	simm.s32 $0x0  }
.LBB2_3:
0x1b: {  	p1 =	sne.s32 s9, $0x7F00;
	[tilespmem:s8+$0x3190] =	vst v0;
	s10 =	smov.u32 s9;
	s9 =	sadd.s32 $0x100, s9  }
.Ltmp0:
0x1c: {  	[tilespmem:s8+$0x3180] =	vst v0;
	(pc) =	sbr.rel @p1 .LBB2_3-.Ltmp0, $3  }
0x1d: {  	[tilespmem:s8+$0x3160] =	vst v0  }
0x1e: {  	[tilespmem:s8+$0x3170] =	vst v0;
	_ =	sdelay $0x1  }
0x1f: {  	s8 =	sshra.s32 s10, $0x2  }
0x20: {  	[tilespmem:s8+$0x3190] =	vst v0  }
0x21: {  	[tilespmem:s8+$0x3180] =	vst v0  }
0x22: {  	[tilespmem:s8+$0x3160] =	vst v0  }
0x23: {  	[tilespmem:s8+$0x3170] =	vst v0  }
0x24: {  	[spmem:s13] =	stream.linear.scatter [tilespmem:s25], [sflag:$0x3], $0x2000, $0x38;
	[tilespmem:$0x1F960] =	vst v63  }
0x25: {  	_ =	swait.ge [sflag:s26], $0x2000  }
0x26: {  	[sflag:s26] =	ssyncset.done $0x0  }
0x27: {  	s13 =	rddreg [dreg:$0x9];
	[sflag:s26] =	ssyncadd.s32 $0xFFFFE000  }
0x28: {  	[spmem:s13] =	stream.linear.scatter [tilespmem:s25], [sflag:$0x3], $0x2000, $0x38;
	[tilespmem:$0x1F960] =	vst v63  }
0x29: {  	_ =	swait.ge [sflag:s26], $0x2000  }
0x2a: {  	[sflag:s26] =	ssyncset.done $0x0  }
0x2b: {  	s14 =	rddreg [dreg:$0xa];
	[sflag:s26] =	ssyncadd.s32 $0xFFFFE000  }
0x2c: {  	[spmem:s14] =	stream.linear.scatter [tilespmem:s25], [sflag:$0x3], $0x2000, $0x38;
	[tilespmem:$0x1F960] =	vst v63  }
0x2d: {  	_ =	swait.ge [sflag:s26], $0x2000  }
0x2e: {  	[sflag:s26] =	ssyncset.done $0x0  }
0x2f: {  	s15 =	rddreg [dreg:$0xb];
	[sflag:s26] =	ssyncadd.s32 $0xFFFFE000  }
0x30: {  	[spmem:s15] =	stream.linear.scatter [tilespmem:s25], [sflag:$0x3], $0x2000, $0x38;
	[tilespmem:$0x1F960] =	vst v63  }
0x31: {  	_ =	swait.ge [sflag:s26], $0x2000  }
0x32: {  	[sflag:s26] =	ssyncset.done $0x0  }
0x33: {  	s16 =	rddreg [dreg:$0xc];
	[sflag:s26] =	ssyncadd.s32 $0xFFFFE000  }
0x34: {  	[spmem:s16] =	stream.linear.scatter [tilespmem:s25], [sflag:$0x3], $0x2000, $0x38;
	[tilespmem:$0x1F960] =	vst v63  }
0x35: {  	_ =	swait.ge [sflag:s26], $0x2000  }
0x36: {  	[sflag:s26] =	ssyncset.done $0x0  }
0x37: {  	s17 =	rddreg [dreg:$0xd];
	[sflag:s26] =	ssyncadd.s32 $0xFFFFE000  }
0x38: {  	[spmem:s17] =	stream.linear.scatter [tilespmem:s25], [sflag:$0x3], $0x2000, $0x38;
	[tilespmem:$0x1F960] =	vst v63  }
0x39: {  	_ =	swait.ge [sflag:s26], $0x2000  }
0x3a: {  	[sflag:s26] =	ssyncset.done $0x0  }
0x3b: {  	s18 =	rddreg [dreg:$0xe];
	[sflag:s26] =	ssyncadd.s32 $0xFFFFE000  }
0x3c: {  	[spmem:s18] =	stream.linear.scatter [tilespmem:s25], [sflag:$0x3], $0x2000, $0x38;
	[tilespmem:$0x1F960] =	vst v63  }
0x3d: {  	_ =	swait.ge [sflag:s26], $0x2000  }
0x3e: {  	[sflag:s26] =	ssyncset.done $0x0  }
0x3f: {  	s19 =	rddreg [dreg:$0xf];
	[sflag:s26] =	ssyncadd.s32 $0xFFFFE000  }
0x40: {  	[spmem:s19] =	stream.linear.scatter [tilespmem:s25], [sflag:$0x3], $0x2000, $0x38;
	[tilespmem:$0x1F960] =	vst v63  }
0x41: {  	_ =	swait.ge [sflag:s26], $0x2000  }
0x42: {  	[sflag:s26] =	ssyncset.done $0x0  }
0x43: {  	s20 =	rddreg [dreg:$0x10];
	[sflag:s26] =	ssyncadd.s32 $0xFFFFE000  }
0x44: {  	[spmem:s20] =	stream.linear.scatter [tilespmem:s25], [sflag:$0x3], $0x2000, $0x38;
	[tilespmem:$0x1F960] =	vst v63  }
0x45: {  	_ =	swait.ge [sflag:s26], $0x2000  }
0x46: {  	[sflag:s26] =	ssyncset.done $0x0  }
0x47: {  	s21 =	rddreg [dreg:$0x11];
	[sflag:s26] =	ssyncadd.s32 $0xFFFFE000  }
0x48: {  	[spmem:s21] =	stream.linear.scatter [tilespmem:s25], [sflag:$0x3], $0x2000, $0x38;
	[tilespmem:$0x1F960] =	vst v63  }
0x49: {  	_ =	swait.ge [sflag:s26], $0x2000  }
0x4a: {  	[sflag:s26] =	ssyncset.done $0x0  }
0x4b: {  	s22 =	rddreg [dreg:$0x12];
	[sflag:s26] =	ssyncadd.s32 $0xFFFFE000  }
0x4c: {  	[spmem:s22] =	stream.linear.scatter [tilespmem:s25], [sflag:$0x3], $0x2000, $0x38;
	[tilespmem:$0x1F960] =	vst v63  }
0x4d: {  	_ =	swait.ge [sflag:s26], $0x2000  }
0x4e: {  	[sflag:s26] =	ssyncset.done $0x0  }
0x4f: {  	s23 =	rddreg [dreg:$0x13];
	[sflag:s26] =	ssyncadd.s32 $0xFFFFE000  }
0x50: {  	[spmem:s23] =	stream.linear.scatter [tilespmem:s25], [sflag:$0x3], $0x2000, $0x38;
	[tilespmem:$0x1F960] =	vst v63  }
0x51: {  	_ =	swait.ge [sflag:s26], $0x2000  }
0x52: {  	[sflag:s26] =	ssyncset.done $0x0  }
0x53: {  	s24 =	rddreg [dreg:$0x4];
	[sflag:s26] =	ssyncadd.s32 $0xFFFFE000  }
0x54: {  	[spmem:s11] =	stream.linear.scatter [tilespmem:s25], [sflag:$0x3], $0x800, $0x38;
	[tilespmem:$0x1F960] =	vst v63  }
.Ltmp1:
0x55: {  	s8 =	sor.u32 s24, s7;
	_ =	swait.ge [sflag:s26], $0x800;
	(pc) =	sbr.rel .LBB2_5-.Ltmp1, $4  }
0x56: {  	s8 =	smul.u32 $0x6200, s8;
	[sflag:s26] =	ssyncset.done $0x0  }
0x57: {  	[sflag:s26] =	ssyncadd.s32 $0xFFFFF800  }
0x58: {  	s9 =	sadd.s32 $0x6200, s8;
	[bflag:$0x0] =	sbarrier.arrive $0xFFFF  }
0x59: {  	s13 =	simm.s32 $0x0;
	s11 =	simm.s32 $0x0;
	v3 =	vmov s8;
	v4 =	vmov s9  }
.LBB2_10:
0x5a: {  	[tilespmem:$0x3040] =	vst @!p3 v5  }
0x5b: {  	v5 =	vld @!p3 [tilespmem:s15+$0xB0];
	_ =	sdelay $0x4  }
0x5c: {  	v6 =	vshrl.u32 @!p3 v5, $0xF  }
0x5d: {  	v5 =	vand.u32 @!p3 $0x7FFF, v5;
	[tilespmem:$0x2FD0] =	vst @!p3 v6  }
0x5e: {  	[tilespmem:$0x3050] =	vst @!p3 v5  }
0x5f: {  	[tilespmem:s9], [sflag:$0x1] =	stream.indirect.gather @!p3 [hbm4b:s4+s23], $0x40, s24, s23, $0xb8;
	[tilespmem:$0x1F960] =	vst v63  }
0x60: {  	_ =	swait.ge @!p1 [sflag:s22], $0x2000  }
0x61: {  	[sflag:s22] =	ssyncset.done @!p1 $0x0  }
0x62: {  	[sflag:s22] =	ssyncadd.s32 @!p1 $0xFFFFE000  }
0x63: {  	[spmem:s1] =	stream.indirect.scatter.add.f32 @!p1 [tilespmem:s20], [sflag:$0x3], $0x40, s10, s19, $0xb8;
	[tilespmem:$0x1F960] =	vst v63  }
0x64: {  	_ =	swait.ge @!p1 [sflag:s21], $0x2000  }
0x65: {  	[sflag:s21] =	ssyncset.done @!p1 $0x0  }
0x66: {  	[sflag:s21] =	ssyncadd.s32 @!p1 $0xFFFFE000  }
.LBB2_11:
0x67: {  	s13 =	sadd.s32 $0x1, s13  }
0x68: {  	p1 =	sne.s32 s13, $0x19  }
.Ltmp2:
0x69: {  	_ = 	snop;
	(pc) =	sbr.rel @!p1 .LBB2_12-.Ltmp2, $1  }
0x6a: {  	_ =	sdelay $0x3  }
.LBB2_5:
0x6b: {  	s9 =	smul.u32 $0xFA0, s13;
	_ =	sdelay $0x1  }
0x6c: {  	s9 =	sadd.s32 s6, s9  }
0x6d: {  	s9 =	sshrl.u32 s9, $0x3  }
0x6e: {  	s9 =	sadd.s32 s5, s9  }
0x6f: {  	[tilespmem:s11], [sflag:$0x3] =	stream.strided.gather [hbm4b:s9+s28], $0x1F40, s29, s28, $0x38;
	[tilespmem:$0x1F960] =	vst v63  }
0x70: {  	_ =	swait.ge [sflag:s26], $0x1F40  }
0x71: {  	[sflag:s26] =	ssyncset.done $0x0  }
0x72: {  	s24 =	simm.s32 $0x0;
	[sflag:s26] =	ssyncadd.s32 $0xFFFFE0C0  }
0x73: {  	v5 =	vld [tilespmem:s24+$0xFA0];
	_ =	sdelay $0x4  }
0x74: {  	vm0 =	vge.s32 v5, v3;
	vm1 =	vlt.s32 v5, v4  }
0x75: {  	vm0 =	vmand vm0, vm1  }
0x76: {  	v6 =	vmpcnt.ones.xlane vm0;
	_ =	sdelay $0x1  }
0x77: {  	(v2sf) =	vpush v6, $0x0;
	v6 =	vsel vm0, $0x1, v1  }
0x78: {  	(xrf0) =	vadd.scan.msk.s32 $0xffff, v6;
	_ =	sdelay $0x2  }
0x79: {  	v6 =	vmov s11  }
0x7a: {  	v6 =	vadd.s32 $0xFFFFFFFF, v6  }
0x7b: {  	v7 =	vld [tilespmem:s24+$0x0];
	v6 =	vbroadcast v6, $0x0  }
0x7c: {  	v8, _, _ =	vpop (xrf0)  }
0x7d: {  	v6 =	vadd.s32 v8, v6;
	_ =	sdelay $0x1  }
0x7e: {  	v5 =	vsub.s32 v5, v3  }
0x7f: {  	v7 =	vshll.u32 v7, $0xF;
	v5 =	vand.u32 $0x7FFF, v5  }
0x80: {  	v5 =	vor.u32 v7, v5  }
0x81: {  	s9 =	simm.s32 $0x10;
	[tilespmem:v6+s30+$0x0] =	vst.idx.msk vm0, v5  }
0x82: {  	v5 =	vld [tilespmem:s9+$0xFA0];
	_ =	sdelay $0x1  }
0x83: {  	s10 =	simm.s32 $0x80;
	s14 =	simm.s32 $0x0;
	s15 =	spop (v2sf)  }
.LBB2_6:
0x84: {  	p1 =	sne.s32 s10, $0x3E40  }
0x85: {  	s14 =	sadd.s32 s14, s15;
	s15 =	smov.u32 s10;
	s10 =	sadd.s32 $0x40, s10  }
0x86: {  	vm0 =	vge.s32 v5, v3;
	vm1 =	vlt.s32 v5, v4;
	v6 =	vmov s14  }
0x87: {  	v5 =	vsub.s32 v5, v3;
	vm0 =	vmand vm0, vm1;
	v6 =	vadd.s32 $0xFFFFFFFF, v6  }
0x88: {  	v5 =	vand.u32 $0x7FFF, v5;
	v7 =	vsel vm0, $0x1, v1;
	v8 =	vmpcnt.ones.xlane vm0  }
0x89: {  	(xrf0) =	vadd.scan.msk.s32 $0xffff, v7  }
0x8a: {  	(v2sf) =	vpush v8, $0x0;
	_ =	sdelay $0x3  }
0x8b: {  	v6 =	vbroadcast v6, $0x0;
	v7 =	vld [tilespmem:s9+$0x0]  }
0x8c: {  	v8, _, _ =	vpop (xrf0)  }
0x8d: {  	v6 =	vadd.s32 v8, v6;
	_ =	sdelay $0x2  }
0x8e: {  	v7 =	vshll.u32 v7, $0xF  }
0x8f: {  	v5 =	vor.u32 v7, v5  }
.Ltmp3:
0x90: {  	s9 =	sshra.s32 s15, $0x2;
	[tilespmem:v6+s30+$0x0] =	vst.idx.msk vm0, v5;
	(pc) =	sbr.rel @p1 .LBB2_6-.Ltmp3, $2  }
0x91: {  	v5 =	vld [tilespmem:s9+$0xFA0];
	_ =	sdelay $0x2  }
0x92: {  	s15 =	spop (v2sf)  }
0x93: {  	_ = 	snop  }
0x94: {  	vm0 =	vge.s32 v5, v3;
	vm1 =	vlt.s32 v5, v4  }
0x95: {  	vm0 =	vmand vm0, vm1  }
0x96: {  	v6 =	vmpcnt.ones.xlane vm0;
	_ =	sdelay $0x1  }
0x97: {  	(v2sf) =	vpush v6, $0x0;
	_ =	sdelay $0x2  }
0x98: {  	v6 =	vsel vm0, $0x1, v1  }
0x99: {  	(xrf0) =	vadd.scan.msk.s32 $0xffff, v6;
	_ =	sdelay $0x1  }
0x9a: {  	s10 =	sadd.s32 s14, s15  }
0x9b: {  	v6 =	vmov s10  }
0x9c: {  	v6 =	vadd.s32 $0xFFFFFFFF, v6  }
0x9d: {  	v7 =	vld [tilespmem:s9+$0x0];
	v6 =	vbroadcast v6, $0x0  }
0x9e: {  	v8, _, _ =	vpop (xrf0)  }
0x9f: {  	v6 =	vadd.s32 v8, v6;
	_ =	sdelay $0x1  }
0xa0: {  	v5 =	vsub.s32 v5, v3  }
0xa1: {  	v5 =	vand.u32 $0x7FFF, v5;
	v7 =	vshll.u32 v7, $0xF  }
0xa2: {  	v5 =	vor.u32 v7, v5;
	s18 =	spop (v2sf)  }
0xa3: {  	[tilespmem:v6+s30+$0x0] =	vst.idx.msk vm0, v5;
	s9 =	sadd.s32 s10, s18  }
0xa4: {  	[tilespmem:s9+$0x1F40] =	vst v2;
	s10 =	sadd.s32 $0x7F, s9  }
0xa5: {  	[tilespmem:s9+$0x1F50] =	vst v2;
	s19 =	sand.u32 $0x7F, s10  }
0xa6: {  	[tilespmem:s9+$0x1F60] =	vst v2;
	s20 =	sshra.s32 s10, $0x1F;
	p1 =	slt.s32 s10, $0x1;
	p2 =	sne.s32 s19, $0x0  }
0xa7: {  	[tilespmem:s9+$0x1F70] =	vst v2;
	s21 =	sshrl.u32 s20, $0x19;
	p1 =	por !p1, !p2  }
0xa8: {  	s14 =	simm.s32 $0x1;
	[tilespmem:s9+$0x1F80] =	vst v2;
	s10 =	sadd.s32 s21, s10;
	p1 =	por !p1, !p1  }
0xa9: {  	[tilespmem:s9+$0x1F90] =	vst v2;
	s10 =	sshra.s32 s10, $0x7;
	s14 =	simm.s32 @!p1 $0x0  }
0xaa: {  	[tilespmem:s9+$0x1FA0] =	vst v2;
	s14 =	ssub.s32 s10, s14  }
0xab: {  	[tilespmem:s9+$0x1FB0] =	vst v2;
	p1 =	slt.s32 s14, $0x1  }
0xac: {  	v5 =	vld @!p1 [tilespmem:$0x1F40];
	_ =	sdelay $0x1  }
0xad: {  	v6 =	vld @!p1 [tilespmem:$0x1F50];
	_ =	sdelay $0x1  }
0xae: {  	v7 =	vld @!p1 [tilespmem:$0x1F60]  }
0xaf: {  	v8 =	vshrl.u32 @!p1 v5, $0xF  }
0xb0: {  	v5 =	vand.u32 @!p1 $0x7FFF, v5;
	[tilespmem:$0x2F60] =	vst @!p1 v8;
	v8 =	vld @!p1 [tilespmem:$0x1F70]  }
0xb1: {  	[tilespmem:$0x2FE0] =	vst @!p1 v5;
	v5 =	vshrl.u32 @!p1 v6, $0xF  }
0xb2: {  	[tilespmem:$0x2F70] =	vst @!p1 v5;
	v5 =	vand.u32 @!p1 $0x7FFF, v6;
	v6 =	vld @!p1 [tilespmem:$0x1F80]  }
0xb3: {  	[tilespmem:$0x2FF0] =	vst @!p1 v5;
	v5 =	vshrl.u32 @!p1 v7, $0xF  }
0xb4: {  	[tilespmem:$0x2F80] =	vst @!p1 v5;
	v5 =	vand.u32 @!p1 $0x7FFF, v7;
	v7 =	vld @!p1 [tilespmem:$0x1F90]  }
0xb5: {  	[tilespmem:$0x3000] =	vst @!p1 v5;
	v5 =	vshrl.u32 @!p1 v8, $0xF  }
0xb6: {  	[tilespmem:$0x2F90] =	vst @!p1 v5;
	v5 =	vand.u32 @!p1 $0x7FFF, v8;
	v8 =	vld @!p1 [tilespmem:$0x1FA0]  }
0xb7: {  	[tilespmem:$0x3010] =	vst @!p1 v5;
	v5 =	vshrl.u32 @!p1 v6, $0xF  }
0xb8: {  	[tilespmem:$0x2FA0] =	vst @!p1 v5;
	v5 =	vand.u32 @!p1 $0x7FFF, v6;
	v6 =	vld @!p1 [tilespmem:$0x1FB0]  }
0xb9: {  	[tilespmem:$0x3020] =	vst @!p1 v5;
	v5 =	vshrl.u32 @!p1 v7, $0xF  }
0xba: {  	[tilespmem:$0x2FB0] =	vst @!p1 v5;
	v5 =	vand.u32 @!p1 $0x7FFF, v7  }
0xbb: {  	[tilespmem:$0x3030] =	vst @!p1 v5;
	v5 =	vshrl.u32 @!p1 v8, $0xF  }
0xbc: {  	[tilespmem:$0x2FC0] =	vst @!p1 v5;
	v5 =	vand.u32 @!p1 $0x7FFF, v8  }
0xbd: {  	s22 =	sadd.s32 $0x1, s14;
	[tilespmem:$0x3040] =	vst @!p1 v5;
	v5 =	vshrl.u32 @!p1 v6, $0xF  }
0xbe: {  	p5 =	slt.s32 s14, $0x0;
	s9 =	simm.s32 @!p1 $0x80;
	s23 =	sand.u32 $0x1, s22;
	[tilespmem:$0x2FD0] =	vst @!p1 v5;
	v5 =	vand.u32 @!p1 $0x7FFF, v6  }
0xbf: {  	s10 =	simm.s32 @!p1 $0x2F60;
	s15 =	simm.s32 @!p1 $0x3160;
	p6 =	seq.s32 s23, $0x1;
	[tilespmem:$0x3050] =	vst @!p1 v5  }
0xc0: {  	[tilespmem:s15], [sflag:$0x1] =	stream.indirect.gather @!p1 [hbm4b:s4+s9], $0x40, s10, s9, $0xb8;
	[tilespmem:$0x1F960] =	vst v63  }
0xc1: {  	s24 =	sshrl.u32 s22, $0x1F;
	p1 =	por !p5, !p6  }
0xc2: {  	s9 =	sadd.s32 s24, s22;
	s10 =	simm.s32 $0x1;
	p1 =	por !p1, !p1  }
0xc3: {  	s9 =	sshra.s32 s9, $0x1;
	s10 =	simm.s32 @!p1 $0x0  }
0xc4: {  	s16 =	ssub.s32 s9, s10  }
0xc5: {  	p1 =	slt.s32 s16, $0x1  }
.Ltmp4:
0xc6: {  	_ = 	snop;
	(pc) =	sbr.rel @p1 .LBB2_11-.Ltmp4, $1  }
0xc7: {  	_ =	sdelay $0x3  }
0xc8: {  	s15 =	simm.s32 $0x2000;
	p1 =	sle.s32 s14, $0x1  }
0xc9: {  	v5 =	vld @!p1 [tilespmem:s15+$0xFFFFFFC0];
	_ =	sdelay $0x4  }
0xca: {  	v6 =	vshrl.u32 @!p1 v5, $0xF  }
0xcb: {  	v5 =	vand.u32 @!p1 $0x7FFF, v5;
	[tilespmem:$0x3060] =	vst @!p1 v6  }
0xcc: {  	[tilespmem:$0x30E0] =	vst @!p1 v5  }
0xcd: {  	v5 =	vld @!p1 [tilespmem:s15+$0xFFFFFFD0];
	_ =	sdelay $0x4  }
0xce: {  	v6 =	vshrl.u32 @!p1 v5, $0xF  }
0xcf: {  	v5 =	vand.u32 @!p1 $0x7FFF, v5;
	[tilespmem:$0x3070] =	vst @!p1 v6  }
0xd0: {  	[tilespmem:$0x30F0] =	vst @!p1 v5  }
0xd1: {  	v5 =	vld @!p1 [tilespmem:s15+$0xFFFFFFE0];
	_ =	sdelay $0x4  }
0xd2: {  	v6 =	vshrl.u32 @!p1 v5, $0xF  }
0xd3: {  	v5 =	vand.u32 @!p1 $0x7FFF, v5;
	[tilespmem:$0x3080] =	vst @!p1 v6  }
0xd4: {  	[tilespmem:$0x3100] =	vst @!p1 v5  }
0xd5: {  	v5 =	vld @!p1 [tilespmem:s15+$0xFFFFFFF0];
	_ =	sdelay $0x4  }
0xd6: {  	v6 =	vshrl.u32 @!p1 v5, $0xF  }
0xd7: {  	v5 =	vand.u32 @!p1 $0x7FFF, v5;
	[tilespmem:$0x3090] =	vst @!p1 v6  }
0xd8: {  	[tilespmem:$0x3110] =	vst @!p1 v5  }
0xd9: {  	v5 =	vld @!p1 [tilespmem:s15+$0x0];
	_ =	sdelay $0x4  }
0xda: {  	v6 =	vshrl.u32 @!p1 v5, $0xF  }
0xdb: {  	v5 =	vand.u32 @!p1 $0x7FFF, v5;
	[tilespmem:$0x30A0] =	vst @!p1 v6  }
0xdc: {  	[tilespmem:$0x3120] =	vst @!p1 v5  }
0xdd: {  	v5 =	vld @!p1 [tilespmem:s15+$0x10];
	_ =	sdelay $0x4  }
0xde: {  	v6 =	vshrl.u32 @!p1 v5, $0xF  }
0xdf: {  	v5 =	vand.u32 @!p1 $0x7FFF, v5;
	[tilespmem:$0x30B0] =	vst @!p1 v6  }
0xe0: {  	[tilespmem:$0x3130] =	vst @!p1 v5  }
0xe1: {  	v5 =	vld @!p1 [tilespmem:s15+$0x20];
	_ =	sdelay $0x4  }
0xe2: {  	v6 =	vshrl.u32 @!p1 v5, $0xF  }
0xe3: {  	v5 =	vand.u32 @!p1 $0x7FFF, v5;
	[tilespmem:$0x30C0] =	vst @!p1 v6  }
0xe4: {  	[tilespmem:$0x3140] =	vst @!p1 v5  }
0xe5: {  	v5 =	vld @!p1 [tilespmem:s15+$0x30];
	_ =	sdelay $0x4  }
0xe6: {  	v6 =	vshrl.u32 @!p1 v5, $0xF  }
0xe7: {  	v5 =	vand.u32 @!p1 $0x7FFF, v5;
	[tilespmem:$0x30D0] =	vst @!p1 v6  }
0xe8: {  	s19 =	simm.s32 @!p1 $0x80;
	s9 =	simm.s32 @!p1 $0x3060;
	s20 =	simm.s32 @!p1 $0x5160;
	[tilespmem:$0x3150] =	vst @!p1 v5  }
0xe9: {  	[tilespmem:s20], [sflag:$0x2] =	stream.indirect.gather @!p1 [hbm4b:s4+s19], $0x40, s9, s19, $0xb8;
	[tilespmem:$0x1F960] =	vst v63  }
0xea: {  	_ =	swait.ge [sflag:s31], $0x2000  }
0xeb: {  	[sflag:s31] =	ssyncset.done $0x0  }
0xec: {  	[sflag:s31] =	ssyncadd.s32 $0xFFFFE000  }
0xed: {  	[spmem:s1] =	stream.indirect.scatter.add.f32 [tilespmem:s25], [sflag:$0x4], $0x40, s3, s0, $0xb8;
	[tilespmem:$0x1F960] =	vst v63  }
0xee: {  	_ =	swait.ge [sflag:s12], $0x2000  }
0xef: {  	[sflag:s12] =	ssyncset.done $0x0  }
0xf0: {  	p3 =	sle.s32 s14, $0x2;
	[sflag:s12] =	ssyncadd.s32 $0xFFFFE000  }
0xf1: {  	v5 =	vld @!p3 [tilespmem:s15+$0x40];
	_ =	sdelay $0x4  }
0xf2: {  	v6 =	vshrl.u32 @!p3 v5, $0xF  }
0xf3: {  	v5 =	vand.u32 @!p3 $0x7FFF, v5;
	[tilespmem:$0x2F60] =	vst @!p3 v6  }
0xf4: {  	[tilespmem:$0x2FE0] =	vst @!p3 v5  }
0xf5: {  	v5 =	vld @!p3 [tilespmem:s15+$0x50];
	_ =	sdelay $0x4  }
0xf6: {  	v6 =	vshrl.u32 @!p3 v5, $0xF  }
0xf7: {  	v5 =	vand.u32 @!p3 $0x7FFF, v5;
	[tilespmem:$0x2F70] =	vst @!p3 v6  }
0xf8: {  	[tilespmem:$0x2FF0] =	vst @!p3 v5  }
0xf9: {  	v5 =	vld @!p3 [tilespmem:s15+$0x60];
	_ =	sdelay $0x4  }
0xfa: {  	v6 =	vshrl.u32 @!p3 v5, $0xF  }
0xfb: {  	v5 =	vand.u32 @!p3 $0x7FFF, v5;
	[tilespmem:$0x2F80] =	vst @!p3 v6  }
0xfc: {  	[tilespmem:$0x3000] =	vst @!p3 v5  }
0xfd: {  	v5 =	vld @!p3 [tilespmem:s15+$0x70];
	_ =	sdelay $0x4  }
0xfe: {  	v6 =	vshrl.u32 @!p3 v5, $0xF  }
0xff: {  	v5 =	vand.u32 @!p3 $0x7FFF, v5;
	[tilespmem:$0x2F90] =	vst @!p3 v6  }
0x100: {  	[tilespmem:$0x3010] =	vst @!p3 v5  }
0x101: {  	v5 =	vld @!p3 [tilespmem:s15+$0x80];
	_ =	sdelay $0x4  }
0x102: {  	v6 =	vshrl.u32 @!p3 v5, $0xF  }
0x103: {  	v5 =	vand.u32 @!p3 $0x7FFF, v5;
	[tilespmem:$0x2FA0] =	vst @!p3 v6  }
0x104: {  	[tilespmem:$0x3020] =	vst @!p3 v5  }
0x105: {  	v5 =	vld @!p3 [tilespmem:s15+$0x90];
	_ =	sdelay $0x4  }
0x106: {  	v6 =	vshrl.u32 @!p3 v5, $0xF  }
0x107: {  	v5 =	vand.u32 @!p3 $0x7FFF, v5;
	[tilespmem:$0x2FB0] =	vst @!p3 v6  }
0x108: {  	[tilespmem:$0x3030] =	vst @!p3 v5  }
0x109: {  	s16 =	sadd.s32 $0xFFFFFFFF, s16;
	v5 =	vld @!p3 [tilespmem:s15+$0xA0]  }
0x10a: {  	p2 =	sne.s32 s16, $0x0  }
.Ltmp5:
0x10b: {  	_ = 	snop;
	(pc) =	sbr.rel @!p2 .LBB2_10-.Ltmp5, $4  }
0x10c: {  	_ = 	snop  }
0x10d: {  	s17 =	simm.s32 $0x2;
	s18 =	simm.s32 $0x2000  }
0x10e: {  	s23 =	simm.s32 @!p3 $0x80;
	s24 =	simm.s32 @!p3 $0x2F60;
	s22 =	simm.s32 @!p1 $0x2;
	v6 =	vshrl.u32 @!p3 v5, $0xF  }
0x10f: {  	s10 =	simm.s32 @!p1 $0x30E0;
	s21 =	simm.s32 @!p1 $0x3;
	s9 =	simm.s32 @!p3 $0x3160;
	v5 =	vand.u32 @!p3 $0x7FFF, v5;
	[tilespmem:$0x2FC0] =	vst @!p3 v6  }
.LBB2_9:
0x110: {  	s16 =	sadd.s32 $0xFFFFFFFF, s16;
	[tilespmem:$0x3040] =	vst @!p3 v5;
	s17 =	sadd.s32 $0x2, s17;
	s18 =	sadd.s32 $0x100, s18  }
0x111: {  	p2 =	sne.s32 s16, $0x0;
	v5 =	vld @!p3 [tilespmem:s15+$0xB0];
	s15 =	smov.u32 s18;
	_ =	sdelay $0x4  }
0x112: {  	v6 =	vshrl.u32 @!p3 v5, $0xF;
	v5 =	vand.u32 @!p3 $0x7FFF, v5  }
0x113: {  	[tilespmem:$0x2FD0] =	vst @!p3 v6  }
0x114: {  	[tilespmem:$0x3050] =	vst @!p3 v5  }
0x115: {  	[tilespmem:s9], [sflag:$0x1] =	stream.indirect.gather @!p3 [hbm4b:s4+s23], $0x40, s24, s23, $0xb8;
	[tilespmem:$0x1F960] =	vst v63  }
0x116: {  	_ =	swait.ge @!p1 [sflag:s22], $0x2000  }
0x117: {  	[sflag:s22] =	ssyncset.done @!p1 $0x0  }
0x118: {  	[sflag:s22] =	ssyncadd.s32 @!p1 $0xFFFFE000  }
0x119: {  	[spmem:s1] =	stream.indirect.scatter.add.f32 @!p1 [tilespmem:s20], [sflag:$0x3], $0x40, s10, s19, $0xb8;
	[tilespmem:$0x1F960] =	vst v63  }
0x11a: {  	_ =	swait.ge @!p1 [sflag:s21], $0x2000  }
0x11b: {  	s9 =	sadd.s32 $0xFFFFFFFF, s17;
	[sflag:s21] =	ssyncset.done @!p1 $0x0  }
0x11c: {  	[sflag:s21] =	ssyncadd.s32 @!p1 $0xFFFFE000;
	p1 =	sge.s32 s9, s14  }
0x11d: {  	v5 =	vld @!p1 [tilespmem:s18+$0xFFFFFFC0];
	_ =	sdelay $0x4  }
0x11e: {  	v6 =	vshrl.u32 @!p1 v5, $0xF;
	v5 =	vand.u32 @!p1 $0x7FFF, v5  }
0x11f: {  	[tilespmem:$0x3060] =	vst @!p1 v6  }
0x120: {  	[tilespmem:$0x30E0] =	vst @!p1 v5  }
0x121: {  	v5 =	vld @!p1 [tilespmem:s18+$0xFFFFFFD0];
	_ =	sdelay $0x4  }
0x122: {  	v6 =	vshrl.u32 @!p1 v5, $0xF;
	v5 =	vand.u32 @!p1 $0x7FFF, v5  }
0x123: {  	[tilespmem:$0x3070] =	vst @!p1 v6  }
0x124: {  	[tilespmem:$0x30F0] =	vst @!p1 v5  }
0x125: {  	v5 =	vld @!p1 [tilespmem:s18+$0xFFFFFFE0];
	_ =	sdelay $0x4  }
0x126: {  	v6 =	vshrl.u32 @!p1 v5, $0xF;
	v5 =	vand.u32 @!p1 $0x7FFF, v5  }
0x127: {  	[tilespmem:$0x3080] =	vst @!p1 v6  }
0x128: {  	[tilespmem:$0x3100] =	vst @!p1 v5  }
0x129: {  	v5 =	vld @!p1 [tilespmem:s18+$0xFFFFFFF0];
	_ =	sdelay $0x4  }
0x12a: {  	v6 =	vshrl.u32 @!p1 v5, $0xF;
	v5 =	vand.u32 @!p1 $0x7FFF, v5  }
0x12b: {  	[tilespmem:$0x3090] =	vst @!p1 v6  }
0x12c: {  	[tilespmem:$0x3110] =	vst @!p1 v5  }
0x12d: {  	v5 =	vld @!p1 [tilespmem:s18+$0x0];
	_ =	sdelay $0x4  }
0x12e: {  	v6 =	vshrl.u32 @!p1 v5, $0xF;
	v5 =	vand.u32 @!p1 $0x7FFF, v5  }
0x12f: {  	[tilespmem:$0x30A0] =	vst @!p1 v6  }
0x130: {  	[tilespmem:$0x3120] =	vst @!p1 v5  }
0x131: {  	v5 =	vld @!p1 [tilespmem:s18+$0x10];
	_ =	sdelay $0x4  }
0x132: {  	v6 =	vshrl.u32 @!p1 v5, $0xF;
	v5 =	vand.u32 @!p1 $0x7FFF, v5  }
0x133: {  	[tilespmem:$0x30B0] =	vst @!p1 v6  }
0x134: {  	[tilespmem:$0x3130] =	vst @!p1 v5  }
0x135: {  	v5 =	vld @!p1 [tilespmem:s18+$0x20];
	_ =	sdelay $0x4  }
0x136: {  	v6 =	vshrl.u32 @!p1 v5, $0xF;
	v5 =	vand.u32 @!p1 $0x7FFF, v5  }
0x137: {  	[tilespmem:$0x30C0] =	vst @!p1 v6  }
0x138: {  	s19 =	simm.s32 @!p1 $0x80;
	s9 =	simm.s32 @!p1 $0x3060;
	s20 =	simm.s32 @!p1 $0x5160;
	[tilespmem:$0x3140] =	vst @!p1 v5  }
0x139: {  	v5 =	vld @!p1 [tilespmem:s18+$0x30];
	_ =	sdelay $0x4  }
0x13a: {  	v6 =	vshrl.u32 @!p1 v5, $0xF;
	v5 =	vand.u32 @!p1 $0x7FFF, v5  }
0x13b: {  	[tilespmem:$0x30D0] =	vst @!p1 v6  }
0x13c: {  	[tilespmem:$0x3150] =	vst @!p1 v5  }
0x13d: {  	[tilespmem:s20], [sflag:$0x2] =	stream.indirect.gather @!p1 [hbm4b:s4+s19], $0x40, s9, s19, $0xb8;
	[tilespmem:$0x1F960] =	vst v63  }
0x13e: {  	_ =	swait.ge [sflag:s31], $0x2000  }
0x13f: {  	[sflag:s31] =	ssyncset.done $0x0  }
0x140: {  	[sflag:s31] =	ssyncadd.s32 $0xFFFFE000  }
0x141: {  	[spmem:s1] =	stream.indirect.scatter.add.f32 [tilespmem:s25], [sflag:$0x4], $0x40, s3, s0, $0xb8;
	[tilespmem:$0x1F960] =	vst v63  }
0x142: {  	_ =	swait.ge [sflag:s12], $0x2000  }
0x143: {  	[sflag:s12] =	ssyncset.done $0x0  }
0x144: {  	p3 =	sge.s32 s17, s14;
	[sflag:s12] =	ssyncadd.s32 $0xFFFFE000  }
0x145: {  	v5 =	vld @!p3 [tilespmem:s18+$0x40];
	_ =	sdelay $0x4  }
0x146: {  	v6 =	vshrl.u32 @!p3 v5, $0xF;
	v5 =	vand.u32 @!p3 $0x7FFF, v5  }
0x147: {  	[tilespmem:$0x2F60] =	vst @!p3 v6  }
0x148: {  	[tilespmem:$0x2FE0] =	vst @!p3 v5  }
0x149: {  	v5 =	vld @!p3 [tilespmem:s18+$0x50];
	_ =	sdelay $0x4  }
0x14a: {  	v6 =	vshrl.u32 @!p3 v5, $0xF;
	v5 =	vand.u32 @!p3 $0x7FFF, v5  }
0x14b: {  	[tilespmem:$0x2F70] =	vst @!p3 v6  }
0x14c: {  	[tilespmem:$0x2FF0] =	vst @!p3 v5  }
0x14d: {  	v5 =	vld @!p3 [tilespmem:s18+$0x60];
	_ =	sdelay $0x4  }
0x14e: {  	v6 =	vshrl.u32 @!p3 v5, $0xF;
	v5 =	vand.u32 @!p3 $0x7FFF, v5  }
0x14f: {  	[tilespmem:$0x2F80] =	vst @!p3 v6  }
0x150: {  	[tilespmem:$0x3000] =	vst @!p3 v5  }
0x151: {  	v5 =	vld @!p3 [tilespmem:s18+$0x70];
	_ =	sdelay $0x4  }
0x152: {  	v6 =	vshrl.u32 @!p3 v5, $0xF;
	v5 =	vand.u32 @!p3 $0x7FFF, v5  }
0x153: {  	[tilespmem:$0x2F90] =	vst @!p3 v6  }
0x154: {  	[tilespmem:$0x3010] =	vst @!p3 v5  }
0x155: {  	v5 =	vld @!p3 [tilespmem:s18+$0x80];
	_ =	sdelay $0x4  }
0x156: {  	v6 =	vshrl.u32 @!p3 v5, $0xF;
	v5 =	vand.u32 @!p3 $0x7FFF, v5  }
0x157: {  	[tilespmem:$0x2FA0] =	vst @!p3 v6  }
0x158: {  	[tilespmem:$0x3020] =	vst @!p3 v5  }
0x159: {  	v5 =	vld @!p3 [tilespmem:s18+$0x90];
	_ =	sdelay $0x4  }
0x15a: {  	v6 =	vshrl.u32 @!p3 v5, $0xF;
	v5 =	vand.u32 @!p3 $0x7FFF, v5  }
0x15b: {  	[tilespmem:$0x2FB0] =	vst @!p3 v6  }
0x15c: {  	s23 =	simm.s32 @!p3 $0x80;
	s24 =	simm.s32 @!p3 $0x2F60;
	s9 =	simm.s32 @!p3 $0x3160;
	[tilespmem:$0x3030] =	vst @!p3 v5  }
0x15d: {  	s22 =	simm.s32 @!p1 $0x2;
	v5 =	vld @!p3 [tilespmem:s18+$0xA0];
	_ =	sdelay $0x1  }
.Ltmp6:
0x15e: {  	(pc) =	sbr.rel @p2 .LBB2_9-.Ltmp6, $4  }
0x15f: {  	s10 =	simm.s32 @!p1 $0x30E0  }
0x160: {  	s21 =	simm.s32 @!p1 $0x3  }
0x161: {  	v6 =	vshrl.u32 @!p3 v5, $0xF;
	v5 =	vand.u32 @!p3 $0x7FFF, v5  }
0x162: {  	[tilespmem:$0x2FC0] =	vst @!p3 v6  }
.Ltmp7:
0x163: {  	_ = 	snop;
	(pc) =	sbr.rel .LBB2_10-.Ltmp7, $1  }
0x164: {  	_ =	sdelay $0x3  }
.LBB2_12:
0x165: {  	[bflag:$0x0] =	sbarrier.arrive $0xFFFF  }
0x166: {  	s13 =	rddreg [dreg:$0x5]  }
0x167: {  	[tilespmem:s25], [sflag:$0x3] =	stream.linear.gather [spmem:s13], $0x2000, $0x38;
	[tilespmem:$0x1F960] =	vst v63  }
0x168: {  	s7 =	smul.u32 $0x31000, s7;
	_ =	swait.ge [sflag:s26], $0x2000  }
0x169: {  	s9 =	rddreg [dreg:$0x14]  }
0x16a: {  	[sflag:s26] =	ssyncset.done $0x0;
	s7 =	sadd.s32 s7, s9  }
0x16b: {  	[sflag:s26] =	ssyncadd.s32 $0xFFFFE000;
	s9 =	sadd.s32 $0x0, s7  }
0x16c: {  	[hbm4b:s9+s2] =	stream.linear.scatter [tilespmem:s25], [sflag:$0x3], $0x2000, $0x38;
	[tilespmem:$0x1F960] =	vst v63  }
0x16d: {  	_ =	swait.ge [sflag:s26], $0x2000  }
0x16e: {  	s10 =	smov.u32 s13;
	s24 =	rddreg [dreg:$0x3]  }
0x16f: {  	s9 =	simm.s32 $0x400;
	[sflag:s26] =	ssyncset.done $0x0;
	s8 =	sadd.s32 s24, s8  }
.LBB2_13:
0x170: {  	p1 =	sne.s32 s9, $0x2C00;
	[sflag:s26] =	ssyncadd.s32 $0xFFFFE000;
	s10 =	sadd.s32 $0x2000, s10  }
0x171: {  	[tilespmem:s25], [sflag:$0x3] =	stream.linear.gather [spmem:s10], $0x2000, $0x38;
	[tilespmem:$0x1F960] =	vst v63  }
0x172: {  	s11 =	smov.u32 s9;
	s9 =	sadd.s32 $0x400, s9;
	_ =	swait.ge [sflag:s26], $0x2000  }
.Ltmp8:
0x173: {  	[sflag:s26] =	ssyncset.done $0x0;
	(pc) =	sbr.rel @p1 .LBB2_13-.Ltmp8, $4  }
0x174: {  	s11 =	sadd.s32 s11, s7;
	[sflag:s26] =	ssyncadd.s32 $0xFFFFE000  }
0x175: {  	[hbm4b:s11+s2] =	stream.linear.scatter [tilespmem:s25], [sflag:$0x3], $0x2000, $0x38;
	[tilespmem:$0x1F960] =	vst v63  }
0x176: {  	_ =	swait.ge [sflag:s26], $0x2000  }
0x177: {  	[sflag:s26] =	ssyncset.done $0x0  }
0x178: {  	[sflag:s26] =	ssyncadd.s32 $0xFFFFE000;
	s11 =	rddreg [dreg:$0x6]  }
0x179: {  	[tilespmem:s25], [sflag:$0x3] =	stream.linear.gather [spmem:s11], $0x800, $0x38;
	[tilespmem:$0x1F960] =	vst v63  }
0x17a: {  	_ =	swait.ge [sflag:s26], $0x800  }
0x17b: {  	s7 =	sshll.u32 s8, $0x3;
	[sflag:s26] =	ssyncset.done $0x0;
	s24 =	rddreg [dreg:$0x7]  }
0x17c: {  	[sflag:s26] =	ssyncadd.s32 $0xFFFFF800;
	s7 =	sadd.s32 s7, s24  }
0x17d: {  	[hbm4b:s7+s2] =	stream.linear.scatter [tilespmem:s25], [sflag:$0x3], $0x800, $0x38;
	[tilespmem:$0x1F960] =	vst v63  }
.Ltmp9:
0x17e: {  	_ =	swait.ge [sflag:s26], $0x800;
	(pc) =	sbr.rel @p0 .LBB2_2-.Ltmp9, $4  }
0x17f: {  	[sflag:s26] =	ssyncset.done $0x0  }
0x180: {  	[sflag:s26] =	ssyncadd.s32 $0xFFFFF800  }
0x181: {  	[bflag:$0x0] =	sbarrier.arrive $0xFFFF  }
0x182: {  	p1 =	por $0x0, $0x0;
	s7 =	simm.s32 $0x1  }
0x183: {  	s8 =	rddreg [dreg:$0x15]  }
0x184: {  	s7 =	rddreg [dreg:$0x8];
	s8 =	sadd.s32 $0x1, s8  }
0x185: {  	p0 =	sne.s32 s8, s7  }
.Ltmp10:
0x186: {  	_ = 	snop;
	(pc) =	sbr.rel @p0 .LBB2_1-.Ltmp10, $1  }
0x187: {  	_ =	sdelay $0x3  }
0x188: {  	_ =	sfence.sel $0x180000  }
0x189: {  	[bflag:$0x0] =	sbarrier.arrive $0xFFFF  }
0x18a: {  	_ =	strace $0x90000047  }
0x18b: {  	s0 =	stileid.u32;
	[bflag:$0x2] =	sbarrier.arrive $0xFFFF  }
0x18c: {  	p0 =	sne.s32 s0, $0x0;
	s0 =	rddreg [dreg:$0x2]  }
0x18d: {  	s0 =	sadd.s32 @!p0 $0x100000, s0  }
0x18e: {  	[sflag:s0] =	ssyncadd.tile.s32 @!p0 $0x1;
	_ =	shalt  }
.Lfunc_end2:
_tile_overlayer_lowered:
.L_overlay_start_2:
0x18f: {  	(tag) =	ssettag $0x2  }
0x190: {  	s0 =	rddreg [dreg:$0x0];
	s2 =	stileid.u32  }
0x191: {  	s1 =	rddreg [dreg:$0x1];
	p0 =	sne.s32 s2, $0x0  }
0x192: {  	s3 =	rddreg [dreg:$0x2];
	[bflag:$0x3] =	sbarrier.arrive $0xFFFF;
	s2 =	simm.s32 @!p0 $0x1C03  }
0x193: {  	[timem:s3], [sflag:s2] =	dma.local @!p0 [hbm:s0], s1  }
0x194: {  	s0 =	simm.s32 @!p0 $0x3  }
0x195: {  	_ =	swait.ge @!p0 [sflag:s0], s1  }
0x196: {  	s1 =	ssub.s32 @!p0 $0x0, s1;
	[sflag:s0] =	ssyncset.done @!p0 $0x0  }
0x197: {  	[sflag:s0] =	ssyncadd.s32 @!p0 s1  }
0x198: {  	[bflag:$0x3] =	sbarrier.arrive $0xFFFF  }
0x199: {  	_ =	shalt  }

</sc_bundles>
